<compile_context>
chip_gen: v7x
topology: tpu7x:2x2x1
jax: 0.10.2.dev20260603
libtpu: 0.0.44.dev20260713+nightly
codegen_flags: <defaults>
</compile_context>

<pallas_src>
import functools

import jax
import jax.numpy as jnp
from jax import lax
from jax.experimental import pallas as pl
from jax.experimental.pallas import tpu as pltpu
from jax.experimental.pallas import tpu_sc as plsc

_BT = 4096
_H = 200
_D = 64
_TPAD = 137


def _build(BT, H, D):
    info = plsc.get_sparse_core_info()
    NC, NS, L = info.num_cores, info.num_subcores, info.num_lanes
    NW = NC * NS
    BBLK = BT // NW
    NBUF = 4
    NOUT = H // NBUF
    NCH = D // L

    mesh = plsc.VectorSubcoreMesh(core_axis_name="c", subcore_axis_name="s")

    @functools.partial(
        pl.kernel,
        out_type=jax.ShapeDtypeStruct((H, D // 8, NW, 8, BBLK), jnp.float32),
        mesh=mesh,
        scratch_types=[
            pltpu.VMEM((H, BBLK), jnp.int32),
            pltpu.VMEM((NBUF, BBLK, D), jnp.float32),
            pltpu.VMEM((NBUF, D // 8, 8, _TPAD), jnp.float32),
            pltpu.SemaphoreType.DMA((NBUF,)),
            pltpu.SemaphoreType.DMA((NBUF,)),
        ],
        compiler_params=pltpu.CompilerParams(
            use_tc_tiling_on_sc=False, needs_layout_passes=False
        ),
    )
    def gather_kernel(xt_hbm, table_hbm, out_hbm, idx_v, gbuf, tbuf, gsem, ssem):
        wid = lax.axis_index("s") * NC + lax.axis_index("c")
        b0 = wid * BBLK

        pltpu.sync_copy(xt_hbm.at[:, pl.ds(b0, BBLK)], idx_v)

        iota = lax.iota(jnp.int32, L)
        ivecs = [(iota + c * L) >> 3 for c in range(NCH)]
        dvecs = [(iota + c * L) & 7 for c in range(NCH)]

        def gather_h(h, s):
            pltpu.async_copy(table_hbm.at[idx_v.at[h]], gbuf.at[s], gsem.at[s])

        def wait_gather(s):
            pltpu.make_async_copy(
                table_hbm.at[idx_v.at[0]], gbuf.at[s], gsem.at[s]
            ).wait()

        def store_h(h, s):
            pltpu.async_copy(
                tbuf.at[s, :, :, pl.ds(0, BBLK)],
                out_hbm.at[h, :, wid],
                ssem.at[s],
            )

        def wait_store(s):
            pltpu.make_async_copy(
                tbuf.at[s, :, :, pl.ds(0, BBLK)],
                out_hbm.at[0, :, wid],
                ssem.at[s],
            ).wait()

        def transpose_block(s):
            @plsc.parallel_loop(0, BBLK, unroll=8)
            def bloop(bp):
                col = jnp.full((L,), bp, jnp.int32)
                for c in range(NCH):
                    vals = gbuf[s, bp, pl.ds(c * L, L)]
                    plsc.store_scatter(
                        tbuf.at[s], [ivecs[c], dvecs[c], col], vals
                    )

        for s in range(NBUF):
            gather_h(s, s)

        def outer(o, carry):
            for s in range(NBUF):
                h = o * NBUF + s
                wait_gather(s)

                @pl.when(h >= NBUF)
                def _():
                    wait_store(s)

                transpose_block(s)

                @pl.when(h + NBUF < H)
                def _():
                    gather_h(h + NBUF, s)

                store_h(h, s)
            return carry

        lax.fori_loop(0, NOUT, outer, 0)

        for s in range(NBUF):
            wait_store(s)

    return gather_kernel


_gather = _build(_BT, _H, _D)


@jax.jit
def kernel(x, table):
    out5 = _gather(x.T, table)
    t = jnp.transpose(out5, (0, 1, 3, 2, 4))
    t = t.reshape(_H, _D, _BT)
    return jnp.transpose(t, (2, 0, 1))

# --- scband reference (transcript-rebuilt; emitter-appended) ---
"""Pipeline reference for scband-pretrained-embedding-43508018708837 (READ-ONLY COPY).

The authoritative reference and input builder live on the scoring server;
editing this copy changes nothing except your own understanding.
"""

import jax, jax.numpy as jnp
import numpy as np

VOCAB = 100000
EMBED_DIM = 64
BATCH = 4096
HIST = 200


def setup_inputs(seed: int = 0) -> dict:
    key = jax.random.key(seed)
    k_idx, k_tab = jax.random.split(key)
    x = jax.random.randint(k_idx, (BATCH, HIST), 0, VOCAB, dtype=jnp.int32)
    # pretrained word-vector table (wv.vectors equivalent)
    table = jax.random.normal(k_tab, (VOCAB, EMBED_DIM), dtype=jnp.float32)
    return {"x": x, "table": table}


def reference(x, table):
    # nn.Embedding.from_pretrained(wv.vectors)(x) == row gather from the table
    return jnp.take(table, x, axis=0)

if __name__ == "__main__":
    import jax
    _d = setup_inputs()
    print(jax.jit(kernel)(*tuple(_d.values())))

</pallas_src>

<mosaic_0001>
#map = affine_map<(d0, d1) -> (0, 0)>
#map1 = affine_map<(d0, d1) -> (0, 0, 0, 0, 0)>
module attributes {stable_mosaic.version = 14 : i64} {
  func.func @gather_kernel(%arg0: i32, %arg1: i32, %arg2: memref<200x4096xi32, #tpu.memory_space<hbm>>, %arg3: memref<100000x64xf32, #tpu.memory_space<hbm>>, %arg4: memref<200x8x32x8x128xf32, #tpu.memory_space<hbm>>, %arg5: memref<200x128xi32, #tpu.memory_space<vmem>>, %arg6: memref<4x128x64xf32, #tpu.memory_space<vmem>>, %arg7: memref<4x8x8x137xf32, #tpu.memory_space<vmem>>, %arg8: memref<4x!tpu.dma_semaphore, #tpu.memory_space<semaphore_mem>>, %arg9: memref<4x!tpu.dma_semaphore, #tpu.memory_space<semaphore_mem>>) attributes {dimension_semantics = [#tpu.dimension_semantics<core_parallel>, #tpu.dimension_semantics<subcore_parallel>], iteration_bounds = array<i64: 2, 16>, scalar_prefetch = 0 : i64, scratch_operands = 5 : i64, tpu.core_type = #tpu.core_type<sc_vector_subcore>, window_params = [{transform_indices = #map}, {transform_indices = #map}, {transform_indices = #map1}]} {
    %mul3A = arith.constant 2 : i32
    %mul3A_0 = arith.muli %arg1, %mul3A : i32
    %add3A = arith.addi %mul3A_0, %arg0 : i32
    %mul3A_1 = arith.constant 128 : i32
    %mul3A_2 = arith.muli %add3A, %mul3A_1 : i32
    "tpu.region"() ({
      %run_scoped3A = tpu.sem_alloc : memref<!tpu.dma_semaphore, #tpu.memory_space<semaphore_mem>>
      %dma_start3A_212 = arith.constant 0 : i32
      %dma_start3A_213 = tpu.memref_slice %arg2[%dma_start3A_212, %mul3A_2] : memref<200x4096xi32, #tpu.memory_space<hbm>> -> memref<200x128xi32, #tpu.memory_space<hbm>>
      %dma_start3A_214 = arith.constant 0 : i32
      %dma_start3A_215 = tpu.memref_slice %arg2[%dma_start3A_214, %mul3A_2] : memref<200x4096xi32, #tpu.memory_space<hbm>> -> memref<200x128xi32, #tpu.memory_space<hbm>>
      tpu.enqueue_dma source(%dma_start3A_215 : memref<200x128xi32, #tpu.memory_space<hbm>>) target(%arg5 : memref<200x128xi32, #tpu.memory_space<vmem>>) target_semaphore(%run_scoped3A : memref<!tpu.dma_semaphore, #tpu.memory_space<semaphore_mem>>)
      %dma_wait3A_216 = arith.constant 0 : i32
      %dma_wait3A_217 = tpu.memref_slice %arg2[%dma_wait3A_216, %mul3A_2] : memref<200x4096xi32, #tpu.memory_space<hbm>> -> memref<200x128xi32, #tpu.memory_space<hbm>>
      %dma_wait3A_218 = arith.constant 0 : i32
      %dma_wait3A_219 = tpu.memref_slice %arg2[%dma_wait3A_218, %mul3A_2] : memref<200x4096xi32, #tpu.memory_space<hbm>> -> memref<200x128xi32, #tpu.memory_space<hbm>>
      tpu.wait_dma2 semaphore(%run_scoped3A : memref<!tpu.dma_semaphore, #tpu.memory_space<semaphore_mem>>) src(%dma_wait3A_219 : memref<200x128xi32, #tpu.memory_space<hbm>>) dst(%arg5 : memref<200x128xi32, #tpu.memory_space<vmem>>)
      tpu.yield
    }) : () -> ()
    %iota3A = tpu.iota {dimensions = array<i32: 0>} : vector<16xi32>
    %add3A_3 = arith.constant 0 : i32
    %add3A_4 = vector.broadcast %add3A_3 : i32 to vector<16xi32>
    %add3A_5 = arith.addi %iota3A, %add3A_4 : vector<16xi32>
    %shift_right_arithmetic3A = arith.constant 3 : i32
    %shift_right_arithmetic3A_6 = vector.broadcast %shift_right_arithmetic3A : i32 to vector<16xi32>
    %shift_right_arithmetic3A_7 = arith.shrsi %add3A_5, %shift_right_arithmetic3A_6 : vector<16xi32>
    %add3A_8 = arith.constant 16 : i32
    %add3A_9 = vector.broadcast %add3A_8 : i32 to vector<16xi32>
    %add3A_10 = arith.addi %iota3A, %add3A_9 : vector<16xi32>
    %shift_right_arithmetic3A_11 = arith.constant 3 : i32
    %shift_right_arithmetic3A_12 = vector.broadcast %shift_right_arithmetic3A_11 : i32 to vector<16xi32>
    %shift_right_arithmetic3A_13 = arith.shrsi %add3A_10, %shift_right_arithmetic3A_12 : vector<16xi32>
    %add3A_14 = arith.constant 32 : i32
    %add3A_15 = vector.broadcast %add3A_14 : i32 to vector<16xi32>
    %add3A_16 = arith.addi %iota3A, %add3A_15 : vector<16xi32>
    %shift_right_arithmetic3A_17 = arith.constant 3 : i32
    %shift_right_arithmetic3A_18 = vector.broadcast %shift_right_arithmetic3A_17 : i32 to vector<16xi32>
    %shift_right_arithmetic3A_19 = arith.shrsi %add3A_16, %shift_right_arithmetic3A_18 : vector<16xi32>
    %add3A_20 = arith.constant 48 : i32
    %add3A_21 = vector.broadcast %add3A_20 : i32 to vector<16xi32>
    %add3A_22 = arith.addi %iota3A, %add3A_21 : vector<16xi32>
    %shift_right_arithmetic3A_23 = arith.constant 3 : i32
    %shift_right_arithmetic3A_24 = vector.broadcast %shift_right_arithmetic3A_23 : i32 to vector<16xi32>
    %shift_right_arithmetic3A_25 = arith.shrsi %add3A_22, %shift_right_arithmetic3A_24 : vector<16xi32>
    %add3A_26 = arith.constant 0 : i32
    %add3A_27 = vector.broadcast %add3A_26 : i32 to vector<16xi32>
    %add3A_28 = arith.addi %iota3A, %add3A_27 : vector<16xi32>
    %and3A = arith.constant 7 : i32
    %and3A_29 = vector.broadcast %and3A : i32 to vector<16xi32>
    %and3A_30 = arith.andi %add3A_28, %and3A_29 : vector<16xi32>
    %add3A_31 = arith.constant 16 : i32
    %add3A_32 = vector.broadcast %add3A_31 : i32 to vector<16xi32>
    %add3A_33 = arith.addi %iota3A, %add3A_32 : vector<16xi32>
    %and3A_34 = arith.constant 7 : i32
    %and3A_35 = vector.broadcast %and3A_34 : i32 to vector<16xi32>
    %and3A_36 = arith.andi %add3A_33, %and3A_35 : vector<16xi32>
    %add3A_37 = arith.constant 32 : i32
    %add3A_38 = vector.broadcast %add3A_37 : i32 to vector<16xi32>
    %add3A_39 = arith.addi %iota3A, %add3A_38 : vector<16xi32>
    %and3A_40 = arith.constant 7 : i32
    %and3A_41 = vector.broadcast %and3A_40 : i32 to vector<16xi32>
    %and3A_42 = arith.andi %add3A_39, %and3A_41 : vector<16xi32>
    %add3A_43 = arith.constant 48 : i32
    %add3A_44 = vector.broadcast %add3A_43 : i32 to vector<16xi32>
    %add3A_45 = arith.addi %iota3A, %add3A_44 : vector<16xi32>
    %and3A_46 = arith.constant 7 : i32
    %and3A_47 = vector.broadcast %and3A_46 : i32 to vector<16xi32>
    %and3A_48 = arith.andi %add3A_45, %and3A_47 : vector<16xi32>
    %dma_start3A = arith.constant 0 : i32
    %dma_start3A_49 = arith.constant 0 : i32
    %dma_start3A_50 = arith.constant 0 : i32
    %dma_start3A_51 = arith.constant 0 : i32
    %dma_start3A_52 = arith.constant 0 : i32
    %dma_start3A_53 = tpu.memref_slice %arg6[%dma_start3A_49, %dma_start3A_51, %dma_start3A_52] : memref<4x128x64xf32, #tpu.memory_space<vmem>> -> memref<1x128x64xf32, #tpu.memory_space<vmem>>
    %dma_start3A_54 = tpu.memref_squeeze %dma_start3A_53 : memref<1x128x64xf32, #tpu.memory_space<vmem>> -> memref<128x64xf32, #tpu.memory_space<vmem>>
    %dma_start3A_55 = arith.constant 0 : i32
    %dma_start3A_56 = tpu.memref_slice %arg5[%dma_start3A, %dma_start3A_55] : memref<200x128xi32, #tpu.memory_space<vmem>> -> memref<1x128xi32, #tpu.memory_space<vmem>>
    %dma_start3A_57 = tpu.memref_squeeze %dma_start3A_56 : memref<1x128xi32, #tpu.memory_space<vmem>> -> memref<128xi32, #tpu.memory_space<vmem>>
    %dma_start3A_58 = arith.constant 0 : i32
    %dma_start3A_59 = arith.constant 0 : i32
    %dma_start3A_60 = tpu.memref_slice %arg3[%dma_start3A_58, %dma_start3A_59] : memref<100000x64xf32, #tpu.memory_space<hbm>> -> memref<100000x64xf32, #tpu.memory_space<hbm>>
    %dma_start3A_61 = tpu.memref_slice %arg8[%dma_start3A_50] : memref<4x!tpu.dma_semaphore, #tpu.memory_space<semaphore_mem>> -> memref<1x!tpu.dma_semaphore, #tpu.memory_space<semaphore_mem>>
    %dma_start3A_62 = tpu.memref_squeeze %dma_start3A_61 : memref<1x!tpu.dma_semaphore, #tpu.memory_space<semaphore_mem>> -> memref<!tpu.dma_semaphore, #tpu.memory_space<semaphore_mem>>
    tpu.enqueue_indirect_dma source(%dma_start3A_60 : memref<100000x64xf32, #tpu.memory_space<hbm>>) target(%dma_start3A_54 : memref<128x64xf32, #tpu.memory_space<vmem>>) offsets(%dma_start3A_57 : memref<128xi32, #tpu.memory_space<vmem>>) semaphore(%dma_start3A_62 : memref<!tpu.dma_semaphore, #tpu.memory_space<semaphore_mem>>)
    %dma_start3A_63 = arith.constant 1 : i32
    %dma_start3A_64 = arith.constant 1 : i32
    %dma_start3A_65 = arith.constant 1 : i32
    %dma_start3A_66 = arith.constant 0 : i32
    %dma_start3A_67 = arith.constant 0 : i32
    %dma_start3A_68 = tpu.memref_slice %arg6[%dma_start3A_64, %dma_start3A_66, %dma_start3A_67] : memref<4x128x64xf32, #tpu.memory_space<vmem>> -> memref<1x128x64xf32, #tpu.memory_space<vmem>>
    %dma_start3A_69 = tpu.memref_squeeze %dma_start3A_68 : memref<1x128x64xf32, #tpu.memory_space<vmem>> -> memref<128x64xf32, #tpu.memory_space<vmem>>
    %dma_start3A_70 = arith.constant 0 : i32
    %dma_start3A_71 = tpu.memref_slice %arg5[%dma_start3A_63, %dma_start3A_70] : memref<200x128xi32, #tpu.memory_space<vmem>> -> memref<1x128xi32, #tpu.memory_space<vmem>>
    %dma_start3A_72 = tpu.memref_squeeze %dma_start3A_71 : memref<1x128xi32, #tpu.memory_space<vmem>> -> memref<128xi32, #tpu.memory_space<vmem>>
    %dma_start3A_73 = arith.constant 0 : i32
    %dma_start3A_74 = arith.constant 0 : i32
    %dma_start3A_75 = tpu.memref_slice %arg3[%dma_start3A_73, %dma_start3A_74] : memref<100000x64xf32, #tpu.memory_space<hbm>> -> memref<100000x64xf32, #tpu.memory_space<hbm>>
    %dma_start3A_76 = tpu.memref_slice %arg8[%dma_start3A_65] : memref<4x!tpu.dma_semaphore, #tpu.memory_space<semaphore_mem>> -> memref<1x!tpu.dma_semaphore, #tpu.memory_space<semaphore_mem>>
    %dma_start3A_77 = tpu.memref_squeeze %dma_start3A_76 : memref<1x!tpu.dma_semaphore, #tpu.memory_space<semaphore_mem>> -> memref<!tpu.dma_semaphore, #tpu.memory_space<semaphore_mem>>
    tpu.enqueue_indirect_dma source(%dma_start3A_75 : memref<100000x64xf32, #tpu.memory_space<hbm>>) target(%dma_start3A_69 : memref<128x64xf32, #tpu.memory_space<vmem>>) offsets(%dma_start3A_72 : memref<128xi32, #tpu.memory_space<vmem>>) semaphore(%dma_start3A_77 : memref<!tpu.dma_semaphore, #tpu.memory_space<semaphore_mem>>)
    %dma_start3A_78 = arith.constant 2 : i32
    %dma_start3A_79 = arith.constant 2 : i32
    %dma_start3A_80 = arith.constant 2 : i32
    %dma_start3A_81 = arith.constant 0 : i32
    %dma_start3A_82 = arith.constant 0 : i32
    %dma_start3A_83 = tpu.memref_slice %arg6[%dma_start3A_79, %dma_start3A_81, %dma_start3A_82] : memref<4x128x64xf32, #tpu.memory_space<vmem>> -> memref<1x128x64xf32, #tpu.memory_space<vmem>>
    %dma_start3A_84 = tpu.memref_squeeze %dma_start3A_83 : memref<1x128x64xf32, #tpu.memory_space<vmem>> -> memref<128x64xf32, #tpu.memory_space<vmem>>
    %dma_start3A_85 = arith.constant 0 : i32
    %dma_start3A_86 = tpu.memref_slice %arg5[%dma_start3A_78, %dma_start3A_85] : memref<200x128xi32, #tpu.memory_space<vmem>> -> memref<1x128xi32, #tpu.memory_space<vmem>>
    %dma_start3A_87 = tpu.memref_squeeze %dma_start3A_86 : memref<1x128xi32, #tpu.memory_space<vmem>> -> memref<128xi32, #tpu.memory_space<vmem>>
    %dma_start3A_88 = arith.constant 0 : i32
    %dma_start3A_89 = arith.constant 0 : i32
    %dma_start3A_90 = tpu.memref_slice %arg3[%dma_start3A_88, %dma_start3A_89] : memref<100000x64xf32, #tpu.memory_space<hbm>> -> memref<100000x64xf32, #tpu.memory_space<hbm>>
    %dma_start3A_91 = tpu.memref_slice %arg8[%dma_start3A_80] : memref<4x!tpu.dma_semaphore, #tpu.memory_space<semaphore_mem>> -> memref<1x!tpu.dma_semaphore, #tpu.memory_space<semaphore_mem>>
    %dma_start3A_92 = tpu.memref_squeeze %dma_start3A_91 : memref<1x!tpu.dma_semaphore, #tpu.memory_space<semaphore_mem>> -> memref<!tpu.dma_semaphore, #tpu.memory_space<semaphore_mem>>
    tpu.enqueue_indirect_dma source(%dma_start3A_90 : memref<100000x64xf32, #tpu.memory_space<hbm>>) target(%dma_start3A_84 : memref<128x64xf32, #tpu.memory_space<vmem>>) offsets(%dma_start3A_87 : memref<128xi32, #tpu.memory_space<vmem>>) semaphore(%dma_start3A_92 : memref<!tpu.dma_semaphore, #tpu.memory_space<semaphore_mem>>)
    %dma_start3A_93 = arith.constant 3 : i32
    %dma_start3A_94 = arith.constant 3 : i32
    %dma_start3A_95 = arith.constant 3 : i32
    %dma_start3A_96 = arith.constant 0 : i32
    %dma_start3A_97 = arith.constant 0 : i32
    %dma_start3A_98 = tpu.memref_slice %arg6[%dma_start3A_94, %dma_start3A_96, %dma_start3A_97] : memref<4x128x64xf32, #tpu.memory_space<vmem>> -> memref<1x128x64xf32, #tpu.memory_space<vmem>>
    %dma_start3A_99 = tpu.memref_squeeze %dma_start3A_98 : memref<1x128x64xf32, #tpu.memory_space<vmem>> -> memref<128x64xf32, #tpu.memory_space<vmem>>
    %dma_start3A_100 = arith.constant 0 : i32
    %dma_start3A_101 = tpu.memref_slice %arg5[%dma_start3A_93, %dma_start3A_100] : memref<200x128xi32, #tpu.memory_space<vmem>> -> memref<1x128xi32, #tpu.memory_space<vmem>>
    %dma_start3A_102 = tpu.memref_squeeze %dma_start3A_101 : memref<1x128xi32, #tpu.memory_space<vmem>> -> memref<128xi32, #tpu.memory_space<vmem>>
    %dma_start3A_103 = arith.constant 0 : i32
    %dma_start3A_104 = arith.constant 0 : i32
    %dma_start3A_105 = tpu.memref_slice %arg3[%dma_start3A_103, %dma_start3A_104] : memref<100000x64xf32, #tpu.memory_space<hbm>> -> memref<100000x64xf32, #tpu.memory_space<hbm>>
    %dma_start3A_106 = tpu.memref_slice %arg8[%dma_start3A_95] : memref<4x!tpu.dma_semaphore, #tpu.memory_space<semaphore_mem>> -> memref<1x!tpu.dma_semaphore, #tpu.memory_space<semaphore_mem>>
    %dma_start3A_107 = tpu.memref_squeeze %dma_start3A_106 : memref<1x!tpu.dma_semaphore, #tpu.memory_space<semaphore_mem>> -> memref<!tpu.dma_semaphore, #tpu.memory_space<semaphore_mem>>
    tpu.enqueue_indirect_dma source(%dma_start3A_105 : memref<100000x64xf32, #tpu.memory_space<hbm>>) target(%dma_start3A_99 : memref<128x64xf32, #tpu.memory_space<vmem>>) offsets(%dma_start3A_102 : memref<128xi32, #tpu.memory_space<vmem>>) semaphore(%dma_start3A_107 : memref<!tpu.dma_semaphore, #tpu.memory_space<semaphore_mem>>)
    %scan3A = arith.constant 0 : i32
    %scan3A_108 = arith.constant 0 : i32
    %scan3A_109 = arith.constant 50 : i32
    %scan3A_110 = arith.addi %scan3A_108, %scan3A_109 : i32
    %scan3A_111 = arith.constant 1 : i32
    scf.for %scan3A_212 = %scan3A_108 to %scan3A_110 step %scan3A_111  : i32 {
      %mul3A_213 = arith.constant 4 : i32
      %mul3A_214 = arith.muli %scan3A_212, %mul3A_213 : i32
      %add3A_215 = arith.constant 0 : i32
      %add3A_216 = arith.addi %mul3A_214, %add3A_215 : i32
      %dma_wait3A_217 = arith.constant 0 : i32
      %dma_wait3A_218 = arith.constant 0 : i32
      %dma_wait3A_219 = arith.constant 0 : i32
      %dma_wait3A_220 = arith.constant 0 : i32
      %dma_wait3A_221 = arith.constant 0 : i32
      %dma_wait3A_222 = tpu.memref_slice %arg6[%dma_wait3A_218, %dma_wait3A_220, %dma_wait3A_221] : memref<4x128x64xf32, #tpu.memory_space<vmem>> -> memref<1x128x64xf32, #tpu.memory_space<vmem>>
      %dma_wait3A_223 = tpu.memref_squeeze %dma_wait3A_222 : memref<1x128x64xf32, #tpu.memory_space<vmem>> -> memref<128x64xf32, #tpu.memory_space<vmem>>
      %dma_wait3A_224 = arith.constant 0 : i32
      %dma_wait3A_225 = tpu.memref_slice %arg5[%dma_wait3A_217, %dma_wait3A_224] : memref<200x128xi32, #tpu.memory_space<vmem>> -> memref<1x128xi32, #tpu.memory_space<vmem>>
      %dma_wait3A_226 = tpu.memref_squeeze %dma_wait3A_225 : memref<1x128xi32, #tpu.memory_space<vmem>> -> memref<128xi32, #tpu.memory_space<vmem>>
      %dma_wait3A_227 = arith.constant 0 : i32
      %dma_wait3A_228 = arith.constant 0 : i32
      %dma_wait3A_229 = tpu.memref_slice %arg3[%dma_wait3A_227, %dma_wait3A_228] : memref<100000x64xf32, #tpu.memory_space<hbm>> -> memref<100000x64xf32, #tpu.memory_space<hbm>>
      %dma_wait3A_230 = tpu.memref_slice %arg8[%dma_wait3A_219] : memref<4x!tpu.dma_semaphore, #tpu.memory_space<semaphore_mem>> -> memref<1x!tpu.dma_semaphore, #tpu.memory_space<semaphore_mem>>
      %dma_wait3A_231 = tpu.memref_squeeze %dma_wait3A_230 : memref<1x!tpu.dma_semaphore, #tpu.memory_space<semaphore_mem>> -> memref<!tpu.dma_semaphore, #tpu.memory_space<semaphore_mem>>
      tpu.wait_indirect_dma semaphore(%dma_wait3A_231 : memref<!tpu.dma_semaphore, #tpu.memory_space<semaphore_mem>>) src(%dma_wait3A_229 : memref<100000x64xf32, #tpu.memory_space<hbm>>) dst(%dma_wait3A_223 : memref<128x64xf32, #tpu.memory_space<vmem>>)
      %ge3A = arith.constant 4 : i32
      %ge3A_232 = arith.cmpi sge, %add3A_216, %ge3A : i32
      %convert_element_type3A = arith.extui %ge3A_232 : i1 to i32
      %cond3A = arith.constant 0 : i32
      %cond3A_233 = arith.cmpi ne, %convert_element_type3A, %cond3A : i32
      scf.if %cond3A_233 {
        %dma_wait3A_440 = arith.constant 0 : i32
        %dma_wait3A_441 = arith.constant 0 : i32
        %dma_wait3A_442 = arith.constant 0 : i32
        %dma_wait3A_443 = arith.constant 0 : i32
        %dma_wait3A_444 = arith.constant 0 : i32
        %dma_wait3A_445 = arith.constant 0 : i32
        %dma_wait3A_446 = tpu.memref_slice %arg7[%dma_wait3A_440, %dma_wait3A_443, %dma_wait3A_444, %dma_wait3A_445] : memref<4x8x8x137xf32, #tpu.memory_space<vmem>> -> memref<1x8x8x128xf32, #tpu.memory_space<vmem>>
        %dma_wait3A_447 = tpu.memref_squeeze %dma_wait3A_446 : memref<1x8x8x128xf32, #tpu.memory_space<vmem>> -> memref<8x8x128xf32, #tpu.memory_space<vmem>>
        %dma_wait3A_448 = arith.constant 0 : i32
        %dma_wait3A_449 = arith.constant 0 : i32
        %dma_wait3A_450 = arith.constant 0 : i32
        %dma_wait3A_451 = tpu.memref_slice %arg4[%dma_wait3A_441, %dma_wait3A_448, %add3A, %dma_wait3A_449, %dma_wait3A_450] : memref<200x8x32x8x128xf32, #tpu.memory_space<hbm>> -> memref<1x8x1x8x128xf32, #tpu.memory_space<hbm>>
        %dma_wait3A_452 = tpu.memref_squeeze %dma_wait3A_451 : memref<1x8x1x8x128xf32, #tpu.memory_space<hbm>> -> memref<8x8x128xf32, #tpu.memory_space<hbm>>
        %dma_wait3A_453 = tpu.memref_slice %arg9[%dma_wait3A_442] : memref<4x!tpu.dma_semaphore, #tpu.memory_space<semaphore_mem>> -> memref<1x!tpu.dma_semaphore, #tpu.memory_space<semaphore_mem>>
        %dma_wait3A_454 = tpu.memref_squeeze %dma_wait3A_453 : memref<1x!tpu.dma_semaphore, #tpu.memory_space<semaphore_mem>> -> memref<!tpu.dma_semaphore, #tpu.memory_space<semaphore_mem>>
        %dma_wait3A_455 = arith.constant 0 : i32
        %dma_wait3A_456 = arith.constant 0 : i32
        %dma_wait3A_457 = arith.constant 0 : i32
        %dma_wait3A_458 = tpu.memref_slice %arg4[%dma_wait3A_441, %dma_wait3A_455, %add3A, %dma_wait3A_456, %dma_wait3A_457] : memref<200x8x32x8x128xf32, #tpu.memory_space<hbm>> -> memref<1x8x1x8x128xf32, #tpu.memory_space<hbm>>
        %dma_wait3A_459 = tpu.memref_squeeze %dma_wait3A_458 : memref<1x8x1x8x128xf32, #tpu.memory_space<hbm>> -> memref<8x8x128xf32, #tpu.memory_space<hbm>>
        %dma_wait3A_460 = arith.constant 0 : i32
        %dma_wait3A_461 = arith.constant 0 : i32
        %dma_wait3A_462 = arith.constant 0 : i32
        %dma_wait3A_463 = tpu.memref_slice %arg7[%dma_wait3A_440, %dma_wait3A_460, %dma_wait3A_461, %dma_wait3A_462] : memref<4x8x8x137xf32, #tpu.memory_space<vmem>> -> memref<1x8x8x128xf32, #tpu.memory_space<vmem>>
        %dma_wait3A_464 = tpu.memref_squeeze %dma_wait3A_463 : memref<1x8x8x128xf32, #tpu.memory_space<vmem>> -> memref<8x8x128xf32, #tpu.memory_space<vmem>>
        tpu.wait_dma2 semaphore(%dma_wait3A_454 : memref<!tpu.dma_semaphore, #tpu.memory_space<semaphore_mem>>) src(%dma_wait3A_464 : memref<8x8x128xf32, #tpu.memory_space<vmem>>) dst(%dma_wait3A_459 : memref<8x8x128xf32, #tpu.memory_space<hbm>>)
      } else {
      }
      %parallel_loop3A = arith.constant 0 : i32
      %parallel_loop3A_234 = arith.constant 128 : i32
      %parallel_loop3A_235 = arith.constant 1 : i32
      scf.for %parallel_loop3A_440 = %parallel_loop3A to %parallel_loop3A_234 step %parallel_loop3A_235  : i32 {
        %parallel_loop3A_441 = vector.broadcast %parallel_loop3A_440 : i32 to vector<16xi32>
        %parallel_loop3A_442 = arith.constant 0 : i32
        %parallel_loop3A_443 = arith.index_cast %parallel_loop3A_442 : i32 to index
        %parallel_loop3A_444 = arith.index_cast %parallel_loop3A_440 : i32 to index
        %parallel_loop3A_445 = arith.constant 0 : index
        %parallel_loop3A_446 = tpu.vector_load %arg6[%parallel_loop3A_443, %parallel_loop3A_444, %parallel_loop3A_445] {strides = array<i32>} : memref<4x128x64xf32, #tpu.memory_space<vmem>>, vector<16xf32>,
        %parallel_loop3A_447 = arith.constant 0 : i32
        %parallel_loop3A_448 = arith.constant 0 : i32
        %parallel_loop3A_449 = arith.constant 0 : i32
        %parallel_loop3A_450 = arith.constant 0 : i32
        %parallel_loop3A_451 = tpu.memref_slice %arg7[%parallel_loop3A_447, %parallel_loop3A_448, %parallel_loop3A_449, %parallel_loop3A_450] : memref<4x8x8x137xf32, #tpu.memory_space<vmem>> -> memref<1x8x8x137xf32, #tpu.memory_space<vmem>>
        %parallel_loop3A_452 = tpu.memref_squeeze %parallel_loop3A_451 : memref<1x8x8x137xf32, #tpu.memory_space<vmem>> -> memref<8x8x137xf32, #tpu.memory_space<vmem>>
        tpu.vector_store_idx %parallel_loop3A_452[%shift_right_arithmetic3A_7, %and3A_30, %parallel_loop3A_441], %parallel_loop3A_446 : memref<8x8x137xf32, #tpu.memory_space<vmem>>[vector<16xi32>, vector<16xi32>, vector<16xi32>], vector<16xf32>,
        %parallel_loop3A_453 = arith.constant 0 : i32
        %parallel_loop3A_454 = arith.index_cast %parallel_loop3A_453 : i32 to index
        %parallel_loop3A_455 = arith.index_cast %parallel_loop3A_440 : i32 to index
        %parallel_loop3A_456 = arith.constant 16 : index
        %parallel_loop3A_457 = tpu.vector_load %arg6[%parallel_loop3A_454, %parallel_loop3A_455, %parallel_loop3A_456] {strides = array<i32>} : memref<4x128x64xf32, #tpu.memory_space<vmem>>, vector<16xf32>,
        %parallel_loop3A_458 = arith.constant 0 : i32
        %parallel_loop3A_459 = arith.constant 0 : i32
        %parallel_loop3A_460 = arith.constant 0 : i32
        %parallel_loop3A_461 = arith.constant 0 : i32
        %parallel_loop3A_462 = tpu.memref_slice %arg7[%parallel_loop3A_458, %parallel_loop3A_459, %parallel_loop3A_460, %parallel_loop3A_461] : memref<4x8x8x137xf32, #tpu.memory_space<vmem>> -> memref<1x8x8x137xf32, #tpu.memory_space<vmem>>
        %parallel_loop3A_463 = tpu.memref_squeeze %parallel_loop3A_462 : memref<1x8x8x137xf32, #tpu.memory_space<vmem>> -> memref<8x8x137xf32, #tpu.memory_space<vmem>>
        tpu.vector_store_idx %parallel_loop3A_463[%shift_right_arithmetic3A_13, %and3A_36, %parallel_loop3A_441], %parallel_loop3A_457 : memref<8x8x137xf32, #tpu.memory_space<vmem>>[vector<16xi32>, vector<16xi32>, vector<16xi32>], vector<16xf32>,
        %parallel_loop3A_464 = arith.constant 0 : i32
        %parallel_loop3A_465 = arith.index_cast %parallel_loop3A_464 : i32 to index
        %parallel_loop3A_466 = arith.index_cast %parallel_loop3A_440 : i32 to index
        %parallel_loop3A_467 = arith.constant 32 : index
        %parallel_loop3A_468 = tpu.vector_load %arg6[%parallel_loop3A_465, %parallel_loop3A_466, %parallel_loop3A_467] {strides = array<i32>} : memref<4x128x64xf32, #tpu.memory_space<vmem>>, vector<16xf32>,
        %parallel_loop3A_469 = arith.constant 0 : i32
        %parallel_loop3A_470 = arith.constant 0 : i32
        %parallel_loop3A_471 = arith.constant 0 : i32
        %parallel_loop3A_472 = arith.constant 0 : i32
        %parallel_loop3A_473 = tpu.memref_slice %arg7[%parallel_loop3A_469, %parallel_loop3A_470, %parallel_loop3A_471, %parallel_loop3A_472] : memref<4x8x8x137xf32, #tpu.memory_space<vmem>> -> memref<1x8x8x137xf32, #tpu.memory_space<vmem>>
        %parallel_loop3A_474 = tpu.memref_squeeze %parallel_loop3A_473 : memref<1x8x8x137xf32, #tpu.memory_space<vmem>> -> memref<8x8x137xf32, #tpu.memory_space<vmem>>
        tpu.vector_store_idx %parallel_loop3A_474[%shift_right_arithmetic3A_19, %and3A_42, %parallel_loop3A_441], %parallel_loop3A_468 : memref<8x8x137xf32, #tpu.memory_space<vmem>>[vector<16xi32>, vector<16xi32>, vector<16xi32>], vector<16xf32>,
        %parallel_loop3A_475 = arith.constant 0 : i32
        %parallel_loop3A_476 = arith.index_cast %parallel_loop3A_475 : i32 to index
        %parallel_loop3A_477 = arith.index_cast %parallel_loop3A_440 : i32 to index
        %parallel_loop3A_478 = arith.constant 48 : index
        %parallel_loop3A_479 = tpu.vector_load %arg6[%parallel_loop3A_476, %parallel_loop3A_477, %parallel_loop3A_478] {strides = array<i32>} : memref<4x128x64xf32, #tpu.memory_space<vmem>>, vector<16xf32>,
        %parallel_loop3A_480 = arith.constant 0 : i32
        %parallel_loop3A_481 = arith.constant 0 : i32
        %parallel_loop3A_482 = arith.constant 0 : i32
        %parallel_loop3A_483 = arith.constant 0 : i32
        %parallel_loop3A_484 = tpu.memref_slice %arg7[%parallel_loop3A_480, %parallel_loop3A_481, %parallel_loop3A_482, %parallel_loop3A_483] : memref<4x8x8x137xf32, #tpu.memory_space<vmem>> -> memref<1x8x8x137xf32, #tpu.memory_space<vmem>>
        %parallel_loop3A_485 = tpu.memref_squeeze %parallel_loop3A_484 : memref<1x8x8x137xf32, #tpu.memory_space<vmem>> -> memref<8x8x137xf32, #tpu.memory_space<vmem>>
        tpu.vector_store_idx %parallel_loop3A_485[%shift_right_arithmetic3A_25, %and3A_48, %parallel_loop3A_441], %parallel_loop3A_479 : memref<8x8x137xf32, #tpu.memory_space<vmem>>[vector<16xi32>, vector<16xi32>, vector<16xi32>], vector<16xf32>,
      } {sc.loop_unroll_factor = 8 : i64, sc.parallel_access}
      %add3A_236 = arith.constant 4 : i32
      %add3A_237 = arith.addi %add3A_216, %add3A_236 : i32
      %lt3A = arith.constant 200 : i32
      %lt3A_238 = arith.cmpi slt, %add3A_237, %lt3A : i32
      %convert_element_type3A_239 = arith.extui %lt3A_238 : i1 to i32
      %cond3A_240 = arith.constant 0 : i32
      %cond3A_241 = arith.cmpi ne, %convert_element_type3A_239, %cond3A_240 : i32
      scf.if %cond3A_241 {
        %add3A_440 = arith.constant 4 : i32
        %add3A_441 = arith.addi %add3A_216, %add3A_440 : i32
        %dma_start3A_442 = arith.constant 0 : i32
        %dma_start3A_443 = arith.constant 0 : i32
        %dma_start3A_444 = arith.constant 0 : i32
        %dma_start3A_445 = arith.constant 0 : i32
        %dma_start3A_446 = tpu.memref_slice %arg6[%dma_start3A_442, %dma_start3A_444, %dma_start3A_445] : memref<4x128x64xf32, #tpu.memory_space<vmem>> -> memref<1x128x64xf32, #tpu.memory_space<vmem>>
        %dma_start3A_447 = tpu.memref_squeeze %dma_start3A_446 : memref<1x128x64xf32, #tpu.memory_space<vmem>> -> memref<128x64xf32, #tpu.memory_space<vmem>>
        %dma_start3A_448 = arith.constant 0 : i32
        %dma_start3A_449 = tpu.memref_slice %arg5[%add3A_441, %dma_start3A_448] : memref<200x128xi32, #tpu.memory_space<vmem>> -> memref<1x128xi32, #tpu.memory_space<vmem>>
        %dma_start3A_450 = tpu.memref_squeeze %dma_start3A_449 : memref<1x128xi32, #tpu.memory_space<vmem>> -> memref<128xi32, #tpu.memory_space<vmem>>
        %dma_start3A_451 = arith.constant 0 : i32
        %dma_start3A_452 = arith.constant 0 : i32
        %dma_start3A_453 = tpu.memref_slice %arg3[%dma_start3A_451, %dma_start3A_452] : memref<100000x64xf32, #tpu.memory_space<hbm>> -> memref<100000x64xf32, #tpu.memory_space<hbm>>
        %dma_start3A_454 = tpu.memref_slice %arg8[%dma_start3A_443] : memref<4x!tpu.dma_semaphore, #tpu.memory_space<semaphore_mem>> -> memref<1x!tpu.dma_semaphore, #tpu.memory_space<semaphore_mem>>
        %dma_start3A_455 = tpu.memref_squeeze %dma_start3A_454 : memref<1x!tpu.dma_semaphore, #tpu.memory_space<semaphore_mem>> -> memref<!tpu.dma_semaphore, #tpu.memory_space<semaphore_mem>>
        tpu.enqueue_indirect_dma source(%dma_start3A_453 : memref<100000x64xf32, #tpu.memory_space<hbm>>) target(%dma_start3A_447 : memref<128x64xf32, #tpu.memory_space<vmem>>) offsets(%dma_start3A_450 : memref<128xi32, #tpu.memory_space<vmem>>) semaphore(%dma_start3A_455 : memref<!tpu.dma_semaphore, #tpu.memory_space<semaphore_mem>>)
      } else {
      }
      %dma_start3A_242 = arith.constant 0 : i32
      %dma_start3A_243 = arith.constant 0 : i32
      %dma_start3A_244 = arith.constant 0 : i32
      %dma_start3A_245 = arith.constant 0 : i32
      %dma_start3A_246 = arith.constant 0 : i32
      %dma_start3A_247 = tpu.memref_slice %arg7[%dma_start3A_242, %dma_start3A_244, %dma_start3A_245, %dma_start3A_246] : memref<4x8x8x137xf32, #tpu.memory_space<vmem>> -> memref<1x8x8x128xf32, #tpu.memory_space<vmem>>
      %dma_start3A_248 = tpu.memref_squeeze %dma_start3A_247 : memref<1x8x8x128xf32, #tpu.memory_space<vmem>> -> memref<8x8x128xf32, #tpu.memory_space<vmem>>
      %dma_start3A_249 = arith.constant 0 : i32
      %dma_start3A_250 = arith.constant 0 : i32
      %dma_start3A_251 = arith.constant 0 : i32
      %dma_start3A_252 = tpu.memref_slice %arg4[%add3A_216, %dma_start3A_249, %add3A, %dma_start3A_250, %dma_start3A_251] : memref<200x8x32x8x128xf32, #tpu.memory_space<hbm>> -> memref<1x8x1x8x128xf32, #tpu.memory_space<hbm>>
      %dma_start3A_253 = tpu.memref_squeeze %dma_start3A_252 : memref<1x8x1x8x128xf32, #tpu.memory_space<hbm>> -> memref<8x8x128xf32, #tpu.memory_space<hbm>>
      %dma_start3A_254 = tpu.memref_slice %arg9[%dma_start3A_243] : memref<4x!tpu.dma_semaphore, #tpu.memory_space<semaphore_mem>> -> memref<1x!tpu.dma_semaphore, #tpu.memory_space<semaphore_mem>>
      %dma_start3A_255 = tpu.memref_squeeze %dma_start3A_254 : memref<1x!tpu.dma_semaphore, #tpu.memory_space<semaphore_mem>> -> memref<!tpu.dma_semaphore, #tpu.memory_space<semaphore_mem>>
      %dma_start3A_256 = arith.constant 0 : i32
      %dma_start3A_257 = arith.constant 0 : i32
      %dma_start3A_258 = arith.constant 0 : i32
      %dma_start3A_259 = tpu.memref_slice %arg4[%add3A_216, %dma_start3A_256, %add3A, %dma_start3A_257, %dma_start3A_258] : memref<200x8x32x8x128xf32, #tpu.memory_space<hbm>> -> memref<1x8x1x8x128xf32, #tpu.memory_space<hbm>>
      %dma_start3A_260 = tpu.memref_squeeze %dma_start3A_259 : memref<1x8x1x8x128xf32, #tpu.memory_space<hbm>> -> memref<8x8x128xf32, #tpu.memory_space<hbm>>
      %dma_start3A_261 = arith.constant 0 : i32
      %dma_start3A_262 = arith.constant 0 : i32
      %dma_start3A_263 = arith.constant 0 : i32
      %dma_start3A_264 = tpu.memref_slice %arg7[%dma_start3A_242, %dma_start3A_261, %dma_start3A_262, %dma_start3A_263] : memref<4x8x8x137xf32, #tpu.memory_space<vmem>> -> memref<1x8x8x128xf32, #tpu.memory_space<vmem>>
      %dma_start3A_265 = tpu.memref_squeeze %dma_start3A_264 : memref<1x8x8x128xf32, #tpu.memory_space<vmem>> -> memref<8x8x128xf32, #tpu.memory_space<vmem>>
      tpu.enqueue_dma source(%dma_start3A_265 : memref<8x8x128xf32, #tpu.memory_space<vmem>>) target(%dma_start3A_260 : memref<8x8x128xf32, #tpu.memory_space<hbm>>) target_semaphore(%dma_start3A_255 : memref<!tpu.dma_semaphore, #tpu.memory_space<semaphore_mem>>)
      %mul3A_266 = arith.constant 4 : i32
      %mul3A_267 = arith.muli %scan3A_212, %mul3A_266 : i32
      %add3A_268 = arith.constant 1 : i32
      %add3A_269 = arith.addi %mul3A_267, %add3A_268 : i32
      %dma_wait3A_270 = arith.constant 0 : i32
      %dma_wait3A_271 = arith.constant 1 : i32
      %dma_wait3A_272 = arith.constant 1 : i32
      %dma_wait3A_273 = arith.constant 0 : i32
      %dma_wait3A_274 = arith.constant 0 : i32
      %dma_wait3A_275 = tpu.memref_slice %arg6[%dma_wait3A_271, %dma_wait3A_273, %dma_wait3A_274] : memref<4x128x64xf32, #tpu.memory_space<vmem>> -> memref<1x128x64xf32, #tpu.memory_space<vmem>>
      %dma_wait3A_276 = tpu.memref_squeeze %dma_wait3A_275 : memref<1x128x64xf32, #tpu.memory_space<vmem>> -> memref<128x64xf32, #tpu.memory_space<vmem>>
      %dma_wait3A_277 = arith.constant 0 : i32
      %dma_wait3A_278 = tpu.memref_slice %arg5[%dma_wait3A_270, %dma_wait3A_277] : memref<200x128xi32, #tpu.memory_space<vmem>> -> memref<1x128xi32, #tpu.memory_space<vmem>>
      %dma_wait3A_279 = tpu.memref_squeeze %dma_wait3A_278 : memref<1x128xi32, #tpu.memory_space<vmem>> -> memref<128xi32, #tpu.memory_space<vmem>>
      %dma_wait3A_280 = arith.constant 0 : i32
      %dma_wait3A_281 = arith.constant 0 : i32
      %dma_wait3A_282 = tpu.memref_slice %arg3[%dma_wait3A_280, %dma_wait3A_281] : memref<100000x64xf32, #tpu.memory_space<hbm>> -> memref<100000x64xf32, #tpu.memory_space<hbm>>
      %dma_wait3A_283 = tpu.memref_slice %arg8[%dma_wait3A_272] : memref<4x!tpu.dma_semaphore, #tpu.memory_space<semaphore_mem>> -> memref<1x!tpu.dma_semaphore, #tpu.memory_space<semaphore_mem>>
      %dma_wait3A_284 = tpu.memref_squeeze %dma_wait3A_283 : memref<1x!tpu.dma_semaphore, #tpu.memory_space<semaphore_mem>> -> memref<!tpu.dma_semaphore, #tpu.memory_space<semaphore_mem>>
      tpu.wait_indirect_dma semaphore(%dma_wait3A_284 : memref<!tpu.dma_semaphore, #tpu.memory_space<semaphore_mem>>) src(%dma_wait3A_282 : memref<100000x64xf32, #tpu.memory_space<hbm>>) dst(%dma_wait3A_276 : memref<128x64xf32, #tpu.memory_space<vmem>>)
      %ge3A_285 = arith.constant 4 : i32
      %ge3A_286 = arith.cmpi sge, %add3A_269, %ge3A_285 : i32
      %convert_element_type3A_287 = arith.extui %ge3A_286 : i1 to i32
      %cond3A_288 = arith.constant 0 : i32
      %cond3A_289 = arith.cmpi ne, %convert_element_type3A_287, %cond3A_288 : i32
      scf.if %cond3A_289 {
        %dma_wait3A_440 = arith.constant 1 : i32
        %dma_wait3A_441 = arith.constant 0 : i32
        %dma_wait3A_442 = arith.constant 1 : i32
        %dma_wait3A_443 = arith.constant 0 : i32
        %dma_wait3A_444 = arith.constant 0 : i32
        %dma_wait3A_445 = arith.constant 0 : i32
        %dma_wait3A_446 = tpu.memref_slice %arg7[%dma_wait3A_440, %dma_wait3A_443, %dma_wait3A_444, %dma_wait3A_445] : memref<4x8x8x137xf32, #tpu.memory_space<vmem>> -> memref<1x8x8x128xf32, #tpu.memory_space<vmem>>
        %dma_wait3A_447 = tpu.memref_squeeze %dma_wait3A_446 : memref<1x8x8x128xf32, #tpu.memory_space<vmem>> -> memref<8x8x128xf32, #tpu.memory_space<vmem>>
        %dma_wait3A_448 = arith.constant 0 : i32
        %dma_wait3A_449 = arith.constant 0 : i32
        %dma_wait3A_450 = arith.constant 0 : i32
        %dma_wait3A_451 = tpu.memref_slice %arg4[%dma_wait3A_441, %dma_wait3A_448, %add3A, %dma_wait3A_449, %dma_wait3A_450] : memref<200x8x32x8x128xf32, #tpu.memory_space<hbm>> -> memref<1x8x1x8x128xf32, #tpu.memory_space<hbm>>
        %dma_wait3A_452 = tpu.memref_squeeze %dma_wait3A_451 : memref<1x8x1x8x128xf32, #tpu.memory_space<hbm>> -> memref<8x8x128xf32, #tpu.memory_space<hbm>>
        %dma_wait3A_453 = tpu.memref_slice %arg9[%dma_wait3A_442] : memref<4x!tpu.dma_semaphore, #tpu.memory_space<semaphore_mem>> -> memref<1x!tpu.dma_semaphore, #tpu.memory_space<semaphore_mem>>
        %dma_wait3A_454 = tpu.memref_squeeze %dma_wait3A_453 : memref<1x!tpu.dma_semaphore, #tpu.memory_space<semaphore_mem>> -> memref<!tpu.dma_semaphore, #tpu.memory_space<semaphore_mem>>
        %dma_wait3A_455 = arith.constant 0 : i32
        %dma_wait3A_456 = arith.constant 0 : i32
        %dma_wait3A_457 = arith.constant 0 : i32
        %dma_wait3A_458 = tpu.memref_slice %arg4[%dma_wait3A_441, %dma_wait3A_455, %add3A, %dma_wait3A_456, %dma_wait3A_457] : memref<200x8x32x8x128xf32, #tpu.memory_space<hbm>> -> memref<1x8x1x8x128xf32, #tpu.memory_space<hbm>>
        %dma_wait3A_459 = tpu.memref_squeeze %dma_wait3A_458 : memref<1x8x1x8x128xf32, #tpu.memory_space<hbm>> -> memref<8x8x128xf32, #tpu.memory_space<hbm>>
        %dma_wait3A_460 = arith.constant 0 : i32
        %dma_wait3A_461 = arith.constant 0 : i32
        %dma_wait3A_462 = arith.constant 0 : i32
        %dma_wait3A_463 = tpu.memref_slice %arg7[%dma_wait3A_440, %dma_wait3A_460, %dma_wait3A_461, %dma_wait3A_462] : memref<4x8x8x137xf32, #tpu.memory_space<vmem>> -> memref<1x8x8x128xf32, #tpu.memory_space<vmem>>
        %dma_wait3A_464 = tpu.memref_squeeze %dma_wait3A_463 : memref<1x8x8x128xf32, #tpu.memory_space<vmem>> -> memref<8x8x128xf32, #tpu.memory_space<vmem>>
        tpu.wait_dma2 semaphore(%dma_wait3A_454 : memref<!tpu.dma_semaphore, #tpu.memory_space<semaphore_mem>>) src(%dma_wait3A_464 : memref<8x8x128xf32, #tpu.memory_space<vmem>>) dst(%dma_wait3A_459 : memref<8x8x128xf32, #tpu.memory_space<hbm>>)
      } else {
      }
      %parallel_loop3A_290 = arith.constant 0 : i32
      %parallel_loop3A_291 = arith.constant 128 : i32
      %parallel_loop3A_292 = arith.constant 1 : i32
      scf.for %parallel_loop3A_440 = %parallel_loop3A_290 to %parallel_loop3A_291 step %parallel_loop3A_292  : i32 {
        %parallel_loop3A_441 = vector.broadcast %parallel_loop3A_440 : i32 to vector<16xi32>
        %parallel_loop3A_442 = arith.constant 1 : i32
        %parallel_loop3A_443 = arith.index_cast %parallel_loop3A_442 : i32 to index
        %parallel_loop3A_444 = arith.index_cast %parallel_loop3A_440 : i32 to index
        %parallel_loop3A_445 = arith.constant 0 : index
        %parallel_loop3A_446 = tpu.vector_load %arg6[%parallel_loop3A_443, %parallel_loop3A_444, %parallel_loop3A_445] {strides = array<i32>} : memref<4x128x64xf32, #tpu.memory_space<vmem>>, vector<16xf32>,
        %parallel_loop3A_447 = arith.constant 1 : i32
        %parallel_loop3A_448 = arith.constant 0 : i32
        %parallel_loop3A_449 = arith.constant 0 : i32
        %parallel_loop3A_450 = arith.constant 0 : i32
        %parallel_loop3A_451 = tpu.memref_slice %arg7[%parallel_loop3A_447, %parallel_loop3A_448, %parallel_loop3A_449, %parallel_loop3A_450] : memref<4x8x8x137xf32, #tpu.memory_space<vmem>> -> memref<1x8x8x137xf32, #tpu.memory_space<vmem>>
        %parallel_loop3A_452 = tpu.memref_squeeze %parallel_loop3A_451 : memref<1x8x8x137xf32, #tpu.memory_space<vmem>> -> memref<8x8x137xf32, #tpu.memory_space<vmem>>
        tpu.vector_store_idx %parallel_loop3A_452[%shift_right_arithmetic3A_7, %and3A_30, %parallel_loop3A_441], %parallel_loop3A_446 : memref<8x8x137xf32, #tpu.memory_space<vmem>>[vector<16xi32>, vector<16xi32>, vector<16xi32>], vector<16xf32>,
        %parallel_loop3A_453 = arith.constant 1 : i32
        %parallel_loop3A_454 = arith.index_cast %parallel_loop3A_453 : i32 to index
        %parallel_loop3A_455 = arith.index_cast %parallel_loop3A_440 : i32 to index
        %parallel_loop3A_456 = arith.constant 16 : index
        %parallel_loop3A_457 = tpu.vector_load %arg6[%parallel_loop3A_454, %parallel_loop3A_455, %parallel_loop3A_456] {strides = array<i32>} : memref<4x128x64xf32, #tpu.memory_space<vmem>>, vector<16xf32>,
        %parallel_loop3A_458 = arith.constant 1 : i32
        %parallel_loop3A_459 = arith.constant 0 : i32
        %parallel_loop3A_460 = arith.constant 0 : i32
        %parallel_loop3A_461 = arith.constant 0 : i32
        %parallel_loop3A_462 = tpu.memref_slice %arg7[%parallel_loop3A_458, %parallel_loop3A_459, %parallel_loop3A_460, %parallel_loop3A_461] : memref<4x8x8x137xf32, #tpu.memory_space<vmem>> -> memref<1x8x8x137xf32, #tpu.memory_space<vmem>>
        %parallel_loop3A_463 = tpu.memref_squeeze %parallel_loop3A_462 : memref<1x8x8x137xf32, #tpu.memory_space<vmem>> -> memref<8x8x137xf32, #tpu.memory_space<vmem>>
        tpu.vector_store_idx %parallel_loop3A_463[%shift_right_arithmetic3A_13, %and3A_36, %parallel_loop3A_441], %parallel_loop3A_457 : memref<8x8x137xf32, #tpu.memory_space<vmem>>[vector<16xi32>, vector<16xi32>, vector<16xi32>], vector<16xf32>,
        %parallel_loop3A_464 = arith.constant 1 : i32
        %parallel_loop3A_465 = arith.index_cast %parallel_loop3A_464 : i32 to index
        %parallel_loop3A_466 = arith.index_cast %parallel_loop3A_440 : i32 to index
        %parallel_loop3A_467 = arith.constant 32 : index
        %parallel_loop3A_468 = tpu.vector_load %arg6[%parallel_loop3A_465, %parallel_loop3A_466, %parallel_loop3A_467] {strides = array<i32>} : memref<4x128x64xf32, #tpu.memory_space<vmem>>, vector<16xf32>,
        %parallel_loop3A_469 = arith.constant 1 : i32
        %parallel_loop3A_470 = arith.constant 0 : i32
        %parallel_loop3A_471 = arith.constant 0 : i32
        %parallel_loop3A_472 = arith.constant 0 : i32
        %parallel_loop3A_473 = tpu.memref_slice %arg7[%parallel_loop3A_469, %parallel_loop3A_470, %parallel_loop3A_471, %parallel_loop3A_472] : memref<4x8x8x137xf32, #tpu.memory_space<vmem>> -> memref<1x8x8x137xf32, #tpu.memory_space<vmem>>
        %parallel_loop3A_474 = tpu.memref_squeeze %parallel_loop3A_473 : memref<1x8x8x137xf32, #tpu.memory_space<vmem>> -> memref<8x8x137xf32, #tpu.memory_space<vmem>>
        tpu.vector_store_idx %parallel_loop3A_474[%shift_right_arithmetic3A_19, %and3A_42, %parallel_loop3A_441], %parallel_loop3A_468 : memref<8x8x137xf32, #tpu.memory_space<vmem>>[vector<16xi32>, vector<16xi32>, vector<16xi32>], vector<16xf32>,
        %parallel_loop3A_475 = arith.constant 1 : i32
        %parallel_loop3A_476 = arith.index_cast %parallel_loop3A_475 : i32 to index
        %parallel_loop3A_477 = arith.index_cast %parallel_loop3A_440 : i32 to index
        %parallel_loop3A_478 = arith.constant 48 : index
        %parallel_loop3A_479 = tpu.vector_load %arg6[%parallel_loop3A_476, %parallel_loop3A_477, %parallel_loop3A_478] {strides = array<i32>} : memref<4x128x64xf32, #tpu.memory_space<vmem>>, vector<16xf32>,
        %parallel_loop3A_480 = arith.constant 1 : i32
        %parallel_loop3A_481 = arith.constant 0 : i32
        %parallel_loop3A_482 = arith.constant 0 : i32
        %parallel_loop3A_483 = arith.constant 0 : i32
        %parallel_loop3A_484 = tpu.memref_slice %arg7[%parallel_loop3A_480, %parallel_loop3A_481, %parallel_loop3A_482, %parallel_loop3A_483] : memref<4x8x8x137xf32, #tpu.memory_space<vmem>> -> memref<1x8x8x137xf32, #tpu.memory_space<vmem>>
        %parallel_loop3A_485 = tpu.memref_squeeze %parallel_loop3A_484 : memref<1x8x8x137xf32, #tpu.memory_space<vmem>> -> memref<8x8x137xf32, #tpu.memory_space<vmem>>
        tpu.vector_store_idx %parallel_loop3A_485[%shift_right_arithmetic3A_25, %and3A_48, %parallel_loop3A_441], %parallel_loop3A_479 : memref<8x8x137xf32, #tpu.memory_space<vmem>>[vector<16xi32>, vector<16xi32>, vector<16xi32>], vector<16xf32>,
      } {sc.loop_unroll_factor = 8 : i64, sc.parallel_access}
      %add3A_293 = arith.constant 4 : i32
      %add3A_294 = arith.addi %add3A_269, %add3A_293 : i32
      %lt3A_295 = arith.constant 200 : i32
      %lt3A_296 = arith.cmpi slt, %add3A_294, %lt3A_295 : i32
      %convert_element_type3A_297 = arith.extui %lt3A_296 : i1 to i32
      %cond3A_298 = arith.constant 0 : i32
      %cond3A_299 = arith.cmpi ne, %convert_element_type3A_297, %cond3A_298 : i32
      scf.if %cond3A_299 {
        %add3A_440 = arith.constant 4 : i32
        %add3A_441 = arith.addi %add3A_269, %add3A_440 : i32
        %dma_start3A_442 = arith.constant 1 : i32
        %dma_start3A_443 = arith.constant 1 : i32
        %dma_start3A_444 = arith.constant 0 : i32
        %dma_start3A_445 = arith.constant 0 : i32
        %dma_start3A_446 = tpu.memref_slice %arg6[%dma_start3A_442, %dma_start3A_444, %dma_start3A_445] : memref<4x128x64xf32, #tpu.memory_space<vmem>> -> memref<1x128x64xf32, #tpu.memory_space<vmem>>
        %dma_start3A_447 = tpu.memref_squeeze %dma_start3A_446 : memref<1x128x64xf32, #tpu.memory_space<vmem>> -> memref<128x64xf32, #tpu.memory_space<vmem>>
        %dma_start3A_448 = arith.constant 0 : i32
        %dma_start3A_449 = tpu.memref_slice %arg5[%add3A_441, %dma_start3A_448] : memref<200x128xi32, #tpu.memory_space<vmem>> -> memref<1x128xi32, #tpu.memory_space<vmem>>
        %dma_start3A_450 = tpu.memref_squeeze %dma_start3A_449 : memref<1x128xi32, #tpu.memory_space<vmem>> -> memref<128xi32, #tpu.memory_space<vmem>>
        %dma_start3A_451 = arith.constant 0 : i32
        %dma_start3A_452 = arith.constant 0 : i32
        %dma_start3A_453 = tpu.memref_slice %arg3[%dma_start3A_451, %dma_start3A_452] : memref<100000x64xf32, #tpu.memory_space<hbm>> -> memref<100000x64xf32, #tpu.memory_space<hbm>>
        %dma_start3A_454 = tpu.memref_slice %arg8[%dma_start3A_443] : memref<4x!tpu.dma_semaphore, #tpu.memory_space<semaphore_mem>> -> memref<1x!tpu.dma_semaphore, #tpu.memory_space<semaphore_mem>>
        %dma_start3A_455 = tpu.memref_squeeze %dma_start3A_454 : memref<1x!tpu.dma_semaphore, #tpu.memory_space<semaphore_mem>> -> memref<!tpu.dma_semaphore, #tpu.memory_space<semaphore_mem>>
        tpu.enqueue_indirect_dma source(%dma_start3A_453 : memref<100000x64xf32, #tpu.memory_space<hbm>>) target(%dma_start3A_447 : memref<128x64xf32, #tpu.memory_space<vmem>>) offsets(%dma_start3A_450 : memref<128xi32, #tpu.memory_space<vmem>>) semaphore(%dma_start3A_455 : memref<!tpu.dma_semaphore, #tpu.memory_space<semaphore_mem>>)
      } else {
      }
      %dma_start3A_300 = arith.constant 1 : i32
      %dma_start3A_301 = arith.constant 1 : i32
      %dma_start3A_302 = arith.constant 0 : i32
      %dma_start3A_303 = arith.constant 0 : i32
      %dma_start3A_304 = arith.constant 0 : i32
      %dma_start3A_305 = tpu.memref_slice %arg7[%dma_start3A_300, %dma_start3A_302, %dma_start3A_303, %dma_start3A_304] : memref<4x8x8x137xf32, #tpu.memory_space<vmem>> -> memref<1x8x8x128xf32, #tpu.memory_space<vmem>>
      %dma_start3A_306 = tpu.memref_squeeze %dma_start3A_305 : memref<1x8x8x128xf32, #tpu.memory_space<vmem>> -> memref<8x8x128xf32, #tpu.memory_space<vmem>>
      %dma_start3A_307 = arith.constant 0 : i32
      %dma_start3A_308 = arith.constant 0 : i32
      %dma_start3A_309 = arith.constant 0 : i32
      %dma_start3A_310 = tpu.memref_slice %arg4[%add3A_269, %dma_start3A_307, %add3A, %dma_start3A_308, %dma_start3A_309] : memref<200x8x32x8x128xf32, #tpu.memory_space<hbm>> -> memref<1x8x1x8x128xf32, #tpu.memory_space<hbm>>
      %dma_start3A_311 = tpu.memref_squeeze %dma_start3A_310 : memref<1x8x1x8x128xf32, #tpu.memory_space<hbm>> -> memref<8x8x128xf32, #tpu.memory_space<hbm>>
      %dma_start3A_312 = tpu.memref_slice %arg9[%dma_start3A_301] : memref<4x!tpu.dma_semaphore, #tpu.memory_space<semaphore_mem>> -> memref<1x!tpu.dma_semaphore, #tpu.memory_space<semaphore_mem>>
      %dma_start3A_313 = tpu.memref_squeeze %dma_start3A_312 : memref<1x!tpu.dma_semaphore, #tpu.memory_space<semaphore_mem>> -> memref<!tpu.dma_semaphore, #tpu.memory_space<semaphore_mem>>
      %dma_start3A_314 = arith.constant 0 : i32
      %dma_start3A_315 = arith.constant 0 : i32
      %dma_start3A_316 = arith.constant 0 : i32
      %dma_start3A_317 = tpu.memref_slice %arg4[%add3A_269, %dma_start3A_314, %add3A, %dma_start3A_315, %dma_start3A_316] : memref<200x8x32x8x128xf32, #tpu.memory_space<hbm>> -> memref<1x8x1x8x128xf32, #tpu.memory_space<hbm>>
      %dma_start3A_318 = tpu.memref_squeeze %dma_start3A_317 : memref<1x8x1x8x128xf32, #tpu.memory_space<hbm>> -> memref<8x8x128xf32, #tpu.memory_space<hbm>>
      %dma_start3A_319 = arith.constant 0 : i32
      %dma_start3A_320 = arith.constant 0 : i32
      %dma_start3A_321 = arith.constant 0 : i32
      %dma_start3A_322 = tpu.memref_slice %arg7[%dma_start3A_300, %dma_start3A_319, %dma_start3A_320, %dma_start3A_321] : memref<4x8x8x137xf32, #tpu.memory_space<vmem>> -> memref<1x8x8x128xf32, #tpu.memory_space<vmem>>
      %dma_start3A_323 = tpu.memref_squeeze %dma_start3A_322 : memref<1x8x8x128xf32, #tpu.memory_space<vmem>> -> memref<8x8x128xf32, #tpu.memory_space<vmem>>
      tpu.enqueue_dma source(%dma_start3A_323 : memref<8x8x128xf32, #tpu.memory_space<vmem>>) target(%dma_start3A_318 : memref<8x8x128xf32, #tpu.memory_space<hbm>>) target_semaphore(%dma_start3A_313 : memref<!tpu.dma_semaphore, #tpu.memory_space<semaphore_mem>>)
      %mul3A_324 = arith.constant 4 : i32
      %mul3A_325 = arith.muli %scan3A_212, %mul3A_324 : i32
      %add3A_326 = arith.constant 2 : i32
      %add3A_327 = arith.addi %mul3A_325, %add3A_326 : i32
      %dma_wait3A_328 = arith.constant 0 : i32
      %dma_wait3A_329 = arith.constant 2 : i32
      %dma_wait3A_330 = arith.constant 2 : i32
      %dma_wait3A_331 = arith.constant 0 : i32
      %dma_wait3A_332 = arith.constant 0 : i32
      %dma_wait3A_333 = tpu.memref_slice %arg6[%dma_wait3A_329, %dma_wait3A_331, %dma_wait3A_332] : memref<4x128x64xf32, #tpu.memory_space<vmem>> -> memref<1x128x64xf32, #tpu.memory_space<vmem>>
      %dma_wait3A_334 = tpu.memref_squeeze %dma_wait3A_333 : memref<1x128x64xf32, #tpu.memory_space<vmem>> -> memref<128x64xf32, #tpu.memory_space<vmem>>
      %dma_wait3A_335 = arith.constant 0 : i32
      %dma_wait3A_336 = tpu.memref_slice %arg5[%dma_wait3A_328, %dma_wait3A_335] : memref<200x128xi32, #tpu.memory_space<vmem>> -> memref<1x128xi32, #tpu.memory_space<vmem>>
      %dma_wait3A_337 = tpu.memref_squeeze %dma_wait3A_336 : memref<1x128xi32, #tpu.memory_space<vmem>> -> memref<128xi32, #tpu.memory_space<vmem>>
      %dma_wait3A_338 = arith.constant 0 : i32
      %dma_wait3A_339 = arith.constant 0 : i32
      %dma_wait3A_340 = tpu.memref_slice %arg3[%dma_wait3A_338, %dma_wait3A_339] : memref<100000x64xf32, #tpu.memory_space<hbm>> -> memref<100000x64xf32, #tpu.memory_space<hbm>>
      %dma_wait3A_341 = tpu.memref_slice %arg8[%dma_wait3A_330] : memref<4x!tpu.dma_semaphore, #tpu.memory_space<semaphore_mem>> -> memref<1x!tpu.dma_semaphore, #tpu.memory_space<semaphore_mem>>
      %dma_wait3A_342 = tpu.memref_squeeze %dma_wait3A_341 : memref<1x!tpu.dma_semaphore, #tpu.memory_space<semaphore_mem>> -> memref<!tpu.dma_semaphore, #tpu.memory_space<semaphore_mem>>
      tpu.wait_indirect_dma semaphore(%dma_wait3A_342 : memref<!tpu.dma_semaphore, #tpu.memory_space<semaphore_mem>>) src(%dma_wait3A_340 : memref<100000x64xf32, #tpu.memory_space<hbm>>) dst(%dma_wait3A_334 : memref<128x64xf32, #tpu.memory_space<vmem>>)
      %ge3A_343 = arith.constant 4 : i32
      %ge3A_344 = arith.cmpi sge, %add3A_327, %ge3A_343 : i32
      %convert_element_type3A_345 = arith.extui %ge3A_344 : i1 to i32
      %cond3A_346 = arith.constant 0 : i32
      %cond3A_347 = arith.cmpi ne, %convert_element_type3A_345, %cond3A_346 : i32
      scf.if %cond3A_347 {
        %dma_wait3A_440 = arith.constant 2 : i32
        %dma_wait3A_441 = arith.constant 0 : i32
        %dma_wait3A_442 = arith.constant 2 : i32
        %dma_wait3A_443 = arith.constant 0 : i32
        %dma_wait3A_444 = arith.constant 0 : i32
        %dma_wait3A_445 = arith.constant 0 : i32
        %dma_wait3A_446 = tpu.memref_slice %arg7[%dma_wait3A_440, %dma_wait3A_443, %dma_wait3A_444, %dma_wait3A_445] : memref<4x8x8x137xf32, #tpu.memory_space<vmem>> -> memref<1x8x8x128xf32, #tpu.memory_space<vmem>>
        %dma_wait3A_447 = tpu.memref_squeeze %dma_wait3A_446 : memref<1x8x8x128xf32, #tpu.memory_space<vmem>> -> memref<8x8x128xf32, #tpu.memory_space<vmem>>
        %dma_wait3A_448 = arith.constant 0 : i32
        %dma_wait3A_449 = arith.constant 0 : i32
        %dma_wait3A_450 = arith.constant 0 : i32
        %dma_wait3A_451 = tpu.memref_slice %arg4[%dma_wait3A_441, %dma_wait3A_448, %add3A, %dma_wait3A_449, %dma_wait3A_450] : memref<200x8x32x8x128xf32, #tpu.memory_space<hbm>> -> memref<1x8x1x8x128xf32, #tpu.memory_space<hbm>>
        %dma_wait3A_452 = tpu.memref_squeeze %dma_wait3A_451 : memref<1x8x1x8x128xf32, #tpu.memory_space<hbm>> -> memref<8x8x128xf32, #tpu.memory_space<hbm>>
        %dma_wait3A_453 = tpu.memref_slice %arg9[%dma_wait3A_442] : memref<4x!tpu.dma_semaphore, #tpu.memory_space<semaphore_mem>> -> memref<1x!tpu.dma_semaphore, #tpu.memory_space<semaphore_mem>>
        %dma_wait3A_454 = tpu.memref_squeeze %dma_wait3A_453 : memref<1x!tpu.dma_semaphore, #tpu.memory_space<semaphore_mem>> -> memref<!tpu.dma_semaphore, #tpu.memory_space<semaphore_mem>>
        %dma_wait3A_455 = arith.constant 0 : i32
        %dma_wait3A_456 = arith.constant 0 : i32
        %dma_wait3A_457 = arith.constant 0 : i32
        %dma_wait3A_458 = tpu.memref_slice %arg4[%dma_wait3A_441, %dma_wait3A_455, %add3A, %dma_wait3A_456, %dma_wait3A_457] : memref<200x8x32x8x128xf32, #tpu.memory_space<hbm>> -> memref<1x8x1x8x128xf32, #tpu.memory_space<hbm>>
        %dma_wait3A_459 = tpu.memref_squeeze %dma_wait3A_458 : memref<1x8x1x8x128xf32, #tpu.memory_space<hbm>> -> memref<8x8x128xf32, #tpu.memory_space<hbm>>
        %dma_wait3A_460 = arith.constant 0 : i32
        %dma_wait3A_461 = arith.constant 0 : i32
        %dma_wait3A_462 = arith.constant 0 : i32
        %dma_wait3A_463 = tpu.memref_slice %arg7[%dma_wait3A_440, %dma_wait3A_460, %dma_wait3A_461, %dma_wait3A_462] : memref<4x8x8x137xf32, #tpu.memory_space<vmem>> -> memref<1x8x8x128xf32, #tpu.memory_space<vmem>>
        %dma_wait3A_464 = tpu.memref_squeeze %dma_wait3A_463 : memref<1x8x8x128xf32, #tpu.memory_space<vmem>> -> memref<8x8x128xf32, #tpu.memory_space<vmem>>
        tpu.wait_dma2 semaphore(%dma_wait3A_454 : memref<!tpu.dma_semaphore, #tpu.memory_space<semaphore_mem>>) src(%dma_wait3A_464 : memref<8x8x128xf32, #tpu.memory_space<vmem>>) dst(%dma_wait3A_459 : memref<8x8x128xf32, #tpu.memory_space<hbm>>)
      } else {
      }
      %parallel_loop3A_348 = arith.constant 0 : i32
      %parallel_loop3A_349 = arith.constant 128 : i32
      %parallel_loop3A_350 = arith.constant 1 : i32
      scf.for %parallel_loop3A_440 = %parallel_loop3A_348 to %parallel_loop3A_349 step %parallel_loop3A_350  : i32 {
        %parallel_loop3A_441 = vector.broadcast %parallel_loop3A_440 : i32 to vector<16xi32>
        %parallel_loop3A_442 = arith.constant 2 : i32
        %parallel_loop3A_443 = arith.index_cast %parallel_loop3A_442 : i32 to index
        %parallel_loop3A_444 = arith.index_cast %parallel_loop3A_440 : i32 to index
        %parallel_loop3A_445 = arith.constant 0 : index
        %parallel_loop3A_446 = tpu.vector_load %arg6[%parallel_loop3A_443, %parallel_loop3A_444, %parallel_loop3A_445] {strides = array<i32>} : memref<4x128x64xf32, #tpu.memory_space<vmem>>, vector<16xf32>,
        %parallel_loop3A_447 = arith.constant 2 : i32
        %parallel_loop3A_448 = arith.constant 0 : i32
        %parallel_loop3A_449 = arith.constant 0 : i32
        %parallel_loop3A_450 = arith.constant 0 : i32
        %parallel_loop3A_451 = tpu.memref_slice %arg7[%parallel_loop3A_447, %parallel_loop3A_448, %parallel_loop3A_449, %parallel_loop3A_450] : memref<4x8x8x137xf32, #tpu.memory_space<vmem>> -> memref<1x8x8x137xf32, #tpu.memory_space<vmem>>
        %parallel_loop3A_452 = tpu.memref_squeeze %parallel_loop3A_451 : memref<1x8x8x137xf32, #tpu.memory_space<vmem>> -> memref<8x8x137xf32, #tpu.memory_space<vmem>>
        tpu.vector_store_idx %parallel_loop3A_452[%shift_right_arithmetic3A_7, %and3A_30, %parallel_loop3A_441], %parallel_loop3A_446 : memref<8x8x137xf32, #tpu.memory_space<vmem>>[vector<16xi32>, vector<16xi32>, vector<16xi32>], vector<16xf32>,
        %parallel_loop3A_453 = arith.constant 2 : i32
        %parallel_loop3A_454 = arith.index_cast %parallel_loop3A_453 : i32 to index
        %parallel_loop3A_455 = arith.index_cast %parallel_loop3A_440 : i32 to index
        %parallel_loop3A_456 = arith.constant 16 : index
        %parallel_loop3A_457 = tpu.vector_load %arg6[%parallel_loop3A_454, %parallel_loop3A_455, %parallel_loop3A_456] {strides = array<i32>} : memref<4x128x64xf32, #tpu.memory_space<vmem>>, vector<16xf32>,
        %parallel_loop3A_458 = arith.constant 2 : i32
        %parallel_loop3A_459 = arith.constant 0 : i32
        %parallel_loop3A_460 = arith.constant 0 : i32
        %parallel_loop3A_461 = arith.constant 0 : i32
        %parallel_loop3A_462 = tpu.memref_slice %arg7[%parallel_loop3A_458, %parallel_loop3A_459, %parallel_loop3A_460, %parallel_loop3A_461] : memref<4x8x8x137xf32, #tpu.memory_space<vmem>> -> memref<1x8x8x137xf32, #tpu.memory_space<vmem>>
        %parallel_loop3A_463 = tpu.memref_squeeze %parallel_loop3A_462 : memref<1x8x8x137xf32, #tpu.memory_space<vmem>> -> memref<8x8x137xf32, #tpu.memory_space<vmem>>
        tpu.vector_store_idx %parallel_loop3A_463[%shift_right_arithmetic3A_13, %and3A_36, %parallel_loop3A_441], %parallel_loop3A_457 : memref<8x8x137xf32, #tpu.memory_space<vmem>>[vector<16xi32>, vector<16xi32>, vector<16xi32>], vector<16xf32>,
        %parallel_loop3A_464 = arith.constant 2 : i32
        %parallel_loop3A_465 = arith.index_cast %parallel_loop3A_464 : i32 to index
        %parallel_loop3A_466 = arith.index_cast %parallel_loop3A_440 : i32 to index
        %parallel_loop3A_467 = arith.constant 32 : index
        %parallel_loop3A_468 = tpu.vector_load %arg6[%parallel_loop3A_465, %parallel_loop3A_466, %parallel_loop3A_467] {strides = array<i32>} : memref<4x128x64xf32, #tpu.memory_space<vmem>>, vector<16xf32>,
        %parallel_loop3A_469 = arith.constant 2 : i32
        %parallel_loop3A_470 = arith.constant 0 : i32
        %parallel_loop3A_471 = arith.constant 0 : i32
        %parallel_loop3A_472 = arith.constant 0 : i32
        %parallel_loop3A_473 = tpu.memref_slice %arg7[%parallel_loop3A_469, %parallel_loop3A_470, %parallel_loop3A_471, %parallel_loop3A_472] : memref<4x8x8x137xf32, #tpu.memory_space<vmem>> -> memref<1x8x8x137xf32, #tpu.memory_space<vmem>>
        %parallel_loop3A_474 = tpu.memref_squeeze %parallel_loop3A_473 : memref<1x8x8x137xf32, #tpu.memory_space<vmem>> -> memref<8x8x137xf32, #tpu.memory_space<vmem>>
        tpu.vector_store_idx %parallel_loop3A_474[%shift_right_arithmetic3A_19, %and3A_42, %parallel_loop3A_441], %parallel_loop3A_468 : memref<8x8x137xf32, #tpu.memory_space<vmem>>[vector<16xi32>, vector<16xi32>, vector<16xi32>], vector<16xf32>,
        %parallel_loop3A_475 = arith.constant 2 : i32
        %parallel_loop3A_476 = arith.index_cast %parallel_loop3A_475 : i32 to index
        %parallel_loop3A_477 = arith.index_cast %parallel_loop3A_440 : i32 to index
        %parallel_loop3A_478 = arith.constant 48 : index
        %parallel_loop3A_479 = tpu.vector_load %arg6[%parallel_loop3A_476, %parallel_loop3A_477, %parallel_loop3A_478] {strides = array<i32>} : memref<4x128x64xf32, #tpu.memory_space<vmem>>, vector<16xf32>,
        %parallel_loop3A_480 = arith.constant 2 : i32
        %parallel_loop3A_481 = arith.constant 0 : i32
        %parallel_loop3A_482 = arith.constant 0 : i32
        %parallel_loop3A_483 = arith.constant 0 : i32
        %parallel_loop3A_484 = tpu.memref_slice %arg7[%parallel_loop3A_480, %parallel_loop3A_481, %parallel_loop3A_482, %parallel_loop3A_483] : memref<4x8x8x137xf32, #tpu.memory_space<vmem>> -> memref<1x8x8x137xf32, #tpu.memory_space<vmem>>
        %parallel_loop3A_485 = tpu.memref_squeeze %parallel_loop3A_484 : memref<1x8x8x137xf32, #tpu.memory_space<vmem>> -> memref<8x8x137xf32, #tpu.memory_space<vmem>>
        tpu.vector_store_idx %parallel_loop3A_485[%shift_right_arithmetic3A_25, %and3A_48, %parallel_loop3A_441], %parallel_loop3A_479 : memref<8x8x137xf32, #tpu.memory_space<vmem>>[vector<16xi32>, vector<16xi32>, vector<16xi32>], vector<16xf32>,
      } {sc.loop_unroll_factor = 8 : i64, sc.parallel_access}
      %add3A_351 = arith.constant 4 : i32
      %add3A_352 = arith.addi %add3A_327, %add3A_351 : i32
      %lt3A_353 = arith.constant 200 : i32
      %lt3A_354 = arith.cmpi slt, %add3A_352, %lt3A_353 : i32
      %convert_element_type3A_355 = arith.extui %lt3A_354 : i1 to i32
      %cond3A_356 = arith.constant 0 : i32
      %cond3A_357 = arith.cmpi ne, %convert_element_type3A_355, %cond3A_356 : i32
      scf.if %cond3A_357 {
        %add3A_440 = arith.constant 4 : i32
        %add3A_441 = arith.addi %add3A_327, %add3A_440 : i32
        %dma_start3A_442 = arith.constant 2 : i32
        %dma_start3A_443 = arith.constant 2 : i32
        %dma_start3A_444 = arith.constant 0 : i32
        %dma_start3A_445 = arith.constant 0 : i32
        %dma_start3A_446 = tpu.memref_slice %arg6[%dma_start3A_442, %dma_start3A_444, %dma_start3A_445] : memref<4x128x64xf32, #tpu.memory_space<vmem>> -> memref<1x128x64xf32, #tpu.memory_space<vmem>>
        %dma_start3A_447 = tpu.memref_squeeze %dma_start3A_446 : memref<1x128x64xf32, #tpu.memory_space<vmem>> -> memref<128x64xf32, #tpu.memory_space<vmem>>
        %dma_start3A_448 = arith.constant 0 : i32
        %dma_start3A_449 = tpu.memref_slice %arg5[%add3A_441, %dma_start3A_448] : memref<200x128xi32, #tpu.memory_space<vmem>> -> memref<1x128xi32, #tpu.memory_space<vmem>>
        %dma_start3A_450 = tpu.memref_squeeze %dma_start3A_449 : memref<1x128xi32, #tpu.memory_space<vmem>> -> memref<128xi32, #tpu.memory_space<vmem>>
        %dma_start3A_451 = arith.constant 0 : i32
        %dma_start3A_452 = arith.constant 0 : i32
        %dma_start3A_453 = tpu.memref_slice %arg3[%dma_start3A_451, %dma_start3A_452] : memref<100000x64xf32, #tpu.memory_space<hbm>> -> memref<100000x64xf32, #tpu.memory_space<hbm>>
        %dma_start3A_454 = tpu.memref_slice %arg8[%dma_start3A_443] : memref<4x!tpu.dma_semaphore, #tpu.memory_space<semaphore_mem>> -> memref<1x!tpu.dma_semaphore, #tpu.memory_space<semaphore_mem>>
        %dma_start3A_455 = tpu.memref_squeeze %dma_start3A_454 : memref<1x!tpu.dma_semaphore, #tpu.memory_space<semaphore_mem>> -> memref<!tpu.dma_semaphore, #tpu.memory_space<semaphore_mem>>
        tpu.enqueue_indirect_dma source(%dma_start3A_453 : memref<100000x64xf32, #tpu.memory_space<hbm>>) target(%dma_start3A_447 : memref<128x64xf32, #tpu.memory_space<vmem>>) offsets(%dma_start3A_450 : memref<128xi32, #tpu.memory_space<vmem>>) semaphore(%dma_start3A_455 : memref<!tpu.dma_semaphore, #tpu.memory_space<semaphore_mem>>)
      } else {
      }
      %dma_start3A_358 = arith.constant 2 : i32
      %dma_start3A_359 = arith.constant 2 : i32
      %dma_start3A_360 = arith.constant 0 : i32
      %dma_start3A_361 = arith.constant 0 : i32
      %dma_start3A_362 = arith.constant 0 : i32
      %dma_start3A_363 = tpu.memref_slice %arg7[%dma_start3A_358, %dma_start3A_360, %dma_start3A_361, %dma_start3A_362] : memref<4x8x8x137xf32, #tpu.memory_space<vmem>> -> memref<1x8x8x128xf32, #tpu.memory_space<vmem>>
      %dma_start3A_364 = tpu.memref_squeeze %dma_start3A_363 : memref<1x8x8x128xf32, #tpu.memory_space<vmem>> -> memref<8x8x128xf32, #tpu.memory_space<vmem>>
      %dma_start3A_365 = arith.constant 0 : i32
      %dma_start3A_366 = arith.constant 0 : i32
      %dma_start3A_367 = arith.constant 0 : i32
      %dma_start3A_368 = tpu.memref_slice %arg4[%add3A_327, %dma_start3A_365, %add3A, %dma_start3A_366, %dma_start3A_367] : memref<200x8x32x8x128xf32, #tpu.memory_space<hbm>> -> memref<1x8x1x8x128xf32, #tpu.memory_space<hbm>>
      %dma_start3A_369 = tpu.memref_squeeze %dma_start3A_368 : memref<1x8x1x8x128xf32, #tpu.memory_space<hbm>> -> memref<8x8x128xf32, #tpu.memory_space<hbm>>
      %dma_start3A_370 = tpu.memref_slice %arg9[%dma_start3A_359] : memref<4x!tpu.dma_semaphore, #tpu.memory_space<semaphore_mem>> -> memref<1x!tpu.dma_semaphore, #tpu.memory_space<semaphore_mem>>
      %dma_start3A_371 = tpu.memref_squeeze %dma_start3A_370 : memref<1x!tpu.dma_semaphore, #tpu.memory_space<semaphore_mem>> -> memref<!tpu.dma_semaphore, #tpu.memory_space<semaphore_mem>>
      %dma_start3A_372 = arith.constant 0 : i32
      %dma_start3A_373 = arith.constant 0 : i32
      %dma_start3A_374 = arith.constant 0 : i32
      %dma_start3A_375 = tpu.memref_slice %arg4[%add3A_327, %dma_start3A_372, %add3A, %dma_start3A_373, %dma_start3A_374] : memref<200x8x32x8x128xf32, #tpu.memory_space<hbm>> -> memref<1x8x1x8x128xf32, #tpu.memory_space<hbm>>
      %dma_start3A_376 = tpu.memref_squeeze %dma_start3A_375 : memref<1x8x1x8x128xf32, #tpu.memory_space<hbm>> -> memref<8x8x128xf32, #tpu.memory_space<hbm>>
      %dma_start3A_377 = arith.constant 0 : i32
      %dma_start3A_378 = arith.constant 0 : i32
      %dma_start3A_379 = arith.constant 0 : i32
      %dma_start3A_380 = tpu.memref_slice %arg7[%dma_start3A_358, %dma_start3A_377, %dma_start3A_378, %dma_start3A_379] : memref<4x8x8x137xf32, #tpu.memory_space<vmem>> -> memref<1x8x8x128xf32, #tpu.memory_space<vmem>>
      %dma_start3A_381 = tpu.memref_squeeze %dma_start3A_380 : memref<1x8x8x128xf32, #tpu.memory_space<vmem>> -> memref<8x8x128xf32, #tpu.memory_space<vmem>>
      tpu.enqueue_dma source(%dma_start3A_381 : memref<8x8x128xf32, #tpu.memory_space<vmem>>) target(%dma_start3A_376 : memref<8x8x128xf32, #tpu.memory_space<hbm>>) target_semaphore(%dma_start3A_371 : memref<!tpu.dma_semaphore, #tpu.memory_space<semaphore_mem>>)
      %mul3A_382 = arith.constant 4 : i32
      %mul3A_383 = arith.muli %scan3A_212, %mul3A_382 : i32
      %add3A_384 = arith.constant 3 : i32
      %add3A_385 = arith.addi %mul3A_383, %add3A_384 : i32
      %dma_wait3A_386 = arith.constant 0 : i32
      %dma_wait3A_387 = arith.constant 3 : i32
      %dma_wait3A_388 = arith.constant 3 : i32
      %dma_wait3A_389 = arith.constant 0 : i32
      %dma_wait3A_390 = arith.constant 0 : i32
      %dma_wait3A_391 = tpu.memref_slice %arg6[%dma_wait3A_387, %dma_wait3A_389, %dma_wait3A_390] : memref<4x128x64xf32, #tpu.memory_space<vmem>> -> memref<1x128x64xf32, #tpu.memory_space<vmem>>
      %dma_wait3A_392 = tpu.memref_squeeze %dma_wait3A_391 : memref<1x128x64xf32, #tpu.memory_space<vmem>> -> memref<128x64xf32, #tpu.memory_space<vmem>>
      %dma_wait3A_393 = arith.constant 0 : i32
      %dma_wait3A_394 = tpu.memref_slice %arg5[%dma_wait3A_386, %dma_wait3A_393] : memref<200x128xi32, #tpu.memory_space<vmem>> -> memref<1x128xi32, #tpu.memory_space<vmem>>
      %dma_wait3A_395 = tpu.memref_squeeze %dma_wait3A_394 : memref<1x128xi32, #tpu.memory_space<vmem>> -> memref<128xi32, #tpu.memory_space<vmem>>
      %dma_wait3A_396 = arith.constant 0 : i32
      %dma_wait3A_397 = arith.constant 0 : i32
      %dma_wait3A_398 = tpu.memref_slice %arg3[%dma_wait3A_396, %dma_wait3A_397] : memref<100000x64xf32, #tpu.memory_space<hbm>> -> memref<100000x64xf32, #tpu.memory_space<hbm>>
      %dma_wait3A_399 = tpu.memref_slice %arg8[%dma_wait3A_388] : memref<4x!tpu.dma_semaphore, #tpu.memory_space<semaphore_mem>> -> memref<1x!tpu.dma_semaphore, #tpu.memory_space<semaphore_mem>>
      %dma_wait3A_400 = tpu.memref_squeeze %dma_wait3A_399 : memref<1x!tpu.dma_semaphore, #tpu.memory_space<semaphore_mem>> -> memref<!tpu.dma_semaphore, #tpu.memory_space<semaphore_mem>>
      tpu.wait_indirect_dma semaphore(%dma_wait3A_400 : memref<!tpu.dma_semaphore, #tpu.memory_space<semaphore_mem>>) src(%dma_wait3A_398 : memref<100000x64xf32, #tpu.memory_space<hbm>>) dst(%dma_wait3A_392 : memref<128x64xf32, #tpu.memory_space<vmem>>)
      %ge3A_401 = arith.constant 4 : i32
      %ge3A_402 = arith.cmpi sge, %add3A_385, %ge3A_401 : i32
      %convert_element_type3A_403 = arith.extui %ge3A_402 : i1 to i32
      %cond3A_404 = arith.constant 0 : i32
      %cond3A_405 = arith.cmpi ne, %convert_element_type3A_403, %cond3A_404 : i32
      scf.if %cond3A_405 {
        %dma_wait3A_440 = arith.constant 3 : i32
        %dma_wait3A_441 = arith.constant 0 : i32
        %dma_wait3A_442 = arith.constant 3 : i32
        %dma_wait3A_443 = arith.constant 0 : i32
        %dma_wait3A_444 = arith.constant 0 : i32
        %dma_wait3A_445 = arith.constant 0 : i32
        %dma_wait3A_446 = tpu.memref_slice %arg7[%dma_wait3A_440, %dma_wait3A_443, %dma_wait3A_444, %dma_wait3A_445] : memref<4x8x8x137xf32, #tpu.memory_space<vmem>> -> memref<1x8x8x128xf32, #tpu.memory_space<vmem>>
        %dma_wait3A_447 = tpu.memref_squeeze %dma_wait3A_446 : memref<1x8x8x128xf32, #tpu.memory_space<vmem>> -> memref<8x8x128xf32, #tpu.memory_space<vmem>>
        %dma_wait3A_448 = arith.constant 0 : i32
        %dma_wait3A_449 = arith.constant 0 : i32
        %dma_wait3A_450 = arith.constant 0 : i32
        %dma_wait3A_451 = tpu.memref_slice %arg4[%dma_wait3A_441, %dma_wait3A_448, %add3A, %dma_wait3A_449, %dma_wait3A_450] : memref<200x8x32x8x128xf32, #tpu.memory_space<hbm>> -> memref<1x8x1x8x128xf32, #tpu.memory_space<hbm>>
        %dma_wait3A_452 = tpu.memref_squeeze %dma_wait3A_451 : memref<1x8x1x8x128xf32, #tpu.memory_space<hbm>> -> memref<8x8x128xf32, #tpu.memory_space<hbm>>
        %dma_wait3A_453 = tpu.memref_slice %arg9[%dma_wait3A_442] : memref<4x!tpu.dma_semaphore, #tpu.memory_space<semaphore_mem>> -> memref<1x!tpu.dma_semaphore, #tpu.memory_space<semaphore_mem>>
        %dma_wait3A_454 = tpu.memref_squeeze %dma_wait3A_453 : memref<1x!tpu.dma_semaphore, #tpu.memory_space<semaphore_mem>> -> memref<!tpu.dma_semaphore, #tpu.memory_space<semaphore_mem>>
        %dma_wait3A_455 = arith.constant 0 : i32
        %dma_wait3A_456 = arith.constant 0 : i32
        %dma_wait3A_457 = arith.constant 0 : i32
        %dma_wait3A_458 = tpu.memref_slice %arg4[%dma_wait3A_441, %dma_wait3A_455, %add3A, %dma_wait3A_456, %dma_wait3A_457] : memref<200x8x32x8x128xf32, #tpu.memory_space<hbm>> -> memref<1x8x1x8x128xf32, #tpu.memory_space<hbm>>
        %dma_wait3A_459 = tpu.memref_squeeze %dma_wait3A_458 : memref<1x8x1x8x128xf32, #tpu.memory_space<hbm>> -> memref<8x8x128xf32, #tpu.memory_space<hbm>>
        %dma_wait3A_460 = arith.constant 0 : i32
        %dma_wait3A_461 = arith.constant 0 : i32
        %dma_wait3A_462 = arith.constant 0 : i32
        %dma_wait3A_463 = tpu.memref_slice %arg7[%dma_wait3A_440, %dma_wait3A_460, %dma_wait3A_461, %dma_wait3A_462] : memref<4x8x8x137xf32, #tpu.memory_space<vmem>> -> memref<1x8x8x128xf32, #tpu.memory_space<vmem>>
        %dma_wait3A_464 = tpu.memref_squeeze %dma_wait3A_463 : memref<1x8x8x128xf32, #tpu.memory_space<vmem>> -> memref<8x8x128xf32, #tpu.memory_space<vmem>>
        tpu.wait_dma2 semaphore(%dma_wait3A_454 : memref<!tpu.dma_semaphore, #tpu.memory_space<semaphore_mem>>) src(%dma_wait3A_464 : memref<8x8x128xf32, #tpu.memory_space<vmem>>) dst(%dma_wait3A_459 : memref<8x8x128xf32, #tpu.memory_space<hbm>>)
      } else {
      }
      %parallel_loop3A_406 = arith.constant 0 : i32
      %parallel_loop3A_407 = arith.constant 128 : i32
      %parallel_loop3A_408 = arith.constant 1 : i32
      scf.for %parallel_loop3A_440 = %parallel_loop3A_406 to %parallel_loop3A_407 step %parallel_loop3A_408  : i32 {
        %parallel_loop3A_441 = vector.broadcast %parallel_loop3A_440 : i32 to vector<16xi32>
        %parallel_loop3A_442 = arith.constant 3 : i32
        %parallel_loop3A_443 = arith.index_cast %parallel_loop3A_442 : i32 to index
        %parallel_loop3A_444 = arith.index_cast %parallel_loop3A_440 : i32 to index
        %parallel_loop3A_445 = arith.constant 0 : index
        %parallel_loop3A_446 = tpu.vector_load %arg6[%parallel_loop3A_443, %parallel_loop3A_444, %parallel_loop3A_445] {strides = array<i32>} : memref<4x128x64xf32, #tpu.memory_space<vmem>>, vector<16xf32>,
        %parallel_loop3A_447 = arith.constant 3 : i32
        %parallel_loop3A_448 = arith.constant 0 : i32
        %parallel_loop3A_449 = arith.constant 0 : i32
        %parallel_loop3A_450 = arith.constant 0 : i32
        %parallel_loop3A_451 = tpu.memref_slice %arg7[%parallel_loop3A_447, %parallel_loop3A_448, %parallel_loop3A_449, %parallel_loop3A_450] : memref<4x8x8x137xf32, #tpu.memory_space<vmem>> -> memref<1x8x8x137xf32, #tpu.memory_space<vmem>>
        %parallel_loop3A_452 = tpu.memref_squeeze %parallel_loop3A_451 : memref<1x8x8x137xf32, #tpu.memory_space<vmem>> -> memref<8x8x137xf32, #tpu.memory_space<vmem>>
        tpu.vector_store_idx %parallel_loop3A_452[%shift_right_arithmetic3A_7, %and3A_30, %parallel_loop3A_441], %parallel_loop3A_446 : memref<8x8x137xf32, #tpu.memory_space<vmem>>[vector<16xi32>, vector<16xi32>, vector<16xi32>], vector<16xf32>,
        %parallel_loop3A_453 = arith.constant 3 : i32
        %parallel_loop3A_454 = arith.index_cast %parallel_loop3A_453 : i32 to index
        %parallel_loop3A_455 = arith.index_cast %parallel_loop3A_440 : i32 to index
        %parallel_loop3A_456 = arith.constant 16 : index
        %parallel_loop3A_457 = tpu.vector_load %arg6[%parallel_loop3A_454, %parallel_loop3A_455, %parallel_loop3A_456] {strides = array<i32>} : memref<4x128x64xf32, #tpu.memory_space<vmem>>, vector<16xf32>,
        %parallel_loop3A_458 = arith.constant 3 : i32
        %parallel_loop3A_459 = arith.constant 0 : i32
        %parallel_loop3A_460 = arith.constant 0 : i32
        %parallel_loop3A_461 = arith.constant 0 : i32
        %parallel_loop3A_462 = tpu.memref_slice %arg7[%parallel_loop3A_458, %parallel_loop3A_459, %parallel_loop3A_460, %parallel_loop3A_461] : memref<4x8x8x137xf32, #tpu.memory_space<vmem>> -> memref<1x8x8x137xf32, #tpu.memory_space<vmem>>
        %parallel_loop3A_463 = tpu.memref_squeeze %parallel_loop3A_462 : memref<1x8x8x137xf32, #tpu.memory_space<vmem>> -> memref<8x8x137xf32, #tpu.memory_space<vmem>>
        tpu.vector_store_idx %parallel_loop3A_463[%shift_right_arithmetic3A_13, %and3A_36, %parallel_loop3A_441], %parallel_loop3A_457 : memref<8x8x137xf32, #tpu.memory_space<vmem>>[vector<16xi32>, vector<16xi32>, vector<16xi32>], vector<16xf32>,
        %parallel_loop3A_464 = arith.constant 3 : i32
        %parallel_loop3A_465 = arith.index_cast %parallel_loop3A_464 : i32 to index
        %parallel_loop3A_466 = arith.index_cast %parallel_loop3A_440 : i32 to index
        %parallel_loop3A_467 = arith.constant 32 : index
        %parallel_loop3A_468 = tpu.vector_load %arg6[%parallel_loop3A_465, %parallel_loop3A_466, %parallel_loop3A_467] {strides = array<i32>} : memref<4x128x64xf32, #tpu.memory_space<vmem>>, vector<16xf32>,
        %parallel_loop3A_469 = arith.constant 3 : i32
        %parallel_loop3A_470 = arith.constant 0 : i32
        %parallel_loop3A_471 = arith.constant 0 : i32
        %parallel_loop3A_472 = arith.constant 0 : i32
        %parallel_loop3A_473 = tpu.memref_slice %arg7[%parallel_loop3A_469, %parallel_loop3A_470, %parallel_loop3A_471, %parallel_loop3A_472] : memref<4x8x8x137xf32, #tpu.memory_space<vmem>> -> memref<1x8x8x137xf32, #tpu.memory_space<vmem>>
        %parallel_loop3A_474 = tpu.memref_squeeze %parallel_loop3A_473 : memref<1x8x8x137xf32, #tpu.memory_space<vmem>> -> memref<8x8x137xf32, #tpu.memory_space<vmem>>
        tpu.vector_store_idx %parallel_loop3A_474[%shift_right_arithmetic3A_19, %and3A_42, %parallel_loop3A_441], %parallel_loop3A_468 : memref<8x8x137xf32, #tpu.memory_space<vmem>>[vector<16xi32>, vector<16xi32>, vector<16xi32>], vector<16xf32>,
        %parallel_loop3A_475 = arith.constant 3 : i32
        %parallel_loop3A_476 = arith.index_cast %parallel_loop3A_475 : i32 to index
        %parallel_loop3A_477 = arith.index_cast %parallel_loop3A_440 : i32 to index
        %parallel_loop3A_478 = arith.constant 48 : index
        %parallel_loop3A_479 = tpu.vector_load %arg6[%parallel_loop3A_476, %parallel_loop3A_477, %parallel_loop3A_478] {strides = array<i32>} : memref<4x128x64xf32, #tpu.memory_space<vmem>>, vector<16xf32>,
        %parallel_loop3A_480 = arith.constant 3 : i32
        %parallel_loop3A_481 = arith.constant 0 : i32
        %parallel_loop3A_482 = arith.constant 0 : i32
        %parallel_loop3A_483 = arith.constant 0 : i32
        %parallel_loop3A_484 = tpu.memref_slice %arg7[%parallel_loop3A_480, %parallel_loop3A_481, %parallel_loop3A_482, %parallel_loop3A_483] : memref<4x8x8x137xf32, #tpu.memory_space<vmem>> -> memref<1x8x8x137xf32, #tpu.memory_space<vmem>>
        %parallel_loop3A_485 = tpu.memref_squeeze %parallel_loop3A_484 : memref<1x8x8x137xf32, #tpu.memory_space<vmem>> -> memref<8x8x137xf32, #tpu.memory_space<vmem>>
        tpu.vector_store_idx %parallel_loop3A_485[%shift_right_arithmetic3A_25, %and3A_48, %parallel_loop3A_441], %parallel_loop3A_479 : memref<8x8x137xf32, #tpu.memory_space<vmem>>[vector<16xi32>, vector<16xi32>, vector<16xi32>], vector<16xf32>,
      } {sc.loop_unroll_factor = 8 : i64, sc.parallel_access}
      %add3A_409 = arith.constant 4 : i32
      %add3A_410 = arith.addi %add3A_385, %add3A_409 : i32
      %lt3A_411 = arith.constant 200 : i32
      %lt3A_412 = arith.cmpi slt, %add3A_410, %lt3A_411 : i32
      %convert_element_type3A_413 = arith.extui %lt3A_412 : i1 to i32
      %cond3A_414 = arith.constant 0 : i32
      %cond3A_415 = arith.cmpi ne, %convert_element_type3A_413, %cond3A_414 : i32
      scf.if %cond3A_415 {
        %add3A_440 = arith.constant 4 : i32
        %add3A_441 = arith.addi %add3A_385, %add3A_440 : i32
        %dma_start3A_442 = arith.constant 3 : i32
        %dma_start3A_443 = arith.constant 3 : i32
        %dma_start3A_444 = arith.constant 0 : i32
        %dma_start3A_445 = arith.constant 0 : i32
        %dma_start3A_446 = tpu.memref_slice %arg6[%dma_start3A_442, %dma_start3A_444, %dma_start3A_445] : memref<4x128x64xf32, #tpu.memory_space<vmem>> -> memref<1x128x64xf32, #tpu.memory_space<vmem>>
        %dma_start3A_447 = tpu.memref_squeeze %dma_start3A_446 : memref<1x128x64xf32, #tpu.memory_space<vmem>> -> memref<128x64xf32, #tpu.memory_space<vmem>>
        %dma_start3A_448 = arith.constant 0 : i32
        %dma_start3A_449 = tpu.memref_slice %arg5[%add3A_441, %dma_start3A_448] : memref<200x128xi32, #tpu.memory_space<vmem>> -> memref<1x128xi32, #tpu.memory_space<vmem>>
        %dma_start3A_450 = tpu.memref_squeeze %dma_start3A_449 : memref<1x128xi32, #tpu.memory_space<vmem>> -> memref<128xi32, #tpu.memory_space<vmem>>
        %dma_start3A_451 = arith.constant 0 : i32
        %dma_start3A_452 = arith.constant 0 : i32
        %dma_start3A_453 = tpu.memref_slice %arg3[%dma_start3A_451, %dma_start3A_452] : memref<100000x64xf32, #tpu.memory_space<hbm>> -> memref<100000x64xf32, #tpu.memory_space<hbm>>
        %dma_start3A_454 = tpu.memref_slice %arg8[%dma_start3A_443] : memref<4x!tpu.dma_semaphore, #tpu.memory_space<semaphore_mem>> -> memref<1x!tpu.dma_semaphore, #tpu.memory_space<semaphore_mem>>
        %dma_start3A_455 = tpu.memref_squeeze %dma_start3A_454 : memref<1x!tpu.dma_semaphore, #tpu.memory_space<semaphore_mem>> -> memref<!tpu.dma_semaphore, #tpu.memory_space<semaphore_mem>>
        tpu.enqueue_indirect_dma source(%dma_start3A_453 : memref<100000x64xf32, #tpu.memory_space<hbm>>) target(%dma_start3A_447 : memref<128x64xf32, #tpu.memory_space<vmem>>) offsets(%dma_start3A_450 : memref<128xi32, #tpu.memory_space<vmem>>) semaphore(%dma_start3A_455 : memref<!tpu.dma_semaphore, #tpu.memory_space<semaphore_mem>>)
      } else {
      }
      %dma_start3A_416 = arith.constant 3 : i32
      %dma_start3A_417 = arith.constant 3 : i32
      %dma_start3A_418 = arith.constant 0 : i32
      %dma_start3A_419 = arith.constant 0 : i32
      %dma_start3A_420 = arith.constant 0 : i32
      %dma_start3A_421 = tpu.memref_slice %arg7[%dma_start3A_416, %dma_start3A_418, %dma_start3A_419, %dma_start3A_420] : memref<4x8x8x137xf32, #tpu.memory_space<vmem>> -> memref<1x8x8x128xf32, #tpu.memory_space<vmem>>
      %dma_start3A_422 = tpu.memref_squeeze %dma_start3A_421 : memref<1x8x8x128xf32, #tpu.memory_space<vmem>> -> memref<8x8x128xf32, #tpu.memory_space<vmem>>
      %dma_start3A_423 = arith.constant 0 : i32
      %dma_start3A_424 = arith.constant 0 : i32
      %dma_start3A_425 = arith.constant 0 : i32
      %dma_start3A_426 = tpu.memref_slice %arg4[%add3A_385, %dma_start3A_423, %add3A, %dma_start3A_424, %dma_start3A_425] : memref<200x8x32x8x128xf32, #tpu.memory_space<hbm>> -> memref<1x8x1x8x128xf32, #tpu.memory_space<hbm>>
      %dma_start3A_427 = tpu.memref_squeeze %dma_start3A_426 : memref<1x8x1x8x128xf32, #tpu.memory_space<hbm>> -> memref<8x8x128xf32, #tpu.memory_space<hbm>>
      %dma_start3A_428 = tpu.memref_slice %arg9[%dma_start3A_417] : memref<4x!tpu.dma_semaphore, #tpu.memory_space<semaphore_mem>> -> memref<1x!tpu.dma_semaphore, #tpu.memory_space<semaphore_mem>>
      %dma_start3A_429 = tpu.memref_squeeze %dma_start3A_428 : memref<1x!tpu.dma_semaphore, #tpu.memory_space<semaphore_mem>> -> memref<!tpu.dma_semaphore, #tpu.memory_space<semaphore_mem>>
      %dma_start3A_430 = arith.constant 0 : i32
      %dma_start3A_431 = arith.constant 0 : i32
      %dma_start3A_432 = arith.constant 0 : i32
      %dma_start3A_433 = tpu.memref_slice %arg4[%add3A_385, %dma_start3A_430, %add3A, %dma_start3A_431, %dma_start3A_432] : memref<200x8x32x8x128xf32, #tpu.memory_space<hbm>> -> memref<1x8x1x8x128xf32, #tpu.memory_space<hbm>>
      %dma_start3A_434 = tpu.memref_squeeze %dma_start3A_433 : memref<1x8x1x8x128xf32, #tpu.memory_space<hbm>> -> memref<8x8x128xf32, #tpu.memory_space<hbm>>
      %dma_start3A_435 = arith.constant 0 : i32
      %dma_start3A_436 = arith.constant 0 : i32
      %dma_start3A_437 = arith.constant 0 : i32
      %dma_start3A_438 = tpu.memref_slice %arg7[%dma_start3A_416, %dma_start3A_435, %dma_start3A_436, %dma_start3A_437] : memref<4x8x8x137xf32, #tpu.memory_space<vmem>> -> memref<1x8x8x128xf32, #tpu.memory_space<vmem>>
      %dma_start3A_439 = tpu.memref_squeeze %dma_start3A_438 : memref<1x8x8x128xf32, #tpu.memory_space<vmem>> -> memref<8x8x128xf32, #tpu.memory_space<vmem>>
      tpu.enqueue_dma source(%dma_start3A_439 : memref<8x8x128xf32, #tpu.memory_space<vmem>>) target(%dma_start3A_434 : memref<8x8x128xf32, #tpu.memory_space<hbm>>) target_semaphore(%dma_start3A_429 : memref<!tpu.dma_semaphore, #tpu.memory_space<semaphore_mem>>)
    }
    %scan3A_112 = arith.constant 50 : i32
    %dma_wait3A = arith.constant 0 : i32
    %dma_wait3A_113 = arith.constant 0 : i32
    %dma_wait3A_114 = arith.constant 0 : i32
    %dma_wait3A_115 = arith.constant 0 : i32
    %dma_wait3A_116 = arith.constant 0 : i32
    %dma_wait3A_117 = arith.constant 0 : i32
    %dma_wait3A_118 = tpu.memref_slice %arg7[%dma_wait3A, %dma_wait3A_115, %dma_wait3A_116, %dma_wait3A_117] : memref<4x8x8x137xf32, #tpu.memory_space<vmem>> -> memref<1x8x8x128xf32, #tpu.memory_space<vmem>>
    %dma_wait3A_119 = tpu.memref_squeeze %dma_wait3A_118 : memref<1x8x8x128xf32, #tpu.memory_space<vmem>> -> memref<8x8x128xf32, #tpu.memory_space<vmem>>
    %dma_wait3A_120 = arith.constant 0 : i32
    %dma_wait3A_121 = arith.constant 0 : i32
    %dma_wait3A_122 = arith.constant 0 : i32
    %dma_wait3A_123 = tpu.memref_slice %arg4[%dma_wait3A_113, %dma_wait3A_120, %add3A, %dma_wait3A_121, %dma_wait3A_122] : memref<200x8x32x8x128xf32, #tpu.memory_space<hbm>> -> memref<1x8x1x8x128xf32, #tpu.memory_space<hbm>>
    %dma_wait3A_124 = tpu.memref_squeeze %dma_wait3A_123 : memref<1x8x1x8x128xf32, #tpu.memory_space<hbm>> -> memref<8x8x128xf32, #tpu.memory_space<hbm>>
    %dma_wait3A_125 = tpu.memref_slice %arg9[%dma_wait3A_114] : memref<4x!tpu.dma_semaphore, #tpu.memory_space<semaphore_mem>> -> memref<1x!tpu.dma_semaphore, #tpu.memory_space<semaphore_mem>>
    %dma_wait3A_126 = tpu.memref_squeeze %dma_wait3A_125 : memref<1x!tpu.dma_semaphore, #tpu.memory_space<semaphore_mem>> -> memref<!tpu.dma_semaphore, #tpu.memory_space<semaphore_mem>>
    %dma_wait3A_127 = arith.constant 0 : i32
    %dma_wait3A_128 = arith.constant 0 : i32
    %dma_wait3A_129 = arith.constant 0 : i32
    %dma_wait3A_130 = tpu.memref_slice %arg4[%dma_wait3A_113, %dma_wait3A_127, %add3A, %dma_wait3A_128, %dma_wait3A_129] : memref<200x8x32x8x128xf32, #tpu.memory_space<hbm>> -> memref<1x8x1x8x128xf32, #tpu.memory_space<hbm>>
    %dma_wait3A_131 = tpu.memref_squeeze %dma_wait3A_130 : memref<1x8x1x8x128xf32, #tpu.memory_space<hbm>> -> memref<8x8x128xf32, #tpu.memory_space<hbm>>
    %dma_wait3A_132 = arith.constant 0 : i32
    %dma_wait3A_133 = arith.constant 0 : i32
    %dma_wait3A_134 = arith.constant 0 : i32
    %dma_wait3A_135 = tpu.memref_slice %arg7[%dma_wait3A, %dma_wait3A_132, %dma_wait3A_133, %dma_wait3A_134] : memref<4x8x8x137xf32, #tpu.memory_space<vmem>> -> memref<1x8x8x128xf32, #tpu.memory_space<vmem>>
    %dma_wait3A_136 = tpu.memref_squeeze %dma_wait3A_135 : memref<1x8x8x128xf32, #tpu.memory_space<vmem>> -> memref<8x8x128xf32, #tpu.memory_space<vmem>>
    tpu.wait_dma2 semaphore(%dma_wait3A_126 : memref<!tpu.dma_semaphore, #tpu.memory_space<semaphore_mem>>) src(%dma_wait3A_136 : memref<8x8x128xf32, #tpu.memory_space<vmem>>) dst(%dma_wait3A_131 : memref<8x8x128xf32, #tpu.memory_space<hbm>>)
    %dma_wait3A_137 = arith.constant 1 : i32
    %dma_wait3A_138 = arith.constant 0 : i32
    %dma_wait3A_139 = arith.constant 1 : i32
    %dma_wait3A_140 = arith.constant 0 : i32
    %dma_wait3A_141 = arith.constant 0 : i32
    %dma_wait3A_142 = arith.constant 0 : i32
    %dma_wait3A_143 = tpu.memref_slice %arg7[%dma_wait3A_137, %dma_wait3A_140, %dma_wait3A_141, %dma_wait3A_142] : memref<4x8x8x137xf32, #tpu.memory_space<vmem>> -> memref<1x8x8x128xf32, #tpu.memory_space<vmem>>
    %dma_wait3A_144 = tpu.memref_squeeze %dma_wait3A_143 : memref<1x8x8x128xf32, #tpu.memory_space<vmem>> -> memref<8x8x128xf32, #tpu.memory_space<vmem>>
    %dma_wait3A_145 = arith.constant 0 : i32
    %dma_wait3A_146 = arith.constant 0 : i32
    %dma_wait3A_147 = arith.constant 0 : i32
    %dma_wait3A_148 = tpu.memref_slice %arg4[%dma_wait3A_138, %dma_wait3A_145, %add3A, %dma_wait3A_146, %dma_wait3A_147] : memref<200x8x32x8x128xf32, #tpu.memory_space<hbm>> -> memref<1x8x1x8x128xf32, #tpu.memory_space<hbm>>
    %dma_wait3A_149 = tpu.memref_squeeze %dma_wait3A_148 : memref<1x8x1x8x128xf32, #tpu.memory_space<hbm>> -> memref<8x8x128xf32, #tpu.memory_space<hbm>>
    %dma_wait3A_150 = tpu.memref_slice %arg9[%dma_wait3A_139] : memref<4x!tpu.dma_semaphore, #tpu.memory_space<semaphore_mem>> -> memref<1x!tpu.dma_semaphore, #tpu.memory_space<semaphore_mem>>
    %dma_wait3A_151 = tpu.memref_squeeze %dma_wait3A_150 : memref<1x!tpu.dma_semaphore, #tpu.memory_space<semaphore_mem>> -> memref<!tpu.dma_semaphore, #tpu.memory_space<semaphore_mem>>
    %dma_wait3A_152 = arith.constant 0 : i32
    %dma_wait3A_153 = arith.constant 0 : i32
    %dma_wait3A_154 = arith.constant 0 : i32
    %dma_wait3A_155 = tpu.memref_slice %arg4[%dma_wait3A_138, %dma_wait3A_152, %add3A, %dma_wait3A_153, %dma_wait3A_154] : memref<200x8x32x8x128xf32, #tpu.memory_space<hbm>> -> memref<1x8x1x8x128xf32, #tpu.memory_space<hbm>>
    %dma_wait3A_156 = tpu.memref_squeeze %dma_wait3A_155 : memref<1x8x1x8x128xf32, #tpu.memory_space<hbm>> -> memref<8x8x128xf32, #tpu.memory_space<hbm>>
    %dma_wait3A_157 = arith.constant 0 : i32
    %dma_wait3A_158 = arith.constant 0 : i32
    %dma_wait3A_159 = arith.constant 0 : i32
    %dma_wait3A_160 = tpu.memref_slice %arg7[%dma_wait3A_137, %dma_wait3A_157, %dma_wait3A_158, %dma_wait3A_159] : memref<4x8x8x137xf32, #tpu.memory_space<vmem>> -> memref<1x8x8x128xf32, #tpu.memory_space<vmem>>
    %dma_wait3A_161 = tpu.memref_squeeze %dma_wait3A_160 : memref<1x8x8x128xf32, #tpu.memory_space<vmem>> -> memref<8x8x128xf32, #tpu.memory_space<vmem>>
    tpu.wait_dma2 semaphore(%dma_wait3A_151 : memref<!tpu.dma_semaphore, #tpu.memory_space<semaphore_mem>>) src(%dma_wait3A_161 : memref<8x8x128xf32, #tpu.memory_space<vmem>>) dst(%dma_wait3A_156 : memref<8x8x128xf32, #tpu.memory_space<hbm>>)
    %dma_wait3A_162 = arith.constant 2 : i32
    %dma_wait3A_163 = arith.constant 0 : i32
    %dma_wait3A_164 = arith.constant 2 : i32
    %dma_wait3A_165 = arith.constant 0 : i32
    %dma_wait3A_166 = arith.constant 0 : i32
    %dma_wait3A_167 = arith.constant 0 : i32
    %dma_wait3A_168 = tpu.memref_slice %arg7[%dma_wait3A_162, %dma_wait3A_165, %dma_wait3A_166, %dma_wait3A_167] : memref<4x8x8x137xf32, #tpu.memory_space<vmem>> -> memref<1x8x8x128xf32, #tpu.memory_space<vmem>>
    %dma_wait3A_169 = tpu.memref_squeeze %dma_wait3A_168 : memref<1x8x8x128xf32, #tpu.memory_space<vmem>> -> memref<8x8x128xf32, #tpu.memory_space<vmem>>
    %dma_wait3A_170 = arith.constant 0 : i32
    %dma_wait3A_171 = arith.constant 0 : i32
    %dma_wait3A_172 = arith.constant 0 : i32
    %dma_wait3A_173 = tpu.memref_slice %arg4[%dma_wait3A_163, %dma_wait3A_170, %add3A, %dma_wait3A_171, %dma_wait3A_172] : memref<200x8x32x8x128xf32, #tpu.memory_space<hbm>> -> memref<1x8x1x8x128xf32, #tpu.memory_space<hbm>>
    %dma_wait3A_174 = tpu.memref_squeeze %dma_wait3A_173 : memref<1x8x1x8x128xf32, #tpu.memory_space<hbm>> -> memref<8x8x128xf32, #tpu.memory_space<hbm>>
    %dma_wait3A_175 = tpu.memref_slice %arg9[%dma_wait3A_164] : memref<4x!tpu.dma_semaphore, #tpu.memory_space<semaphore_mem>> -> memref<1x!tpu.dma_semaphore, #tpu.memory_space<semaphore_mem>>
    %dma_wait3A_176 = tpu.memref_squeeze %dma_wait3A_175 : memref<1x!tpu.dma_semaphore, #tpu.memory_space<semaphore_mem>> -> memref<!tpu.dma_semaphore, #tpu.memory_space<semaphore_mem>>
    %dma_wait3A_177 = arith.constant 0 : i32
    %dma_wait3A_178 = arith.constant 0 : i32
    %dma_wait3A_179 = arith.constant 0 : i32
    %dma_wait3A_180 = tpu.memref_slice %arg4[%dma_wait3A_163, %dma_wait3A_177, %add3A, %dma_wait3A_178, %dma_wait3A_179] : memref<200x8x32x8x128xf32, #tpu.memory_space<hbm>> -> memref<1x8x1x8x128xf32, #tpu.memory_space<hbm>>
    %dma_wait3A_181 = tpu.memref_squeeze %dma_wait3A_180 : memref<1x8x1x8x128xf32, #tpu.memory_space<hbm>> -> memref<8x8x128xf32, #tpu.memory_space<hbm>>
    %dma_wait3A_182 = arith.constant 0 : i32
    %dma_wait3A_183 = arith.constant 0 : i32
    %dma_wait3A_184 = arith.constant 0 : i32
    %dma_wait3A_185 = tpu.memref_slice %arg7[%dma_wait3A_162, %dma_wait3A_182, %dma_wait3A_183, %dma_wait3A_184] : memref<4x8x8x137xf32, #tpu.memory_space<vmem>> -> memref<1x8x8x128xf32, #tpu.memory_space<vmem>>
    %dma_wait3A_186 = tpu.memref_squeeze %dma_wait3A_185 : memref<1x8x8x128xf32, #tpu.memory_space<vmem>> -> memref<8x8x128xf32, #tpu.memory_space<vmem>>
    tpu.wait_dma2 semaphore(%dma_wait3A_176 : memref<!tpu.dma_semaphore, #tpu.memory_space<semaphore_mem>>) src(%dma_wait3A_186 : memref<8x8x128xf32, #tpu.memory_space<vmem>>) dst(%dma_wait3A_181 : memref<8x8x128xf32, #tpu.memory_space<hbm>>)
    %dma_wait3A_187 = arith.constant 3 : i32
    %dma_wait3A_188 = arith.constant 0 : i32
    %dma_wait3A_189 = arith.constant 3 : i32
    %dma_wait3A_190 = arith.constant 0 : i32
    %dma_wait3A_191 = arith.constant 0 : i32
    %dma_wait3A_192 = arith.constant 0 : i32
    %dma_wait3A_193 = tpu.memref_slice %arg7[%dma_wait3A_187, %dma_wait3A_190, %dma_wait3A_191, %dma_wait3A_192] : memref<4x8x8x137xf32, #tpu.memory_space<vmem>> -> memref<1x8x8x128xf32, #tpu.memory_space<vmem>>
    %dma_wait3A_194 = tpu.memref_squeeze %dma_wait3A_193 : memref<1x8x8x128xf32, #tpu.memory_space<vmem>> -> memref<8x8x128xf32, #tpu.memory_space<vmem>>
    %dma_wait3A_195 = arith.constant 0 : i32
    %dma_wait3A_196 = arith.constant 0 : i32
    %dma_wait3A_197 = arith.constant 0 : i32
    %dma_wait3A_198 = tpu.memref_slice %arg4[%dma_wait3A_188, %dma_wait3A_195, %add3A, %dma_wait3A_196, %dma_wait3A_197] : memref<200x8x32x8x128xf32, #tpu.memory_space<hbm>> -> memref<1x8x1x8x128xf32, #tpu.memory_space<hbm>>
    %dma_wait3A_199 = tpu.memref_squeeze %dma_wait3A_198 : memref<1x8x1x8x128xf32, #tpu.memory_space<hbm>> -> memref<8x8x128xf32, #tpu.memory_space<hbm>>
    %dma_wait3A_200 = tpu.memref_slice %arg9[%dma_wait3A_189] : memref<4x!tpu.dma_semaphore, #tpu.memory_space<semaphore_mem>> -> memref<1x!tpu.dma_semaphore, #tpu.memory_space<semaphore_mem>>
    %dma_wait3A_201 = tpu.memref_squeeze %dma_wait3A_200 : memref<1x!tpu.dma_semaphore, #tpu.memory_space<semaphore_mem>> -> memref<!tpu.dma_semaphore, #tpu.memory_space<semaphore_mem>>
    %dma_wait3A_202 = arith.constant 0 : i32
    %dma_wait3A_203 = arith.constant 0 : i32
    %dma_wait3A_204 = arith.constant 0 : i32
    %dma_wait3A_205 = tpu.memref_slice %arg4[%dma_wait3A_188, %dma_wait3A_202, %add3A, %dma_wait3A_203, %dma_wait3A_204] : memref<200x8x32x8x128xf32, #tpu.memory_space<hbm>> -> memref<1x8x1x8x128xf32, #tpu.memory_space<hbm>>
    %dma_wait3A_206 = tpu.memref_squeeze %dma_wait3A_205 : memref<1x8x1x8x128xf32, #tpu.memory_space<hbm>> -> memref<8x8x128xf32, #tpu.memory_space<hbm>>
    %dma_wait3A_207 = arith.constant 0 : i32
    %dma_wait3A_208 = arith.constant 0 : i32
    %dma_wait3A_209 = arith.constant 0 : i32
    %dma_wait3A_210 = tpu.memref_slice %arg7[%dma_wait3A_187, %dma_wait3A_207, %dma_wait3A_208, %dma_wait3A_209] : memref<4x8x8x137xf32, #tpu.memory_space<vmem>> -> memref<1x8x8x128xf32, #tpu.memory_space<vmem>>
    %dma_wait3A_211 = tpu.memref_squeeze %dma_wait3A_210 : memref<1x8x8x128xf32, #tpu.memory_space<vmem>> -> memref<8x8x128xf32, #tpu.memory_space<vmem>>
    tpu.wait_dma2 semaphore(%dma_wait3A_201 : memref<!tpu.dma_semaphore, #tpu.memory_space<semaphore_mem>>) src(%dma_wait3A_211 : memref<8x8x128xf32, #tpu.memory_space<vmem>>) dst(%dma_wait3A_206 : memref<8x8x128xf32, #tpu.memory_space<hbm>>)
    return
  }
}

</mosaic_0001>

<sc_bundles>
// kernel: kernel.3.cloned.1.call-start
scs
__scs_entry_jumppad:
0x0: {  	(pc) =	sbr.rel $0x88, $3  }
0x1: {  	(tag) =	ssettag $0x0;
	lr =	simm.s32 $0x1  }
0x2: {  	[smem:$0x3F9F] =	sst lr;
	_ =	strace $0xD0000000  }
0x3: {  	_ = 	snop  }
0x4: {  	_ = 	snop  }
0x5: {  	_ = 	snop  }
0x6: {  	_ = 	snop  }
0x7: {  	_ = 	snop  }
__scs_overlays_trampoline_lowered:
0x8: {  	[smem:$0x3FAE] =	sst s0  }
0x9: {  	[smem:$0x3FAF] =	sst s1  }
0xa: {  	[smem:$0x3FB0] =	sst s2  }
0xb: {  	[smem:$0x3FB1] =	sst s3  }
0xc: {  	[smem:$0x3FB2] =	sst s4  }
0xd: {  	[smem:$0x3FB3] =	sst s5  }
0xe: {  	[smem:$0x3FB4] =	sst s6  }
0xf: {  	[smem:$0x3FB5] =	sst s7  }
0x10: {  	[smem:$0x3FB6] =	sst s8  }
0x11: {  	[smem:$0x3FB7] =	sst s9;
	s0 =	simm.s32 @!p0 $0x0  }
0x12: {  	s1 =	sld [smem:$0x3F9D];
	s0 =	simm.s32 @p0 $0x1  }
0x13: {  	[smem:$0x3FB8] =	sst s0;
	s0 =	simm.s32 @!p1 $0x0  }
0x14: {  	s2 =	sld [smem:$0x3F9C];
	s0 =	simm.s32 @p1 $0x1  }
0x15: {  	[smem:$0x3FB9] =	sst s0;
	s0 =	simm.s32 @!p2 $0x0  }
0x16: {  	s3 =	sld [smem:$0x3FDB];
	s0 =	simm.s32 @p2 $0x1  }
0x17: {  	s4 =	simm.s32 $0x1BF5;
	[smem:$0x3FBB] =	sst s0  }
0x18: {  	s0 =	sld [smem:$0x3F9E];
	_ =	swait.ge [sflag:s4], $0x0  }
0x19: {  	s7 =	sld [smem:$0x3F9F]  }
0x1a: {  	s8 =	sadd.s32 $0xFFFFE003, lr  }
0x1b: {  	s9 =	sadd.s32 $0xFFFFFEF7, lr;
	s5 =	simm.s32 $0xFFFFFFFF;
	p2 =	slt.u32 s8, $0xFFFFF086  }
0x1c: {  	p1 =	slt.u32 s9, $0xF7A;
	s5 =	simm.s32 @!p2 $0x0  }
0x1d: {  	s5 =	simm.s32 @p1 $0x1;
	p0 =	seq.s32 s7, s2  }
0x1e: {  	s7 =	smul.u32 @!p0 $0xF7A, s2;
	p2 =	seq.s32 @!p0 s5, $0x0  }
0x1f: {  	s9 =	smul.u32 $0xF7A, s1;
	s8 =	simm.s32 @!p0 $0x1BF5;
	p2 =	por !p2, p0  }
0x20: {  	[sflag:s8] =	ssyncset.s32 @!p0 $0xFFFFF086;
	s6 =	sadd.s32 @!p0 s3, s7;
	s7 =	simm.s32 @!p0 $0x108  }
0x21: {  	s3 =	sadd.s32 s3, s9;
	s6 =	sadd.s32 @!p0 $0x88, s6;
	s7 =	simm.s32 @p2 $0x1082  }
0x22: {  	[simem:s7], [sflag:s8] =	dma.local @!p0 [hbm:s6], $0xF7A  }
0x23: {  	s9 =	sor.u32 $0xD0000000, s2;
	s6 =	simm.s32 $0x108;
	_ =	swait.ge @!p0 [sflag:s8], $0x0  }
0x24: {  	s3 =	sadd.s32 $0x88, s3;
	s6 =	simm.s32 @!p1 $0x1082;
	[sflag:s4] =	ssyncset.s32 $0xFFFFF086  }
0x25: {  	[simem:s6], [sflag:s4] =	dma.local [hbm:s3], $0xF7A  }
0x26: {  	[smem:$0x3F9F] =	sst s1;
	(tag) =	ssettag s2;
	_ =	strace s9  }
0x27: {  	s1 =	sld [smem:$0x3FAF]  }
0x28: {  	s2 =	sld [smem:$0x3FB0]  }
0x29: {  	s4 =	sld [smem:$0x3FB2]  }
0x2a: {  	p0 =	seq.s32 s5, $0x0;
	s5 =	sld [smem:$0x3FB3]  }
0x2b: {  	s6 =	sld [smem:$0x3FB4]  }
0x2c: {  	s7 =	sld [smem:$0x3FB5]  }
0x2d: {  	s3 =	simm.s32 $0x108;
	s8 =	sld [smem:$0x3FB6]  }
0x2e: {  	s3 =	simm.s32 @!p0 $0x1082;
	s9 =	sld [smem:$0x3FB7]  }
0x2f: {  	lr =	sadd.s32 s0, s3;
	s0 =	sld [smem:$0x3FAE]  }
0x30: {  	s3 =	sld [smem:$0x3FB1]  }
0x31: {  	[smem:$0x3FBA] =	sst s10  }
0x32: {  	s10 =	sld [smem:$0x3FB8];
	_ =	sdelay $0x3  }
0x33: {  	p0 =	seq.s32 s10, $0x1;
	s10 =	sld [smem:$0x3FBA];
	_ =	sdelay $0x3  }
0x34: {  	[smem:$0x3FBA] =	sst s10  }
0x35: {  	s10 =	sld [smem:$0x3FB9];
	_ =	sdelay $0x3  }
0x36: {  	p1 =	seq.s32 s10, $0x1;
	s10 =	sld [smem:$0x3FBA];
	_ =	sdelay $0x3  }
0x37: {  	[smem:$0x3FBA] =	sst s10  }
0x38: {  	s10 =	sld [smem:$0x3FBB]  }
0x39: {  	_ = 	snop;
	(pc) =	sbr.ind lr, $3  }
0x3a: {  	_ = 	snop  }
0x3b: {  	_ = 	snop  }
0x3c: {  	p2 =	seq.s32 s10, $0x1;
	s10 =	sld [smem:$0x3FBA]  }
0x3d: {  	_ =	shalt  }
0x3e: {  	_ =	shalt  }
0x3f: {  	_ =	shalt  }
0x40: {  	_ =	shalt  }
0x41: {  	_ =	shalt  }
0x42: {  	_ =	shalt  }
0x43: {  	_ =	shalt  }
0x44: {  	_ =	shalt  }
0x45: {  	_ =	shalt  }
0x46: {  	_ =	shalt  }
0x47: {  	_ =	shalt  }
0x48: {  	_ =	shalt  }
0x49: {  	_ =	shalt  }
0x4a: {  	_ =	shalt  }
0x4b: {  	_ =	shalt  }
0x4c: {  	_ =	shalt  }
0x4d: {  	_ =	shalt  }
0x4e: {  	_ =	shalt  }
0x4f: {  	_ =	shalt  }
0x50: {  	_ =	shalt  }
0x51: {  	_ =	shalt  }
0x52: {  	_ =	shalt  }
0x53: {  	_ =	shalt  }
0x54: {  	_ =	shalt  }
0x55: {  	_ =	shalt  }
0x56: {  	_ =	shalt  }
0x57: {  	_ =	shalt  }
0x58: {  	_ =	shalt  }
0x59: {  	_ =	shalt  }
0x5a: {  	_ =	shalt  }
0x5b: {  	_ =	shalt  }
0x5c: {  	_ =	shalt  }
0x5d: {  	_ =	shalt  }
0x5e: {  	_ =	shalt  }
0x5f: {  	_ =	shalt  }
0x60: {  	_ =	shalt  }
0x61: {  	_ =	shalt  }
0x62: {  	_ =	shalt  }
0x63: {  	_ =	shalt  }
0x64: {  	_ =	shalt  }
0x65: {  	_ =	shalt  }
0x66: {  	_ =	shalt  }
0x67: {  	_ =	shalt  }
0x68: {  	_ =	shalt  }
0x69: {  	_ =	shalt  }
0x6a: {  	_ =	shalt  }
0x6b: {  	_ =	shalt  }
0x6c: {  	_ =	shalt  }
0x6d: {  	_ =	shalt  }
0x6e: {  	_ =	shalt  }
0x6f: {  	_ =	shalt  }
0x70: {  	_ =	shalt  }
0x71: {  	_ =	shalt  }
0x72: {  	_ =	shalt  }
0x73: {  	_ =	shalt  }
0x74: {  	_ =	shalt  }
0x75: {  	_ =	shalt  }
0x76: {  	_ =	shalt  }
0x77: {  	_ =	shalt  }
0x78: {  	_ =	shalt  }
0x79: {  	_ =	shalt  }
0x7a: {  	_ =	shalt  }
0x7b: {  	_ =	shalt  }
0x7c: {  	_ =	shalt  }
0x7d: {  	_ =	shalt  }
0x7e: {  	_ =	shalt  }
0x7f: {  	_ =	shalt  }
0x80: {  	_ =	shalt  }
0x81: {  	_ =	shalt  }
0x82: {  	_ =	shalt  }
0x83: {  	_ =	shalt  }
0x84: {  	_ =	shalt  }
0x85: {  	_ =	shalt  }
0x86: {  	_ =	shalt  }
0x87: {  	_ =	shalt  }
.Lfunc_end0:
.L_simem_size_0:
called_computation_lowered:
.L_overlay_start_0:
0x88: {  	s2 =	sld [smem:$0x3FD9]  }
0x89: {  	s3 =	sld [smem:$0x3FFE];
	_ =	sdelay $0x1  }
0x8a: {  	s1 =	srdreg.scid  }
0x8b: {  	s0 =	sand.u32 $0x1, s1  }
0x8c: {  	s17 =	sshll.u32 s0, $0xA;
	s2 =	sadd.s32 s3, s2  }
0x8d: {  	s2 =	sadd.s32 s2, s17  }
0x8e: {  	[smem:$0x3FC6] =	sst s2  }
0x8f: {  	_ = 	snop  }
0x90: {  	s2 =	sld [smem:$0x3FD0];
	(tm) =	ssettm $0x1  }
0x91: {  	s18 =	sld [smem:$0x3FFB];
	_ =	sdelay $0x3  }
0x92: {  	_ =	strace s18  }
0x93: {  	s3 =	sld [smem:$0x3FFC];
	_ =	sdelay $0x3  }
0x94: {  	_ =	strace s3  }
0x95: {  	s3 =	sld [smem:$0x3FFD];
	_ =	sdelay $0x3  }
0x96: {  	_ =	strace s3  }
0x97: {  	_ =	strace $0x8FFFFFFF  }
0x98: {  	s19 =	sld [smem:$0x3FDB];
	_ =	sdelay $0x1  }
0x99: {  	s4 =	simm.s32 $_scs_section_size  }
0x9a: {  	s5 =	simm.s32 $_size__tile_overlayer_lowered;
	s6 =	simm.s32 $_tile_overlayer_lowered  }
0x9b: {  	s22 =	simm.s32 $0x1BFF;
	s21 =	sshll.u32 s6, $0x1;
	s3 =	sadd.s32 s4, s19  }
0x9c: {  	s7 =	simm.s32 $0x0;
	s20 =	sshll.u32 s5, $0x1;
	s5 =	sadd.s32 s21, s3  }
0x9d: {  	[timem:s7], [sflag:s22] =	dma.local [hbm:s5], s20  }
0x9e: {  	_ =	swait.ge [sflag:s22], s20  }
0x9f: {  	s4 =	ssub.s32 $0x0, s20;
	[sflag:s22] =	ssyncset.done $0x0  }
0xa0: {  	[sflag:s22] =	ssyncadd.s32 s4;
	_ =	sdelay $0x1  }
0xa1: {  	s23 =	simm.s32 $0x1B8B  }
0xa2: {  	_ =	swait.ge [sflag:s23], $0x1  }
0xa3: {  	[sflag:s23] =	ssyncset.done $0x0  }
0xa4: {  	s25 =	simm.s32 $0x1B8E;
	s24 =	sld [smem:$0x3FFE];
	[sflag:s23] =	ssyncadd.s32 $0xFFFFFFFF  }
0xa5: {  	s26 =	simm.s32 $execute0_lowered;
	[smem:$0x3FD2] =	sst s25  }
0xa6: {  	s5 =	sshll.u32 s26, $0x1;
	_ =	strace $0x80000046;
	[dreg:$0x1] =	wrdreg $0xFFFFFFFF  }
0xa7: {  	s28 =	simm.s32 $_size_execute0_lowered;
	s3 =	sadd.s32 s3, s5;
	[dreg:$0x0] =	wrdreg $0x0  }
0xa8: {  	s5 =	sshll.u32 s28, $0x1;
	[dreg:$0x2] =	wrdreg s3  }
0xa9: {  	[dreg:$0x3] =	wrdreg s5  }
0xaa: {  	[dreg:$0x4] =	wrdreg $0xC0  }
0xab: {  	_ =	task [dreg:s7], $0x5FFFF  }
0xac: {  	[dreg:$0x1] =	wrdreg $0xFFFFFFFF  }
0xad: {  	[dreg:$0x0] =	wrdreg $0x60  }
0xae: {  	[dreg:$0x2] =	wrdreg s24  }
0xaf: {  	[dreg:$0x3] =	wrdreg s2  }
0xb0: {  	[dreg:$0x4] =	wrdreg $0x9  }
0xb1: {  	_ =	task.clear_ibuf [dreg:s7], $0x5FFFF;
	_ =	strace $0x90000046  }
0xb2: {  	s29 =	simm.s32 $0x9;
	_ =	strace $0x80000048  }
0xb3: {  	_ =	swait.ge [sflag:s29], $0x1  }
0xb4: {  	[sflag:s29] =	ssyncadd.s32 $0xFFFFFFFF  }
0xb5: {  	_ =	strace $0x90000048  }
0xb6: {  	_ =	sfence  }
0xb7: {  	s30 =	sld [smem:$0x0];
	_ =	sdelay $0x2  }
0xb8: {  	s31 =	sshll.u32 s1, $0xD;
	s1 =	sshrl.u32 s1, $0x2  }
0xb9: {  	s3 =	sand.u32 $0x4000, s31;
	s1 =	sadd.s32 s1, s30  }
0xba: {  	s0 =	sor.u32 s3, s0;
	s1 =	sshll.u32 s1, $0x11  }
0xbb: {  	s0 =	sor.u32 s1, s0  }
0xbc: {  	s0 =	sadd.s32 $0x8F2B, s0  }
0xbd: {  	[sflag:s0] =	ssyncadd.remote.s32 $0x1  }
0xbe: {  	_ =	sfence.sel $0xFFFF  }
0xbf: {  	[dreg:$0x0] =	wrdreg $0xFFFFFFFF;
	(pc) =	sbr.abs _section_cstart, $3  }
0xc0: {  	[dreg:$0x1] =	wrdreg $0xFFFFFFFF  }
0xc1: {  	_ =	task.clear_ibuf [dreg:s7], $0x2FFFF;
	_ =	strace $0x9FFFFFFF  }
0xc2: {  	(tm) =	ssettm $0x7FFFFFFF  }
0xc3: {  	_ =	shalt  }
tec
execute0_lowered:
.L_overlay_start_1:
0x0: {  	(tag) =	ssettag $0x1  }
0x1: {  	s0 =	rddreg [dreg:$0x0];
	v0 =	vlaneseq.u32  }
0x2: {  	s1 =	srdreg.scid;
	s3 =	stileid.u32;
	v0 =	vmul.u32 $0x90, v0  }
0x3: {  	s2 =	rddreg [dreg:$0x1];
	v1 =	vimm.s32 $0x0;
	vm0 =	vcmask $0x300;
	s11 =	simm.s32 $0x80;
	s13 =	simm.s32 $0x9  }
0x4: {  	s20 =	simm.s32 $0x1;
	s21 =	simm.s32 $0xE400;
	s22 =	simm.s32 $0x2;
	v1 =	vsel vm0, $0x3, v1;
	v2 =	vadd.s32 $0x900, v0  }
0x5: {  	s23 =	simm.s32 $0x10800;
	s24 =	simm.s32 $0x3;
	s28 =	simm.s32 $0x15000;
	v3 =	vadd.s32 $0x1200, v0;
	v4 =	vadd.s32 $0x1B00, v0;
	v5 =	vor.u32 $0x1, v0  }
0x6: {  	s29 =	simm.s32 $0x5;
	s30 =	simm.s32 $0x6;
	s31 =	simm.s32 $0x7;
	v6 =	vadd.s32 $0x901, v0;
	v7 =	vadd.s32 $0x1201, v0;
	v8 =	vadd.s32 $0x1B01, v0  }
0x7: {  	s1 =	sand.u32 $0x1, s1;
	s4 =	sshll.u32 s3, $0x1;
	s3 =	simm.s32 $0x0;
	v9 =	vor.u32 $0x2, v0;
	v10 =	vadd.s32 $0x902, v0;
	v11 =	vadd.s32 $0x1202, v0  }
0x8: {  	s8 =	sadd.s32 $0x10000, s2;
	s9 =	sadd.s32 $0x18000, s2;
	s5 =	sor.u32 s1, s4;
	v12 =	vadd.s32 $0x1B02, v0;
	v13 =	vor.u32 $0x3, v0;
	v14 =	vadd.s32 $0x903, v0  }
0x9: {  	[smem:$0x7FF] =	sst s3;
	s1 =	ssub.s32 $0x2, s1;
	s4 =	sshll.u32 s5, $0x4;
	v15 =	vadd.s32 $0x1203, v0;
	v16 =	vadd.s32 $0x1B03, v0;
	v17 =	vor.u32 $0x4, v0  }
0xa: {  	_ =	strace $0x80000047;
	s7 =	sshrl.u32 s1, $0x1;
	v18 =	vadd.s32 $0x904, v0;
	v19 =	vadd.s32 $0x1204, v0;
	v20 =	vadd.s32 $0x1B04, v0;
	s6 =	sadd.s32 s4, s0  }
0xb: {  	v21 =	vor.u32 $0x5, v0;
	v22 =	vadd.s32 $0x905, v0;
	v23 =	vadd.s32 $0x1205, v0;
	s4 =	sadd.s32 $0x19400, s0;
	s25 =	ssub.s32 s1, s7;
	s7 =	sadd.s32 $0x8000, s2  }
0xc: {  	v24 =	vadd.s32 $0x1B05, v0;
	v25 =	vor.u32 $0x6, v0;
	v26 =	vadd.s32 $0x906, v0;
	s1 =	simm.s32 $0x8;
	s26 =	sadd.s32 $0x400, s6;
	s6 =	sshll.u32 s5, $0x7  }
0xd: {  	v27 =	vadd.s32 $0x1206, v0;
	v28 =	vadd.s32 $0x1B06, v0;
	v29 =	vor.u32 $0x7, v0;
	s0 =	smax.u32 s25, $0x1;
	s25 =	simm.s32 $0x12C00;
	[dreg:$0x3] =	wrdreg s26  }
0xe: {  	v30 =	vadd.s32 $0x907, v0;
	v31 =	vadd.s32 $0x1207, v0;
	v32 =	vadd.s32 $0x1B07, v0;
	[dreg:$0x4] =	wrdreg s0;
	s26 =	simm.s32 $0x4;
	s0 =	simm.s32 $0x0  }
.LBB2_1:
0xf: {  	s5 =	rddreg [dreg:$0x3];
	s10 =	simm.s32 $0x1000  }
0x10: {  	[tilespmem:s3], [sflag:$0x9] =	stream.strided.gather [hbm4b:s5+s11], $0x6400, s10, s11, $0x38;
	[tilespmem:$0x17400] =	vst v63  }
0x11: {  	_ =	swait.ge [sflag:s13], $0x6400  }
0x12: {  	[sflag:s13] =	ssyncset.done $0x0  }
0x13: {  	s14 =	simm.s32 $0x6400;
	[sflag:s13] =	ssyncadd.s32 $0xFFFF9C00  }
0x14: {  	[tilespmem:s14], [sflag:$0x1] =	stream.indirect.gather [hbm4b:s4+s11], $0x40, s3, s11, $0xb8;
	[tilespmem:$0x17400] =	vst v63  }
0x15: {  	s15 =	simm.s32 $0x8400  }
0x16: {  	[tilespmem:s15], [sflag:$0x2] =	stream.indirect.gather [hbm4b:s4+s11], $0x40, s11, s11, $0xb8;
	[tilespmem:$0x17400] =	vst v63  }
0x17: {  	s16 =	simm.s32 $0x100;
	s17 =	simm.s32 $0xA400  }
0x18: {  	[tilespmem:s17], [sflag:$0x3] =	stream.indirect.gather [hbm4b:s4+s11], $0x40, s16, s11, $0xb8;
	[tilespmem:$0x17400] =	vst v63  }
0x19: {  	s18 =	simm.s32 $0x180;
	s19 =	simm.s32 $0xC400;
	s12 =	simm.s32 $0x0  }
0x1a: {  	[tilespmem:s19], [sflag:$0x4] =	stream.indirect.gather [hbm4b:s4+s11], $0x40, s18, s11, $0xb8;
	[tilespmem:$0x17400] =	vst v63  }
.LBB2_2:
0x1b: {  	s5 =	simm.s32 $0x0;
	s19 =	simm.s32 $0x1;
	s14 =	simm.s32 $0x2  }
0x1c: {  	s10 =	simm.s32 $0x3;
	s16 =	simm.s32 $0x4;
	s15 =	simm.s32 $0x7;
	v33 =	vmov s5;
	v34 =	vmov s19;
	v35 =	vmov s14  }
0x1d: {  	_ =	swait.ge [sflag:s20], $0x2000;
	s17 =	simm.s32 $0x5;
	s18 =	simm.s32 $0x6;
	v36 =	vmov s10;
	v37 =	vmov s16;
	v38 =	vmov s15  }
0x1e: {  	p0 =	seq.s32 s12, $0x0;
	[sflag:s20] =	ssyncset.done $0x0;
	v39 =	vmov s17;
	v40 =	vmov s18;
	v33 =	vshrl.u32 v33, $0x3  }
0x1f: {  	s14 =	simm.s32 @!p0 $0x5;
	[sflag:s20] =	ssyncadd.s32 $0xFFFFE000;
	v38 =	vshrl.u32 v38, $0x3;
	v34 =	vshrl.u32 v34, $0x3;
	v35 =	vshrl.u32 v35, $0x3  }
0x20: {  	v36 =	vshrl.u32 v36, $0x3;
	v37 =	vshrl.u32 v37, $0x3;
	_ =	swait.ge @!p0 [sflag:s14], $0x2000;
	v38 =	vshll.u32 v38, v1  }
0x21: {  	v55 =	vshrl.u32 v39, $0x3;
	v33 =	vshll.u32 v33, v1;
	[sflag:s14] =	ssyncset.done @!p0 $0x0;
	v38 =	vbroadcast v38, $0x0  }
0x22: {  	s15 =	simm.s32 $0x6500;
	v40 =	vshrl.u32 v40, $0x3;
	v34 =	vshll.u32 v34, v1;
	v33 =	vbroadcast v33, $0x0;
	[sflag:s14] =	ssyncadd.s32 @!p0 $0xFFFFE000  }
0x23: {  	v51 =	vshll.u32 v35, v1;
	v47 =	vbroadcast v34, $0x0;
	v41 =	vld [tilespmem:s15+$0xC0];
	v42 =	vadd.s32 v29, v38  }
0x24: {  	v52 =	vshll.u32 v36, v1;
	v53 =	vbroadcast v51, $0x0;
	v43 =	vld [tilespmem:s15+$0xFFFFFF00];
	v44 =	vadd.s32 v0, v33  }
0x25: {  	v54 =	vshll.u32 v37, v1;
	v35 =	vbroadcast v52, $0x0;
	v45 =	vld [tilespmem:s15+$0xFFFFFF40];
	v46 =	vadd.s32 v5, v47  }
0x26: {  	v36 =	vshll.u32 v55, v1;
	v34 =	vbroadcast v54, $0x0;
	v48 =	vld [tilespmem:s15+$0xFFFFFF80];
	v49 =	vadd.s32 v9, v53  }
0x27: {  	v56 =	vshll.u32 v40, v1;
	v37 =	vbroadcast v36, $0x0;
	v39 =	vld [tilespmem:s15+$0xFFFFFFC0];
	v50 =	vadd.s32 v13, v35  }
0x28: {  	v36 =	vbroadcast v56, $0x0;
	v51 =	vld [tilespmem:s15+$0x0];
	v52 =	vadd.s32 v17, v34;
	[tilespmem:v42+s21+$0x0] =	vst.idx.msk $0xffff, v41  }
0x29: {  	v59 =	vld [tilespmem:s15+$0x40];
	v60 =	vadd.s32 v21, v37;
	[tilespmem:v44+s21+$0x0] =	vst.idx.msk $0xffff, v43  }
0x2a: {  	v61 =	vld [tilespmem:s15+$0x80];
	v62 =	vadd.s32 v25, v36;
	[tilespmem:v46+s21+$0x0] =	vst.idx.msk $0xffff, v45  }
0x2b: {  	v58 =	vadd.s32 v30, v38;
	[tilespmem:v49+s21+$0x0] =	vst.idx.msk $0xffff, v48;
	v57 =	vld [tilespmem:s15+$0xD0]  }
0x2c: {  	v63 =	vadd.s32 v6, v47;
	[tilespmem:v50+s21+$0x0] =	vst.idx.msk $0xffff, v39;
	v46 =	vld [tilespmem:s15+$0xFFFFFF50]  }
0x2d: {  	v55 =	vadd.s32 v10, v53;
	[tilespmem:v52+s21+$0x0] =	vst.idx.msk $0xffff, v51;
	v54 =	vld [tilespmem:s15+$0xFFFFFF90]  }
0x2e: {  	v56 =	vadd.s32 v14, v35;
	[tilespmem:v60+s21+$0x0] =	vst.idx.msk $0xffff, v59;
	v50 =	vld [tilespmem:s15+$0xFFFFFFD0]  }
0x2f: {  	[tilespmem:v62+s21+$0x0] =	vst.idx.msk $0xffff, v61;
	v45 =	vadd.s32 v22, v37;
	v44 =	vld [tilespmem:s15+$0x50]  }
0x30: {  	v59 =	vadd.s32 v18, v34;
	[tilespmem:v58+s21+$0x0] =	vst.idx.msk $0xffff, v57;
	v58 =	vld [tilespmem:s15+$0x10]  }
0x31: {  	v57 =	vadd.s32 v31, v38;
	[tilespmem:v63+s21+$0x0] =	vst.idx.msk $0xffff, v46;
	v40 =	vld [tilespmem:s15+$0xE0]  }
0x32: {  	v60 =	vadd.s32 v26, v36;
	[tilespmem:v55+s21+$0x0] =	vst.idx.msk $0xffff, v54;
	v63 =	vld [tilespmem:s15+$0x90]  }
0x33: {  	v62 =	vadd.s32 v2, v33;
	v61 =	vld [tilespmem:s15+$0xFFFFFF10];
	[tilespmem:v56+s21+$0x0] =	vst.idx.msk $0xffff, v50  }
0x34: {  	v51 =	vadd.s32 v7, v47;
	[tilespmem:v45+s21+$0x0] =	vst.idx.msk $0xffff, v44;
	v50 =	vld [tilespmem:s15+$0xFFFFFF60]  }
0x35: {  	v56 =	vadd.s32 v11, v53;
	v55 =	vld [tilespmem:s15+$0xFFFFFFA0];
	[tilespmem:v59+s21+$0x0] =	vst.idx.msk $0xffff, v58  }
0x36: {  	v58 =	vadd.s32 v15, v35;
	[tilespmem:v57+s21+$0x0] =	vst.idx.msk $0xffff, v40;
	v57 =	vld [tilespmem:s15+$0xFFFFFFE0]  }
0x37: {  	[tilespmem:v60+s21+$0x0] =	vst.idx.msk $0xffff, v63;
	v60 =	vadd.s32 v19, v34;
	v59 =	vld [tilespmem:s15+$0x20]  }
0x38: {  	s10 =	simm.s32 $0x9;
	v38 =	vadd.s32 v32, v38;
	[tilespmem:v62+s21+$0x0] =	vst.idx.msk $0xffff, v61;
	v54 =	vld [tilespmem:s15+$0xF0]  }
0x39: {  	s19 =	simm.s32 $0x8;
	v41 =	vadd.s32 v23, v37;
	v52 =	vmov s10;
	[tilespmem:v51+s21+$0x0] =	vst.idx.msk $0xffff, v50;
	v40 =	vld [tilespmem:s15+$0x60]  }
0x3a: {  	s16 =	simm.s32 $0xB;
	s17 =	simm.s32 $0xC;
	v43 =	vadd.s32 v27, v36;
	v48 =	vadd.s32 v3, v33;
	v63 =	vmov s19;
	v42 =	vld [tilespmem:s15+$0xA0];
	[tilespmem:v56+s21+$0x0] =	vst.idx.msk $0xffff, v55  }
0x3b: {  	v44 =	vmov s16;
	v46 =	vmov s17;
	v45 =	vld [tilespmem:s15+$0xFFFFFF20];
	s19 =	simm.s32 $0xE;
	v39 =	vshrl.u32 v63, $0x3;
	[tilespmem:v58+s21+$0x0] =	vst.idx.msk $0xffff, v57  }
0x3c: {  	s18 =	simm.s32 $0xD;
	s14 =	simm.s32 $0xA;
	v51 =	vadd.s32 v8, v47;
	v49 =	vld [tilespmem:s15+$0xFFFFFF70];
	v47 =	vshll.u32 v39, v1;
	v39 =	vmov s19;
	[tilespmem:v60+s21+$0x0] =	vst.idx.msk $0xffff, v59  }
0x3d: {  	s17 =	simm.s32 $0xF;
	s16 =	simm.s32 $0x10;
	v53 =	vadd.s32 v12, v53;
	v50 =	vld [tilespmem:s15+$0xFFFFFFB0];
	[tilespmem:v38+s21+$0x0] =	vst.idx.msk $0xffff, v54;
	v54 =	vmov s14;
	v38 =	vmov s18;
	s14 =	sshll.u32 s12, $0xB  }
.LBB2_3:
0x3e: {  	p1 =	slt.u32 s16, $0x78;
	v52 =	vshrl.u32 v52, $0x3;
	v55 =	vmov s17;
	v56 =	vld [tilespmem:s15+$0xFFFFFFF0];
	v35 =	vadd.s32 v16, v35;
	[tilespmem:v41+s21+$0x0] =	vst.idx.msk $0xffff, v40  }
0x3f: {  	v40 =	vshrl.u32 v54, $0x3;
	v34 =	vadd.s32 v20, v34;
	v41 =	vshrl.u32 v55, $0x3;
	v54 =	vld [tilespmem:s15+$0x30];
	[tilespmem:v43+s21+$0x0] =	vst.idx.msk $0xffff, v42  }
0x40: {  	v37 =	vadd.s32 v24, v37;
	v42 =	vshrl.u32 v44, $0x3;
	v41 =	vshll.u32 v41, v1;
	[tilespmem:v48+s21+$0x0] =	vst.idx.msk $0xffff, v45;
	v43 =	vld [tilespmem:s15+$0x70]  }
0x41: {  	v36 =	vadd.s32 v28, v36;
	v44 =	vshrl.u32 v46, $0x3;
	v41 =	vbroadcast v41, $0x0;
	[tilespmem:v51+s21+$0x0] =	vst.idx.msk $0xffff, v49;
	v45 =	vld [tilespmem:s15+$0xB0]  }
0x42: {  	v46 =	vshll.u32 v52, v1;
	v49 =	vadd.s32 v4, v33;
	v33 =	vbroadcast v47, $0x0;
	v48 =	vld [tilespmem:s15+$0xFFFFFF30];
	[tilespmem:v53+s21+$0x0] =	vst.idx.msk $0xffff, v50;
	s15 =	sadd.s32 $0x200, s15  }
0x43: {  	v40 =	vshll.u32 v40, v1;
	v47 =	vbroadcast v46, $0x0;
	v46 =	vld [tilespmem:s15+$0xC0];
	v50 =	vadd.s32 v29, v41;
	[tilespmem:v35+s21+$0x0] =	vst.idx.msk $0xffff, v56  }
0x44: {  	v53 =	vbroadcast v40, $0x0;
	v52 =	vadd.s32 v0, v33;
	v35 =	vshll.u32 v42, v1;
	v51 =	vld [tilespmem:s15+$0xFFFFFF00];
	[tilespmem:v34+s21+$0x0] =	vst.idx.msk $0xffff, v54  }
0x45: {  	v42 =	vadd.s32 v5, v47;
	v35 =	vbroadcast v35, $0x0;
	v34 =	vshll.u32 v44, v1;
	v40 =	vld [tilespmem:s15+$0xFFFFFF40];
	[tilespmem:v37+s21+$0x0] =	vst.idx.msk $0xffff, v43  }
0x46: {  	v44 =	vadd.s32 v9, v53;
	v34 =	vbroadcast v34, $0x0;
	v37 =	vshrl.u32 v38, $0x3;
	v43 =	vld [tilespmem:s15+$0xFFFFFF80];
	[tilespmem:v36+s21+$0x0] =	vst.idx.msk $0xffff, v45  }
0x47: {  	v39 =	vshrl.u32 v39, $0x3;
	v45 =	vadd.s32 v13, v35;
	v36 =	vshll.u32 v37, v1;
	v38 =	vld [tilespmem:s15+$0xFFFFFFC0];
	[tilespmem:v49+s21+$0x0] =	vst.idx.msk $0xffff, v48  }
0x48: {  	v49 =	vadd.s32 v17, v34;
	v37 =	vbroadcast v36, $0x0;
	v36 =	vshll.u32 v39, v1;
	v48 =	vld [tilespmem:s15+$0x0];
	[tilespmem:v50+s21+$0x0] =	vst.idx.msk $0xffff, v46  }
0x49: {  	v36 =	vbroadcast v36, $0x0;
	v46 =	vadd.s32 v30, v41;
	[tilespmem:v52+s21+$0x0] =	vst.idx.msk $0xffff, v51;
	v39 =	vld [tilespmem:s15+$0xD0]  }
0x4a: {  	[tilespmem:v42+s21+$0x0] =	vst.idx.msk $0xffff, v40;
	v40 =	vld [tilespmem:s15+$0x40];
	v42 =	vadd.s32 v21, v37  }
0x4b: {  	[tilespmem:v44+s21+$0x0] =	vst.idx.msk $0xffff, v43;
	v43 =	vld [tilespmem:s15+$0x80];
	v44 =	vadd.s32 v25, v36  }
0x4c: {  	v51 =	vadd.s32 v6, v47;
	v50 =	vld [tilespmem:s15+$0xFFFFFF50];
	[tilespmem:v45+s21+$0x0] =	vst.idx.msk $0xffff, v38  }
0x4d: {  	v45 =	vadd.s32 v10, v53;
	v38 =	vld [tilespmem:s15+$0xFFFFFF90];
	[tilespmem:v49+s21+$0x0] =	vst.idx.msk $0xffff, v48  }
0x4e: {  	v49 =	vadd.s32 v14, v35;
	v48 =	vld [tilespmem:s15+$0xFFFFFFD0];
	[tilespmem:v46+s21+$0x0] =	vst.idx.msk $0xffff, v39  }
0x4f: {  	[tilespmem:v42+s21+$0x0] =	vst.idx.msk $0xffff, v40;
	v39 =	vld [tilespmem:s15+$0xE0];
	v40 =	vadd.s32 v31, v41  }
0x50: {  	v46 =	vadd.s32 v18, v34;
	v42 =	vld [tilespmem:s15+$0x10];
	[tilespmem:v44+s21+$0x0] =	vst.idx.msk $0xffff, v43  }
0x51: {  	v44 =	vadd.s32 v22, v37;
	[tilespmem:v51+s21+$0x0] =	vst.idx.msk $0xffff, v50;
	v43 =	vld [tilespmem:s15+$0x50]  }
0x52: {  	[tilespmem:v45+s21+$0x0] =	vst.idx.msk $0xffff, v38;
	v38 =	vld [tilespmem:s15+$0x90];
	v45 =	vadd.s32 v26, v36  }
0x53: {  	v51 =	vadd.s32 v2, v33;
	v50 =	vld [tilespmem:s15+$0xFFFFFF10];
	[tilespmem:v49+s21+$0x0] =	vst.idx.msk $0xffff, v48  }
0x54: {  	v49 =	vadd.s32 v7, v47;
	v48 =	vld [tilespmem:s15+$0xFFFFFF60];
	[tilespmem:v40+s21+$0x0] =	vst.idx.msk $0xffff, v39  }
0x55: {  	[tilespmem:v46+s21+$0x0] =	vst.idx.msk $0xffff, v42;
	v39 =	vld [tilespmem:s15+$0xF0];
	v46 =	vadd.s32 v32, v41  }
0x56: {  	v56 =	vadd.s32 v11, v53;
	v55 =	vld [tilespmem:s15+$0xFFFFFFA0];
	[tilespmem:v44+s21+$0x0] =	vst.idx.msk $0xffff, v43  }
0x57: {  	v58 =	vadd.s32 v15, v35;
	v57 =	vld [tilespmem:s15+$0xFFFFFFE0];
	[tilespmem:v45+s21+$0x0] =	vst.idx.msk $0xffff, v38  }
0x58: {  	v60 =	vadd.s32 v19, v34;
	[tilespmem:v51+s21+$0x0] =	vst.idx.msk $0xffff, v50;
	v59 =	vld [tilespmem:s15+$0x20]  }
.Ltmp0:
0x59: {  	s5 =	sadd.s32 $0x1, s16;
	v41 =	vadd.s32 v23, v37;
	v38 =	vmov s16;
	[tilespmem:v49+s21+$0x0] =	vst.idx.msk $0xffff, v48;
	v40 =	vld [tilespmem:s15+$0x60];
	(pc) =	sbr.rel @p1 .LBB2_3-.Ltmp0, $4  }
0x5a: {  	s17 =	sadd.s32 $0x3, s16;
	v52 =	vmov s5;
	s5 =	sadd.s32 $0x2, s16;
	v43 =	vadd.s32 v27, v36;
	v50 =	vshrl.u32 v38, $0x3;
	v42 =	vld [tilespmem:s15+$0xA0];
	[tilespmem:v46+s21+$0x0] =	vst.idx.msk $0xffff, v39  }
0x5b: {  	v54 =	vmov s5;
	s5 =	sadd.s32 $0x4, s16;
	v44 =	vmov s17;
	s17 =	sadd.s32 $0x5, s16;
	v48 =	vadd.s32 v3, v33;
	v45 =	vld [tilespmem:s15+$0xFFFFFF20];
	[tilespmem:v56+s21+$0x0] =	vst.idx.msk $0xffff, v55  }
0x5c: {  	v38 =	vmov s17;
	v51 =	vadd.s32 v8, v47;
	v46 =	vmov s5;
	s5 =	sadd.s32 $0x6, s16;
	v49 =	vld [tilespmem:s15+$0xFFFFFF70];
	[tilespmem:v58+s21+$0x0] =	vst.idx.msk $0xffff, v57  }
0x5d: {  	v53 =	vadd.s32 v12, v53;
	s17 =	sadd.s32 $0x7, s16;
	v47 =	vshll.u32 v50, v1;
	s16 =	sadd.s32 $0x8, s16;
	v39 =	vmov s5;
	v50 =	vld [tilespmem:s15+$0xFFFFFFB0];
	[tilespmem:v60+s21+$0x0] =	vst.idx.msk $0xffff, v59  }
0x5e: {  	_ =	sdelay $0x2  }
0x5f: {  	v52 =	vshrl.u32 v52, $0x3  }
0x60: {  	v55 =	vmov s17;
	v56 =	vld [tilespmem:s15+$0xFFFFFFF0];
	v35 =	vadd.s32 v16, v35;
	[tilespmem:v41+s21+$0x0] =	vst.idx.msk $0xffff, v40;
	v57 =	vshrl.u32 v54, $0x3  }
0x61: {  	v59 =	vld [tilespmem:s15+$0x30];
	v34 =	vadd.s32 v20, v34;
	v60 =	vshrl.u32 v44, $0x3;
	v58 =	vshrl.u32 v55, $0x3;
	[tilespmem:v43+s21+$0x0] =	vst.idx.msk $0xffff, v42  }
0x62: {  	v37 =	vadd.s32 v24, v37;
	v62 =	vshrl.u32 v46, $0x3;
	v61 =	vld [tilespmem:s15+$0x70];
	v41 =	vshll.u32 v58, v1;
	[tilespmem:v48+s21+$0x0] =	vst.idx.msk $0xffff, v45  }
0x63: {  	v36 =	vadd.s32 v28, v36;
	v46 =	vbroadcast v47, $0x0;
	v63 =	vld [tilespmem:s15+$0xB0];
	v41 =	vbroadcast v41, $0x0;
	[tilespmem:v51+s21+$0x0] =	vst.idx.msk $0xffff, v49  }
0x64: {  	v33 =	vadd.s32 v4, v33;
	s16 =	sadd.s32 $0x200, s15;
	v38 =	vshrl.u32 v38, $0x3;
	v55 =	vshll.u32 v52, v1;
	v48 =	vld [tilespmem:s15+$0xFFFFFF30];
	[tilespmem:v53+s21+$0x0] =	vst.idx.msk $0xffff, v50  }
0x65: {  	v40 =	vshll.u32 v57, v1;
	v47 =	vbroadcast v55, $0x0;
	v49 =	vld [tilespmem:s16+$0xC0];
	v50 =	vadd.s32 v29, v41;
	[tilespmem:v35+s21+$0x0] =	vst.idx.msk $0xffff, v56  }
0x66: {  	v42 =	vshll.u32 v60, v1;
	v40 =	vbroadcast v40, $0x0;
	v35 =	vld [tilespmem:s16+$0xFFFFFF00];
	v56 =	vadd.s32 v0, v46;
	[tilespmem:v34+s21+$0x0] =	vst.idx.msk $0xffff, v59  }
0x67: {  	v57 =	vld [tilespmem:s16+$0xFFFFFF40];
	v44 =	vshll.u32 v62, v1;
	v42 =	vbroadcast v42, $0x0;
	v58 =	vadd.s32 v5, v47;
	[tilespmem:v37+s21+$0x0] =	vst.idx.msk $0xffff, v61  }
0x68: {  	v38 =	vshll.u32 v38, v1;
	v44 =	vbroadcast v44, $0x0;
	v60 =	vadd.s32 v9, v40;
	v59 =	vld [tilespmem:s16+$0xFFFFFF80];
	[tilespmem:v36+s21+$0x0] =	vst.idx.msk $0xffff, v63  }
0x69: {  	v38 =	vbroadcast v38, $0x0;
	v62 =	vadd.s32 v13, v42;
	v61 =	vld [tilespmem:s16+$0xFFFFFFC0];
	[tilespmem:v33+s21+$0x0] =	vst.idx.msk $0xffff, v48  }
0x6a: {  	v39 =	vshrl.u32 v39, $0x3;
	v63 =	vadd.s32 v17, v44;
	v33 =	vld [tilespmem:s16+$0x0];
	[tilespmem:v50+s21+$0x0] =	vst.idx.msk $0xffff, v49  }
0x6b: {  	v39 =	vshll.u32 v39, v1;
	v34 =	vld [tilespmem:s16+$0x40];
	[tilespmem:v56+s21+$0x0] =	vst.idx.msk $0xffff, v35;
	v56 =	vadd.s32 v21, v38  }
0x6c: {  	[tilespmem:v58+s21+$0x0] =	vst.idx.msk $0xffff, v57;
	v35 =	vbroadcast v39, $0x0;
	v49 =	vadd.s32 v30, v41;
	v39 =	vld [tilespmem:s16+$0xD0]  }
0x6d: {  	[tilespmem:v60+s21+$0x0] =	vst.idx.msk $0xffff, v59;
	v59 =	vld [tilespmem:s16+$0xFFFFFF50];
	v60 =	vadd.s32 v6, v47  }
0x6e: {  	v57 =	vld [tilespmem:s16+$0x80];
	[tilespmem:v62+s21+$0x0] =	vst.idx.msk $0xffff, v61;
	v58 =	vadd.s32 v25, v35  }
0x6f: {  	v61 =	vld [tilespmem:s16+$0xFFFFFF90];
	v62 =	vadd.s32 v10, v40;
	[tilespmem:v63+s21+$0x0] =	vst.idx.msk $0xffff, v33  }
0x70: {  	v33 =	vld [tilespmem:s16+$0xFFFFFFD0];
	v63 =	vadd.s32 v14, v42;
	[tilespmem:v56+s21+$0x0] =	vst.idx.msk $0xffff, v34  }
0x71: {  	v56 =	vadd.s32 v18, v44;
	[tilespmem:v49+s21+$0x0] =	vst.idx.msk $0xffff, v39;
	v49 =	vld [tilespmem:s16+$0x10]  }
0x72: {  	[tilespmem:v60+s21+$0x0] =	vst.idx.msk $0xffff, v59;
	v39 =	vadd.s32 v31, v41;
	v34 =	vld [tilespmem:s16+$0xE0]  }
0x73: {  	[tilespmem:v58+s21+$0x0] =	vst.idx.msk $0xffff, v57;
	v57 =	vld [tilespmem:s16+$0x50];
	v58 =	vadd.s32 v22, v38  }
0x74: {  	[tilespmem:v62+s21+$0x0] =	vst.idx.msk $0xffff, v61;
	v61 =	vld [tilespmem:s16+$0xFFFFFF10];
	v62 =	vadd.s32 v2, v46  }
0x75: {  	v60 =	vadd.s32 v26, v35;
	v59 =	vld [tilespmem:s16+$0x90];
	[tilespmem:v63+s21+$0x0] =	vst.idx.msk $0xffff, v33  }
0x76: {  	v55 =	vadd.s32 v11, v40;
	v54 =	vadd.s32 v32, v41;
	v41 =	vld [tilespmem:s16+$0xFFFFFFA0];
	[tilespmem:v56+s21+$0x0] =	vst.idx.msk $0xffff, v49  }
0x77: {  	v53 =	vadd.s32 v7, v47;
	v63 =	vld [tilespmem:s16+$0xFFFFFF60];
	[tilespmem:v39+s21+$0x0] =	vst.idx.msk $0xffff, v34  }
0x78: {  	v56 =	vld [tilespmem:s16+$0xFFFFFFE0];
	[tilespmem:v58+s21+$0x0] =	vst.idx.msk $0xffff, v57;
	v57 =	vadd.s32 v15, v42  }
0x79: {  	[tilespmem:v62+s21+$0x0] =	vst.idx.msk $0xffff, v61;
	v34 =	vld [tilespmem:s16+$0xF0]  }
0x7a: {  	v58 =	vld [tilespmem:s16+$0x20];
	[tilespmem:v60+s21+$0x0] =	vst.idx.msk $0xffff, v59;
	v59 =	vadd.s32 v19, v44  }
0x7b: {  	v61 =	vadd.s32 v23, v38;
	[tilespmem:v55+s21+$0x0] =	vst.idx.msk $0xffff, v41;
	v60 =	vld [tilespmem:s16+$0x60]  }
0x7c: {  	[tilespmem:v53+s21+$0x0] =	vst.idx.msk $0xffff, v63;
	v63 =	vadd.s32 v27, v35;
	v62 =	vld [tilespmem:s16+$0xA0]  }
0x7d: {  	v47 =	vadd.s32 v8, v47;
	v55 =	vld [tilespmem:s16+$0xFFFFFF70];
	[tilespmem:v57+s21+$0x0] =	vst.idx.msk $0xffff, v56  }
0x7e: {  	v53 =	vld [tilespmem:s16+$0xFFFFFF20];
	[tilespmem:v54+s21+$0x0] =	vst.idx.msk $0xffff, v34;
	v54 =	vadd.s32 v3, v46  }
0x7f: {  	v40 =	vadd.s32 v12, v40;
	v56 =	vld [tilespmem:s16+$0xFFFFFFB0];
	[tilespmem:v59+s21+$0x0] =	vst.idx.msk $0xffff, v58  }
0x80: {  	v42 =	vadd.s32 v16, v42;
	v57 =	vld [tilespmem:s16+$0xFFFFFFF0];
	[tilespmem:v61+s21+$0x0] =	vst.idx.msk $0xffff, v60  }
0x81: {  	v59 =	vadd.s32 v20, v44;
	v58 =	vld [tilespmem:s16+$0x30];
	[tilespmem:v63+s21+$0x0] =	vst.idx.msk $0xffff, v62  }
0x82: {  	v38 =	vadd.s32 v24, v38;
	v60 =	vld [tilespmem:s16+$0x70];
	[tilespmem:v47+s21+$0x0] =	vst.idx.msk $0xffff, v55  }
0x83: {  	v35 =	vadd.s32 v28, v35;
	v61 =	vld [tilespmem:s16+$0xB0];
	[tilespmem:v54+s21+$0x0] =	vst.idx.msk $0xffff, v53  }
0x84: {  	v63 =	vadd.s32 v4, v46;
	[tilespmem:v40+s21+$0x0] =	vst.idx.msk $0xffff, v56;
	v62 =	vld [tilespmem:s16+$0xFFFFFF30]  }
0x85: {  	[tilespmem:v42+s21+$0x0] =	vst.idx.msk $0xffff, v57  }
0x86: {  	[tilespmem:v59+s21+$0x0] =	vst.idx.msk $0xffff, v58  }
0x87: {  	p1 =	seq.s32 s12, $0x31;
	[tilespmem:v38+s21+$0x0] =	vst.idx.msk $0xffff, v60  }
0x88: {  	s17 =	sshll.u32 s12, $0x11;
	s14 =	sshrl.u32 @!p1 s14, $0x2;
	[tilespmem:v35+s21+$0x0] =	vst.idx.msk $0xffff, v61  }
0x89: {  	s5 =	sadd.s32 @!p1 $0x200, s14;
	s15 =	simm.s32 @!p1 $0x80;
	s16 =	simm.s32 @!p1 $0x6400;
	[tilespmem:v63+s21+$0x0] =	vst.idx.msk $0xffff, v62  }
0x8a: {  	[tilespmem:s16], [sflag:$0x1] =	stream.indirect.gather @!p1 [hbm4b:s4+s15], $0x40, s5, s15, $0xb8;
	[tilespmem:$0x17400] =	vst v63  }
0x8b: {  	s15 =	sor.u32 s6, s17  }
0x8c: {  	s18 =	simm.s32 $0xE400;
	s17 =	sadd.s32 s2, s15  }
0x8d: {  	[hbm4b:s17+s3] =	stream.linear.scatter [tilespmem:s18], [sflag:$0x5], $0x80, $0x38;
	[tilespmem:$0x17400] =	vst v63  }
0x8e: {  	s19 =	simm.s32 $0xE490;
	s10 =	sadd.s32 $0x10, s17  }
0x8f: {  	[hbm4b:s10+s3] =	stream.linear.scatter [tilespmem:s19], [sflag:$0x5], $0x80, $0x38;
	[tilespmem:$0x17400] =	vst v63  }
0x90: {  	s16 =	simm.s32 $0xE520;
	s18 =	sadd.s32 $0x20, s17  }
0x91: {  	[hbm4b:s18+s3] =	stream.linear.scatter [tilespmem:s16], [sflag:$0x5], $0x80, $0x38;
	[tilespmem:$0x17400] =	vst v63  }
0x92: {  	s19 =	simm.s32 $0xE5B0;
	s10 =	sadd.s32 $0x30, s17  }
0x93: {  	[hbm4b:s10+s3] =	stream.linear.scatter [tilespmem:s19], [sflag:$0x5], $0x80, $0x38;
	[tilespmem:$0x17400] =	vst v63  }
0x94: {  	s16 =	simm.s32 $0xE640;
	s18 =	sadd.s32 $0x40, s17  }
0x95: {  	[hbm4b:s18+s3] =	stream.linear.scatter [tilespmem:s16], [sflag:$0x5], $0x80, $0x38;
	[tilespmem:$0x17400] =	vst v63  }
0x96: {  	s5 =	sadd.s32 $0x70, s17;
	s19 =	simm.s32 $0xE6D0;
	s10 =	sadd.s32 $0x50, s17  }
0x97: {  	[hbm4b:s10+s3] =	stream.linear.scatter [tilespmem:s19], [sflag:$0x5], $0x80, $0x38;
	[tilespmem:$0x17400] =	vst v63  }
0x98: {  	s18 =	simm.s32 $0xE760;
	s16 =	simm.s32 $0x480;
	s19 =	sadd.s32 $0x60, s17  }
0x99: {  	[hbm4b:s19+s3] =	stream.linear.scatter [tilespmem:s18], [sflag:$0x5], $0x80, $0x38;
	[tilespmem:$0x17400] =	vst v63  }
0x9a: {  	s17 =	sadd.s32 $0x1000, s17;
	s18 =	simm.s32 $0x2400;
	s19 =	simm.s32 $0xE7F0  }
.LBB2_5:
0x9b: {  	[hbm4b:s5+s3] =	stream.linear.scatter [tilespmem:s19], [sflag:$0x5], $0x80, $0x38;
	[tilespmem:$0x17400] =	vst v63  }
0x9c: {  	s5 =	smov.u32 s16;
	s16 =	smov.u32 s18  }
0x9d: {  	s10 =	sadd.s32 $0x1200, s18;
	s16 =	sshra.s32 s16, $0x2;
	s19 =	sadd.s32 $0xE400, s5  }
0x9e: {  	[hbm4b:s17+s3] =	stream.linear.scatter [tilespmem:s19], [sflag:$0x5], $0x80, $0x38;
	[tilespmem:$0x17400] =	vst v63  }
0x9f: {  	p2 =	sne.s32 s18, $0x7E00;
	s18 =	sadd.s32 $0xE490, s5;
	s19 =	sadd.s32 $0x10, s17  }
0xa0: {  	[hbm4b:s19+s3] =	stream.linear.scatter [tilespmem:s18], [sflag:$0x5], $0x80, $0x38;
	[tilespmem:$0x17400] =	vst v63  }
0xa1: {  	s18 =	sadd.s32 $0xE520, s5;
	s19 =	sadd.s32 $0x20, s17  }
0xa2: {  	[hbm4b:s19+s3] =	stream.linear.scatter [tilespmem:s18], [sflag:$0x5], $0x80, $0x38;
	[tilespmem:$0x17400] =	vst v63  }
0xa3: {  	s18 =	sadd.s32 $0xE5B0, s5;
	s19 =	sadd.s32 $0x30, s17  }
0xa4: {  	[hbm4b:s19+s3] =	stream.linear.scatter [tilespmem:s18], [sflag:$0x5], $0x80, $0x38;
	[tilespmem:$0x17400] =	vst v63  }
0xa5: {  	s18 =	sadd.s32 $0xE640, s5;
	s19 =	sadd.s32 $0x40, s17  }
0xa6: {  	[hbm4b:s19+s3] =	stream.linear.scatter [tilespmem:s18], [sflag:$0x5], $0x80, $0x38;
	[tilespmem:$0x17400] =	vst v63  }
0xa7: {  	s18 =	sadd.s32 $0xE6D0, s5;
	s19 =	sadd.s32 $0x50, s17  }
0xa8: {  	[hbm4b:s19+s3] =	stream.linear.scatter [tilespmem:s18], [sflag:$0x5], $0x80, $0x38;
	[tilespmem:$0x17400] =	vst v63  }
.Ltmp1:
0xa9: {  	_ = 	snop;
	(pc) =	sbr.rel @p2 .LBB2_5-.Ltmp1, $4  }
0xaa: {  	s18 =	sadd.s32 $0xE760, s5;
	s19 =	sadd.s32 $0x60, s17  }
0xab: {  	[hbm4b:s19+s3] =	stream.linear.scatter [tilespmem:s18], [sflag:$0x5], $0x80, $0x38;
	[tilespmem:$0x17400] =	vst v63  }
0xac: {  	s19 =	sadd.s32 $0xE7F0, s5  }
0xad: {  	s5 =	sadd.s32 $0x70, s17;
	s17 =	sadd.s32 $0x1000, s17;
	s18 =	smov.u32 s10  }
0xae: {  	[hbm4b:s5+s3] =	stream.linear.scatter [tilespmem:s19], [sflag:$0x5], $0x80, $0x38;
	[tilespmem:$0x17400] =	vst v63  }
0xaf: {  	s18 =	sadd.s32 $0xE400, s16  }
0xb0: {  	[hbm4b:s17+s3] =	stream.linear.scatter [tilespmem:s18], [sflag:$0x5], $0x80, $0x38;
	[tilespmem:$0x17400] =	vst v63  }
0xb1: {  	s19 =	sadd.s32 $0xE490, s16;
	s10 =	sadd.s32 $0x10, s17  }
0xb2: {  	[hbm4b:s10+s3] =	stream.linear.scatter [tilespmem:s19], [sflag:$0x5], $0x80, $0x38;
	[tilespmem:$0x17400] =	vst v63  }
0xb3: {  	s18 =	sadd.s32 $0xE520, s16;
	s19 =	sadd.s32 $0x20, s17  }
0xb4: {  	[hbm4b:s19+s3] =	stream.linear.scatter [tilespmem:s18], [sflag:$0x5], $0x80, $0x38;
	[tilespmem:$0x17400] =	vst v63  }
0xb5: {  	s18 =	sadd.s32 $0xE5B0, s16;
	s19 =	sadd.s32 $0x30, s17  }
0xb6: {  	[hbm4b:s19+s3] =	stream.linear.scatter [tilespmem:s18], [sflag:$0x5], $0x80, $0x38;
	[tilespmem:$0x17400] =	vst v63  }
0xb7: {  	s18 =	sadd.s32 $0xE640, s16;
	s19 =	sadd.s32 $0x40, s17  }
0xb8: {  	[hbm4b:s19+s3] =	stream.linear.scatter [tilespmem:s18], [sflag:$0x5], $0x80, $0x38;
	[tilespmem:$0x17400] =	vst v63  }
0xb9: {  	s18 =	sadd.s32 $0xE6D0, s16;
	s19 =	sadd.s32 $0x50, s17  }
0xba: {  	[hbm4b:s19+s3] =	stream.linear.scatter [tilespmem:s18], [sflag:$0x5], $0x80, $0x38;
	[tilespmem:$0x17400] =	vst v63  }
0xbb: {  	s18 =	sadd.s32 $0xE760, s16;
	s19 =	sadd.s32 $0x60, s17  }
0xbc: {  	[hbm4b:s19+s3] =	stream.linear.scatter [tilespmem:s18], [sflag:$0x5], $0x80, $0x38;
	[tilespmem:$0x17400] =	vst v63  }
0xbd: {  	s18 =	sadd.s32 $0xE7F0, s16  }
0xbe: {  	s19 =	sadd.s32 $0x70, s17;
	s16 =	simm.s32 $0x0;
	s17 =	simm.s32 $0x1  }
0xbf: {  	v33 =	vmov s16;
	v34 =	vmov s17;
	s16 =	simm.s32 $0x4;
	s17 =	simm.s32 $0x7  }
0xc0: {  	[hbm4b:s19+s3] =	stream.linear.scatter [tilespmem:s18], [sflag:$0x5], $0x80, $0x38;
	v33 =	vshrl.u32 v33, $0x3;
	[tilespmem:$0x17400] =	vst v63  }
0xc1: {  	s18 =	simm.s32 $0x2;
	s19 =	simm.s32 $0x3;
	v37 =	vmov s16;
	v38 =	vmov s17;
	v34 =	vshrl.u32 v34, $0x3;
	_ =	swait.ge [sflag:s22], $0x2000  }
0xc2: {  	s10 =	simm.s32 @!p0 $0x6;
	v35 =	vmov s18;
	v36 =	vmov s19;
	v33 =	vshll.u32 v33, v1;
	[sflag:s22] =	ssyncset.done $0x0  }
0xc3: {  	s18 =	simm.s32 $0x5;
	s19 =	simm.s32 $0x6;
	v38 =	vshrl.u32 v38, $0x3;
	v37 =	vshrl.u32 v37, $0x3;
	v34 =	vshll.u32 v34, v1;
	[sflag:s22] =	ssyncadd.s32 $0xFFFFE000  }
0xc4: {  	v39 =	vmov s18;
	v40 =	vmov s19;
	v38 =	vshll.u32 v38, v1;
	_ =	swait.ge @!p0 [sflag:s10], $0x2000  }
0xc5: {  	v35 =	vshrl.u32 v35, $0x3;
	v36 =	vshrl.u32 v36, $0x3;
	v38 =	vbroadcast v38, $0x0;
	[sflag:s10] =	ssyncset.done @!p0 $0x0  }
0xc6: {  	s16 =	simm.s32 $0x85F0;
	v33 =	vbroadcast v33, $0x0;
	v45 =	vbroadcast v34, $0x0;
	v54 =	vshll.u32 v37, v1;
	[sflag:s10] =	ssyncadd.s32 @!p0 $0xFFFFE000  }
0xc7: {  	v52 =	vshll.u32 v35, v1;
	v53 =	vshll.u32 v36, v1;
	v42 =	vadd.s32 v29, v38;
	v41 =	vld [tilespmem:s16+$0xFFFFFFD0]  }
0xc8: {  	v34 =	vbroadcast v54, $0x0;
	v44 =	vadd.s32 v0, v33;
	v52 =	vbroadcast v52, $0x0;
	v43 =	vld [tilespmem:s16+$0xFFFFFE10]  }
0xc9: {  	v55 =	vshrl.u32 v39, $0x3;
	v47 =	vadd.s32 v5, v45;
	v35 =	vbroadcast v53, $0x0;
	v46 =	vld [tilespmem:s16+$0xFFFFFE50]  }
0xca: {  	v40 =	vshrl.u32 v40, $0x3;
	v36 =	vshll.u32 v55, v1;
	v49 =	vadd.s32 v9, v52;
	v48 =	vld [tilespmem:s16+$0xFFFFFE90]  }
0xcb: {  	v56 =	vshll.u32 v40, v1;
	v37 =	vbroadcast v36, $0x0;
	v50 =	vadd.s32 v13, v35;
	v39 =	vld [tilespmem:s16+$0xFFFFFED0]  }
0xcc: {  	v53 =	vadd.s32 v17, v34;
	v36 =	vbroadcast v56, $0x0;
	v51 =	vld [tilespmem:s16+$0xFFFFFF10];
	[tilespmem:v42+s23+$0x0] =	vst.idx.msk $0xffff, v41  }
0xcd: {  	v59 =	vld [tilespmem:s16+$0xFFFFFF50];
	v60 =	vadd.s32 v21, v37;
	[tilespmem:v44+s23+$0x0] =	vst.idx.msk $0xffff, v43  }
0xce: {  	v61 =	vld [tilespmem:s16+$0xFFFFFF90];
	v62 =	vadd.s32 v25, v36;
	[tilespmem:v47+s23+$0x0] =	vst.idx.msk $0xffff, v46  }
0xcf: {  	v58 =	vadd.s32 v30, v38;
	[tilespmem:v49+s23+$0x0] =	vst.idx.msk $0xffff, v48;
	v57 =	vld [tilespmem:s16+$0xFFFFFFE0]  }
0xd0: {  	v63 =	vadd.s32 v6, v45;
	[tilespmem:v50+s23+$0x0] =	vst.idx.msk $0xffff, v39;
	v47 =	vld [tilespmem:s16+$0xFFFFFE60]  }
0xd1: {  	v55 =	vadd.s32 v10, v52;
	[tilespmem:v53+s23+$0x0] =	vst.idx.msk $0xffff, v51;
	v54 =	vld [tilespmem:s16+$0xFFFFFEA0]  }
0xd2: {  	v56 =	vadd.s32 v14, v35;
	[tilespmem:v60+s23+$0x0] =	vst.idx.msk $0xffff, v59;
	v50 =	vld [tilespmem:s16+$0xFFFFFEE0]  }
0xd3: {  	[tilespmem:v62+s23+$0x0] =	vst.idx.msk $0xffff, v61;
	v46 =	vadd.s32 v22, v37;
	v44 =	vld [tilespmem:s16+$0xFFFFFF60]  }
0xd4: {  	v59 =	vadd.s32 v18, v34;
	[tilespmem:v58+s23+$0x0] =	vst.idx.msk $0xffff, v57;
	v58 =	vld [tilespmem:s16+$0xFFFFFF20]  }
0xd5: {  	v57 =	vadd.s32 v31, v38;
	[tilespmem:v63+s23+$0x0] =	vst.idx.msk $0xffff, v47;
	v40 =	vld [tilespmem:s16+$0xFFFFFFF0]  }
0xd6: {  	v62 =	vadd.s32 v2, v33;
	v61 =	vld [tilespmem:s16+$0xFFFFFE20];
	[tilespmem:v55+s23+$0x0] =	vst.idx.msk $0xffff, v54  }
0xd7: {  	v60 =	vadd.s32 v26, v36;
	v63 =	vld [tilespmem:s16+$0xFFFFFFA0];
	[tilespmem:v56+s23+$0x0] =	vst.idx.msk $0xffff, v50  }
0xd8: {  	v51 =	vadd.s32 v7, v45;
	[tilespmem:v46+s23+$0x0] =	vst.idx.msk $0xffff, v44;
	v50 =	vld [tilespmem:s16+$0xFFFFFE70]  }
0xd9: {  	v56 =	vadd.s32 v11, v52;
	v55 =	vld [tilespmem:s16+$0xFFFFFEB0];
	[tilespmem:v59+s23+$0x0] =	vst.idx.msk $0xffff, v58  }
0xda: {  	v58 =	vadd.s32 v15, v35;
	[tilespmem:v57+s23+$0x0] =	vst.idx.msk $0xffff, v40;
	v57 =	vld [tilespmem:s16+$0xFFFFFEF0]  }
0xdb: {  	v38 =	vadd.s32 v32, v38;
	[tilespmem:v62+s23+$0x0] =	vst.idx.msk $0xffff, v61;
	v54 =	vld [tilespmem:s16+$0x0]  }
0xdc: {  	s17 =	simm.s32 $0x9;
	[tilespmem:v60+s23+$0x0] =	vst.idx.msk $0xffff, v63;
	v60 =	vadd.s32 v19, v34;
	v59 =	vld [tilespmem:s16+$0xFFFFFF30]  }
0xdd: {  	s19 =	simm.s32 $0xB;
	v41 =	vadd.s32 v23, v37;
	v53 =	vmov s17;
	[tilespmem:v51+s23+$0x0] =	vst.idx.msk $0xffff, v50;
	v40 =	vld [tilespmem:s16+$0xFFFFFF70]  }
0xde: {  	s10 =	simm.s32 $0x8;
	v43 =	vadd.s32 v27, v36;
	s17 =	simm.s32 $0xC;
	v48 =	vadd.s32 v3, v33;
	v44 =	vmov s19;
	v42 =	vld [tilespmem:s16+$0xFFFFFFB0];
	[tilespmem:v56+s23+$0x0] =	vst.idx.msk $0xffff, v55  }
0xdf: {  	s18 =	simm.s32 $0xA;
	v47 =	vmov s17;
	v52 =	vadd.s32 v12, v52;
	v46 =	vld [tilespmem:s16+$0xFFFFFE30];
	v63 =	vmov s10;
	[tilespmem:v58+s23+$0x0] =	vst.idx.msk $0xffff, v57  }
0xe0: {  	s19 =	simm.s32 $0xE;
	v39 =	vshrl.u32 v63, $0x3;
	v51 =	vadd.s32 v8, v45;
	v49 =	vld [tilespmem:s16+$0xFFFFFE80];
	[tilespmem:v38+s23+$0x0] =	vst.idx.msk $0xffff, v54;
	v54 =	vmov s18;
	s18 =	simm.s32 $0xD  }
0xe1: {  	s17 =	simm.s32 $0x10;
	v45 =	vshll.u32 v39, v1;
	v39 =	vmov s19;
	v50 =	vld [tilespmem:s16+$0xFFFFFEC0];
	[tilespmem:v60+s23+$0x0] =	vst.idx.msk $0xffff, v59;
	v38 =	vmov s18;
	s18 =	simm.s32 $0xF  }
.LBB2_7:
0xe2: {  	p2 =	slt.u32 s17, $0x78;
	v53 =	vshrl.u32 v53, $0x3;
	v55 =	vmov s18;
	v56 =	vld [tilespmem:s16+$0xFFFFFF00];
	v35 =	vadd.s32 v16, v35;
	[tilespmem:v41+s23+$0x0] =	vst.idx.msk $0xffff, v40  }
0xe3: {  	v40 =	vshrl.u32 v54, $0x3;
	v34 =	vadd.s32 v20, v34;
	v41 =	vshrl.u32 v55, $0x3;
	v54 =	vld [tilespmem:s16+$0xFFFFFF40];
	[tilespmem:v43+s23+$0x0] =	vst.idx.msk $0xffff, v42  }
0xe4: {  	v37 =	vadd.s32 v24, v37;
	v42 =	vshrl.u32 v44, $0x3;
	v41 =	vshll.u32 v41, v1;
	[tilespmem:v48+s23+$0x0] =	vst.idx.msk $0xffff, v46;
	v43 =	vld [tilespmem:s16+$0xFFFFFF80]  }
0xe5: {  	v36 =	vadd.s32 v28, v36;
	v44 =	vshrl.u32 v47, $0x3;
	v41 =	vbroadcast v41, $0x0;
	[tilespmem:v51+s23+$0x0] =	vst.idx.msk $0xffff, v49;
	v46 =	vld [tilespmem:s16+$0xFFFFFFC0]  }
0xe6: {  	v47 =	vshll.u32 v53, v1;
	v49 =	vadd.s32 v4, v33;
	v33 =	vbroadcast v45, $0x0;
	v48 =	vld [tilespmem:s16+$0xFFFFFE40];
	[tilespmem:v52+s23+$0x0] =	vst.idx.msk $0xffff, v50;
	s16 =	sadd.s32 $0x200, s16  }
0xe7: {  	v40 =	vshll.u32 v40, v1;
	v45 =	vbroadcast v47, $0x0;
	v47 =	vld [tilespmem:s16+$0xFFFFFFD0];
	v50 =	vadd.s32 v29, v41;
	[tilespmem:v35+s23+$0x0] =	vst.idx.msk $0xffff, v56  }
0xe8: {  	v55 =	vbroadcast v40, $0x0;
	v52 =	vadd.s32 v0, v33;
	v35 =	vshll.u32 v42, v1;
	v51 =	vld [tilespmem:s16+$0xFFFFFE10];
	[tilespmem:v34+s23+$0x0] =	vst.idx.msk $0xffff, v54  }
0xe9: {  	v42 =	vadd.s32 v5, v45;
	v35 =	vbroadcast v35, $0x0;
	v34 =	vshll.u32 v44, v1;
	v40 =	vld [tilespmem:s16+$0xFFFFFE50];
	[tilespmem:v37+s23+$0x0] =	vst.idx.msk $0xffff, v43  }
0xea: {  	v44 =	vadd.s32 v9, v55;
	v34 =	vbroadcast v34, $0x0;
	v37 =	vshrl.u32 v38, $0x3;
	v43 =	vld [tilespmem:s16+$0xFFFFFE90];
	[tilespmem:v36+s23+$0x0] =	vst.idx.msk $0xffff, v46  }
0xeb: {  	v39 =	vshrl.u32 v39, $0x3;
	v46 =	vadd.s32 v13, v35;
	v36 =	vshll.u32 v37, v1;
	v38 =	vld [tilespmem:s16+$0xFFFFFED0];
	[tilespmem:v49+s23+$0x0] =	vst.idx.msk $0xffff, v48  }
0xec: {  	v49 =	vadd.s32 v17, v34;
	v37 =	vbroadcast v36, $0x0;
	v36 =	vshll.u32 v39, v1;
	v48 =	vld [tilespmem:s16+$0xFFFFFF10];
	[tilespmem:v50+s23+$0x0] =	vst.idx.msk $0xffff, v47  }
0xed: {  	v36 =	vbroadcast v36, $0x0;
	v47 =	vadd.s32 v30, v41;
	[tilespmem:v52+s23+$0x0] =	vst.idx.msk $0xffff, v51;
	v39 =	vld [tilespmem:s16+$0xFFFFFFE0]  }
0xee: {  	[tilespmem:v42+s23+$0x0] =	vst.idx.msk $0xffff, v40;
	v40 =	vld [tilespmem:s16+$0xFFFFFF50];
	v42 =	vadd.s32 v21, v37  }
0xef: {  	[tilespmem:v44+s23+$0x0] =	vst.idx.msk $0xffff, v43;
	v43 =	vld [tilespmem:s16+$0xFFFFFF90];
	v44 =	vadd.s32 v25, v36  }
0xf0: {  	v51 =	vadd.s32 v6, v45;
	v50 =	vld [tilespmem:s16+$0xFFFFFE60];
	[tilespmem:v46+s23+$0x0] =	vst.idx.msk $0xffff, v38  }
0xf1: {  	v46 =	vadd.s32 v10, v55;
	v38 =	vld [tilespmem:s16+$0xFFFFFEA0];
	[tilespmem:v49+s23+$0x0] =	vst.idx.msk $0xffff, v48  }
0xf2: {  	v49 =	vadd.s32 v14, v35;
	v48 =	vld [tilespmem:s16+$0xFFFFFEE0];
	[tilespmem:v47+s23+$0x0] =	vst.idx.msk $0xffff, v39  }
0xf3: {  	[tilespmem:v42+s23+$0x0] =	vst.idx.msk $0xffff, v40;
	v39 =	vld [tilespmem:s16+$0xFFFFFFF0];
	v40 =	vadd.s32 v31, v41  }
0xf4: {  	v47 =	vadd.s32 v18, v34;
	v42 =	vld [tilespmem:s16+$0xFFFFFF20];
	[tilespmem:v44+s23+$0x0] =	vst.idx.msk $0xffff, v43  }
0xf5: {  	v44 =	vadd.s32 v22, v37;
	[tilespmem:v51+s23+$0x0] =	vst.idx.msk $0xffff, v50;
	v43 =	vld [tilespmem:s16+$0xFFFFFF60]  }
0xf6: {  	[tilespmem:v46+s23+$0x0] =	vst.idx.msk $0xffff, v38;
	v38 =	vld [tilespmem:s16+$0xFFFFFFA0];
	v46 =	vadd.s32 v26, v36  }
0xf7: {  	v51 =	vadd.s32 v2, v33;
	v50 =	vld [tilespmem:s16+$0xFFFFFE20];
	[tilespmem:v49+s23+$0x0] =	vst.idx.msk $0xffff, v48  }
0xf8: {  	v49 =	vadd.s32 v7, v45;
	v48 =	vld [tilespmem:s16+$0xFFFFFE70];
	[tilespmem:v40+s23+$0x0] =	vst.idx.msk $0xffff, v39  }
0xf9: {  	[tilespmem:v47+s23+$0x0] =	vst.idx.msk $0xffff, v42;
	v39 =	vld [tilespmem:s16+$0x0];
	v47 =	vadd.s32 v32, v41  }
0xfa: {  	v56 =	vadd.s32 v11, v55;
	v52 =	vld [tilespmem:s16+$0xFFFFFEB0];
	[tilespmem:v44+s23+$0x0] =	vst.idx.msk $0xffff, v43  }
0xfb: {  	v58 =	vadd.s32 v15, v35;
	v57 =	vld [tilespmem:s16+$0xFFFFFEF0];
	[tilespmem:v46+s23+$0x0] =	vst.idx.msk $0xffff, v38  }
0xfc: {  	v60 =	vadd.s32 v19, v34;
	[tilespmem:v51+s23+$0x0] =	vst.idx.msk $0xffff, v50;
	v59 =	vld [tilespmem:s16+$0xFFFFFF30]  }
.Ltmp2:
0xfd: {  	s5 =	sadd.s32 $0x1, s17;
	v41 =	vadd.s32 v23, v37;
	v38 =	vmov s17;
	[tilespmem:v49+s23+$0x0] =	vst.idx.msk $0xffff, v48;
	v40 =	vld [tilespmem:s16+$0xFFFFFF70];
	(pc) =	sbr.rel @p2 .LBB2_7-.Ltmp2, $4  }
0xfe: {  	s10 =	sadd.s32 $0x3, s17;
	v53 =	vmov s5;
	s5 =	sadd.s32 $0x2, s17;
	v43 =	vadd.s32 v27, v36;
	v50 =	vshrl.u32 v38, $0x3;
	v42 =	vld [tilespmem:s16+$0xFFFFFFB0];
	[tilespmem:v47+s23+$0x0] =	vst.idx.msk $0xffff, v39  }
0xff: {  	v54 =	vmov s5;
	s5 =	sadd.s32 $0x4, s17;
	v44 =	vmov s10;
	s10 =	sadd.s32 $0x5, s17;
	v48 =	vadd.s32 v3, v33;
	v46 =	vld [tilespmem:s16+$0xFFFFFE30];
	[tilespmem:v56+s23+$0x0] =	vst.idx.msk $0xffff, v52  }
0x100: {  	v38 =	vmov s10;
	v51 =	vadd.s32 v8, v45;
	v47 =	vmov s5;
	s5 =	sadd.s32 $0x6, s17;
	v49 =	vld [tilespmem:s16+$0xFFFFFE80];
	[tilespmem:v58+s23+$0x0] =	vst.idx.msk $0xffff, v57  }
0x101: {  	s18 =	sadd.s32 $0x7, s17;
	v45 =	vshll.u32 v50, v1;
	s17 =	sadd.s32 $0x8, s17;
	v39 =	vmov s5;
	v52 =	vadd.s32 v12, v55;
	v50 =	vld [tilespmem:s16+$0xFFFFFEC0];
	[tilespmem:v60+s23+$0x0] =	vst.idx.msk $0xffff, v59  }
0x102: {  	_ =	sdelay $0x2  }
0x103: {  	v53 =	vshrl.u32 v53, $0x3  }
0x104: {  	v55 =	vmov s18;
	v56 =	vld [tilespmem:s16+$0xFFFFFF00];
	v35 =	vadd.s32 v16, v35;
	[tilespmem:v41+s23+$0x0] =	vst.idx.msk $0xffff, v40;
	v57 =	vshrl.u32 v54, $0x3  }
0x105: {  	v59 =	vld [tilespmem:s16+$0xFFFFFF40];
	v34 =	vadd.s32 v20, v34;
	v60 =	vshrl.u32 v44, $0x3;
	v58 =	vshrl.u32 v55, $0x3;
	[tilespmem:v43+s23+$0x0] =	vst.idx.msk $0xffff, v42  }
0x106: {  	v37 =	vadd.s32 v24, v37;
	v62 =	vshrl.u32 v47, $0x3;
	v61 =	vld [tilespmem:s16+$0xFFFFFF80];
	v41 =	vshll.u32 v58, v1;
	[tilespmem:v48+s23+$0x0] =	vst.idx.msk $0xffff, v46  }
0x107: {  	v36 =	vadd.s32 v28, v36;
	v45 =	vbroadcast v45, $0x0;
	v63 =	vld [tilespmem:s16+$0xFFFFFFC0];
	v41 =	vbroadcast v41, $0x0;
	[tilespmem:v51+s23+$0x0] =	vst.idx.msk $0xffff, v49  }
0x108: {  	v33 =	vadd.s32 v4, v33;
	s18 =	sadd.s32 $0x200, s16;
	v38 =	vshrl.u32 v38, $0x3;
	v55 =	vshll.u32 v53, v1;
	v48 =	vld [tilespmem:s16+$0xFFFFFE40];
	[tilespmem:v52+s23+$0x0] =	vst.idx.msk $0xffff, v50  }
0x109: {  	v40 =	vshll.u32 v57, v1;
	v47 =	vbroadcast v55, $0x0;
	v49 =	vld [tilespmem:s18+$0xFFFFFFD0];
	v50 =	vadd.s32 v29, v41;
	[tilespmem:v35+s23+$0x0] =	vst.idx.msk $0xffff, v56  }
0x10a: {  	v42 =	vshll.u32 v60, v1;
	v40 =	vbroadcast v40, $0x0;
	v35 =	vld [tilespmem:s18+$0xFFFFFE10];
	v56 =	vadd.s32 v0, v45;
	[tilespmem:v34+s23+$0x0] =	vst.idx.msk $0xffff, v59  }
0x10b: {  	v57 =	vld [tilespmem:s18+$0xFFFFFE50];
	v44 =	vshll.u32 v62, v1;
	v42 =	vbroadcast v42, $0x0;
	v58 =	vadd.s32 v5, v47;
	[tilespmem:v37+s23+$0x0] =	vst.idx.msk $0xffff, v61  }
0x10c: {  	v38 =	vshll.u32 v38, v1;
	v44 =	vbroadcast v44, $0x0;
	v60 =	vadd.s32 v9, v40;
	v59 =	vld [tilespmem:s18+$0xFFFFFE90];
	[tilespmem:v36+s23+$0x0] =	vst.idx.msk $0xffff, v63  }
0x10d: {  	v38 =	vbroadcast v38, $0x0;
	v62 =	vadd.s32 v13, v42;
	v61 =	vld [tilespmem:s18+$0xFFFFFED0];
	[tilespmem:v33+s23+$0x0] =	vst.idx.msk $0xffff, v48  }
0x10e: {  	v39 =	vshrl.u32 v39, $0x3;
	v63 =	vadd.s32 v17, v44;
	v33 =	vld [tilespmem:s18+$0xFFFFFF10];
	[tilespmem:v50+s23+$0x0] =	vst.idx.msk $0xffff, v49  }
0x10f: {  	v39 =	vshll.u32 v39, v1;
	v34 =	vld [tilespmem:s18+$0xFFFFFF50];
	[tilespmem:v56+s23+$0x0] =	vst.idx.msk $0xffff, v35;
	v56 =	vadd.s32 v21, v38  }
0x110: {  	[tilespmem:v58+s23+$0x0] =	vst.idx.msk $0xffff, v57;
	v35 =	vbroadcast v39, $0x0;
	v49 =	vadd.s32 v30, v41;
	v39 =	vld [tilespmem:s18+$0xFFFFFFE0]  }
0x111: {  	[tilespmem:v60+s23+$0x0] =	vst.idx.msk $0xffff, v59;
	v59 =	vld [tilespmem:s18+$0xFFFFFE60];
	v60 =	vadd.s32 v6, v47  }
0x112: {  	v57 =	vld [tilespmem:s18+$0xFFFFFF90];
	[tilespmem:v62+s23+$0x0] =	vst.idx.msk $0xffff, v61;
	v58 =	vadd.s32 v25, v35  }
0x113: {  	v61 =	vld [tilespmem:s18+$0xFFFFFEA0];
	v62 =	vadd.s32 v10, v40;
	[tilespmem:v63+s23+$0x0] =	vst.idx.msk $0xffff, v33  }
0x114: {  	v33 =	vld [tilespmem:s18+$0xFFFFFEE0];
	v63 =	vadd.s32 v14, v42;
	[tilespmem:v56+s23+$0x0] =	vst.idx.msk $0xffff, v34  }
0x115: {  	v56 =	vadd.s32 v18, v44;
	[tilespmem:v49+s23+$0x0] =	vst.idx.msk $0xffff, v39;
	v49 =	vld [tilespmem:s18+$0xFFFFFF20]  }
0x116: {  	[tilespmem:v60+s23+$0x0] =	vst.idx.msk $0xffff, v59;
	v39 =	vadd.s32 v31, v41;
	v34 =	vld [tilespmem:s18+$0xFFFFFFF0]  }
0x117: {  	[tilespmem:v58+s23+$0x0] =	vst.idx.msk $0xffff, v57;
	v57 =	vld [tilespmem:s18+$0xFFFFFF60];
	v58 =	vadd.s32 v22, v38  }
0x118: {  	[tilespmem:v62+s23+$0x0] =	vst.idx.msk $0xffff, v61;
	v61 =	vld [tilespmem:s18+$0xFFFFFE20];
	v62 =	vadd.s32 v2, v45  }
0x119: {  	v60 =	vadd.s32 v26, v35;
	v59 =	vld [tilespmem:s18+$0xFFFFFFA0];
	[tilespmem:v63+s23+$0x0] =	vst.idx.msk $0xffff, v33  }
0x11a: {  	v55 =	vadd.s32 v11, v40;
	v54 =	vadd.s32 v32, v41;
	v41 =	vld [tilespmem:s18+$0xFFFFFEB0];
	[tilespmem:v56+s23+$0x0] =	vst.idx.msk $0xffff, v49  }
0x11b: {  	v53 =	vadd.s32 v7, v47;
	v63 =	vld [tilespmem:s18+$0xFFFFFE70];
	[tilespmem:v39+s23+$0x0] =	vst.idx.msk $0xffff, v34  }
0x11c: {  	v56 =	vld [tilespmem:s18+$0xFFFFFEF0];
	[tilespmem:v58+s23+$0x0] =	vst.idx.msk $0xffff, v57;
	v57 =	vadd.s32 v15, v42  }
0x11d: {  	[tilespmem:v62+s23+$0x0] =	vst.idx.msk $0xffff, v61;
	v34 =	vld [tilespmem:s18+$0x0]  }
0x11e: {  	v58 =	vld [tilespmem:s18+$0xFFFFFF30];
	[tilespmem:v60+s23+$0x0] =	vst.idx.msk $0xffff, v59;
	v59 =	vadd.s32 v19, v44  }
0x11f: {  	v61 =	vadd.s32 v23, v38;
	[tilespmem:v55+s23+$0x0] =	vst.idx.msk $0xffff, v41;
	v60 =	vld [tilespmem:s18+$0xFFFFFF70]  }
0x120: {  	[tilespmem:v53+s23+$0x0] =	vst.idx.msk $0xffff, v63;
	v63 =	vadd.s32 v27, v35;
	v62 =	vld [tilespmem:s18+$0xFFFFFFB0]  }
0x121: {  	v47 =	vadd.s32 v8, v47;
	v55 =	vld [tilespmem:s18+$0xFFFFFE80];
	[tilespmem:v57+s23+$0x0] =	vst.idx.msk $0xffff, v56  }
0x122: {  	v53 =	vld [tilespmem:s18+$0xFFFFFE30];
	[tilespmem:v54+s23+$0x0] =	vst.idx.msk $0xffff, v34;
	v54 =	vadd.s32 v3, v45  }
0x123: {  	v40 =	vadd.s32 v12, v40;
	v56 =	vld [tilespmem:s18+$0xFFFFFEC0];
	[tilespmem:v59+s23+$0x0] =	vst.idx.msk $0xffff, v58  }
0x124: {  	v42 =	vadd.s32 v16, v42;
	v57 =	vld [tilespmem:s18+$0xFFFFFF00];
	[tilespmem:v61+s23+$0x0] =	vst.idx.msk $0xffff, v60  }
0x125: {  	v59 =	vadd.s32 v20, v44;
	v58 =	vld [tilespmem:s18+$0xFFFFFF40];
	[tilespmem:v63+s23+$0x0] =	vst.idx.msk $0xffff, v62  }
0x126: {  	v38 =	vadd.s32 v24, v38;
	v60 =	vld [tilespmem:s18+$0xFFFFFF80];
	[tilespmem:v47+s23+$0x0] =	vst.idx.msk $0xffff, v55  }
0x127: {  	v35 =	vadd.s32 v28, v35;
	v61 =	vld [tilespmem:s18+$0xFFFFFFC0];
	[tilespmem:v54+s23+$0x0] =	vst.idx.msk $0xffff, v53  }
0x128: {  	v63 =	vadd.s32 v4, v45;
	[tilespmem:v40+s23+$0x0] =	vst.idx.msk $0xffff, v56;
	v62 =	vld [tilespmem:s18+$0xFFFFFE40]  }
0x129: {  	[tilespmem:v42+s23+$0x0] =	vst.idx.msk $0xffff, v57  }
0x12a: {  	[tilespmem:v59+s23+$0x0] =	vst.idx.msk $0xffff, v58  }
0x12b: {  	[tilespmem:v38+s23+$0x0] =	vst.idx.msk $0xffff, v60  }
0x12c: {  	[tilespmem:v35+s23+$0x0] =	vst.idx.msk $0xffff, v61  }
0x12d: {  	s5 =	sadd.s32 @!p1 $0x280, s14;
	s10 =	simm.s32 @!p1 $0x80;
	s16 =	simm.s32 @!p1 $0x8400;
	[tilespmem:v63+s23+$0x0] =	vst.idx.msk $0xffff, v62  }
0x12e: {  	[tilespmem:s16], [sflag:$0x2] =	stream.indirect.gather @!p1 [hbm4b:s4+s10], $0x40, s5, s10, $0xb8;
	[tilespmem:$0x17400] =	vst v63  }
0x12f: {  	s19 =	simm.s32 $0x10800;
	s10 =	sadd.s32 s15, s7  }
0x130: {  	[hbm4b:s10+s3] =	stream.linear.scatter [tilespmem:s19], [sflag:$0x6], $0x80, $0x38;
	[tilespmem:$0x17400] =	vst v63  }
0x131: {  	s16 =	simm.s32 $0x10890;
	s17 =	sadd.s32 $0x10, s10  }
0x132: {  	[hbm4b:s17+s3] =	stream.linear.scatter [tilespmem:s16], [sflag:$0x6], $0x80, $0x38;
	[tilespmem:$0x17400] =	vst v63  }
0x133: {  	s18 =	simm.s32 $0x10920;
	s19 =	sadd.s32 $0x20, s10  }
0x134: {  	[hbm4b:s19+s3] =	stream.linear.scatter [tilespmem:s18], [sflag:$0x6], $0x80, $0x38;
	[tilespmem:$0x17400] =	vst v63  }
0x135: {  	s16 =	simm.s32 $0x109B0;
	s17 =	sadd.s32 $0x30, s10  }
0x136: {  	[hbm4b:s17+s3] =	stream.linear.scatter [tilespmem:s16], [sflag:$0x6], $0x80, $0x38;
	[tilespmem:$0x17400] =	vst v63  }
0x137: {  	s18 =	simm.s32 $0x10A40;
	s19 =	sadd.s32 $0x40, s10  }
0x138: {  	[hbm4b:s19+s3] =	stream.linear.scatter [tilespmem:s18], [sflag:$0x6], $0x80, $0x38;
	[tilespmem:$0x17400] =	vst v63  }
0x139: {  	s5 =	sadd.s32 $0x70, s10;
	s16 =	simm.s32 $0x10AD0;
	s17 =	sadd.s32 $0x50, s10  }
0x13a: {  	[hbm4b:s17+s3] =	stream.linear.scatter [tilespmem:s16], [sflag:$0x6], $0x80, $0x38;
	[tilespmem:$0x17400] =	vst v63  }
0x13b: {  	s18 =	simm.s32 $0x10B60;
	s19 =	sadd.s32 $0x60, s10;
	s16 =	simm.s32 $0x480  }
0x13c: {  	[hbm4b:s19+s3] =	stream.linear.scatter [tilespmem:s18], [sflag:$0x6], $0x80, $0x38;
	[tilespmem:$0x17400] =	vst v63  }
0x13d: {  	s17 =	sadd.s32 $0x1000, s10;
	s18 =	simm.s32 $0x2400;
	s19 =	simm.s32 $0x10BF0  }
.LBB2_9:
0x13e: {  	[hbm4b:s5+s3] =	stream.linear.scatter [tilespmem:s19], [sflag:$0x6], $0x80, $0x38;
	[tilespmem:$0x17400] =	vst v63  }
0x13f: {  	s5 =	smov.u32 s16;
	s10 =	smov.u32 s18  }
0x140: {  	s16 =	sshra.s32 s10, $0x2;
	s10 =	sadd.s32 $0x1200, s18;
	s19 =	sadd.s32 $0x10800, s5  }
0x141: {  	[hbm4b:s17+s3] =	stream.linear.scatter [tilespmem:s19], [sflag:$0x6], $0x80, $0x38;
	[tilespmem:$0x17400] =	vst v63  }
0x142: {  	p2 =	sne.s32 s18, $0x7E00;
	s18 =	sadd.s32 $0x10890, s5;
	s19 =	sadd.s32 $0x10, s17  }
0x143: {  	[hbm4b:s19+s3] =	stream.linear.scatter [tilespmem:s18], [sflag:$0x6], $0x80, $0x38;
	[tilespmem:$0x17400] =	vst v63  }
0x144: {  	s18 =	sadd.s32 $0x10920, s5;
	s19 =	sadd.s32 $0x20, s17  }
0x145: {  	[hbm4b:s19+s3] =	stream.linear.scatter [tilespmem:s18], [sflag:$0x6], $0x80, $0x38;
	[tilespmem:$0x17400] =	vst v63  }
0x146: {  	s18 =	sadd.s32 $0x109B0, s5;
	s19 =	sadd.s32 $0x30, s17  }
0x147: {  	[hbm4b:s19+s3] =	stream.linear.scatter [tilespmem:s18], [sflag:$0x6], $0x80, $0x38;
	[tilespmem:$0x17400] =	vst v63  }
0x148: {  	s18 =	sadd.s32 $0x10A40, s5;
	s19 =	sadd.s32 $0x40, s17  }
0x149: {  	[hbm4b:s19+s3] =	stream.linear.scatter [tilespmem:s18], [sflag:$0x6], $0x80, $0x38;
	[tilespmem:$0x17400] =	vst v63  }
0x14a: {  	s18 =	sadd.s32 $0x10AD0, s5;
	s19 =	sadd.s32 $0x50, s17  }
0x14b: {  	[hbm4b:s19+s3] =	stream.linear.scatter [tilespmem:s18], [sflag:$0x6], $0x80, $0x38;
	[tilespmem:$0x17400] =	vst v63  }
.Ltmp3:
0x14c: {  	_ = 	snop;
	(pc) =	sbr.rel @p2 .LBB2_9-.Ltmp3, $4  }
0x14d: {  	s18 =	sadd.s32 $0x10B60, s5;
	s19 =	sadd.s32 $0x60, s17  }
0x14e: {  	[hbm4b:s19+s3] =	stream.linear.scatter [tilespmem:s18], [sflag:$0x6], $0x80, $0x38;
	[tilespmem:$0x17400] =	vst v63  }
0x14f: {  	s19 =	sadd.s32 $0x10BF0, s5  }
0x150: {  	s5 =	sadd.s32 $0x70, s17;
	s17 =	sadd.s32 $0x1000, s17;
	s18 =	smov.u32 s10  }
0x151: {  	[hbm4b:s5+s3] =	stream.linear.scatter [tilespmem:s19], [sflag:$0x6], $0x80, $0x38;
	[tilespmem:$0x17400] =	vst v63  }
0x152: {  	s18 =	sadd.s32 $0x10800, s16  }
0x153: {  	[hbm4b:s17+s3] =	stream.linear.scatter [tilespmem:s18], [sflag:$0x6], $0x80, $0x38;
	[tilespmem:$0x17400] =	vst v63  }
0x154: {  	s19 =	sadd.s32 $0x10890, s16;
	s10 =	sadd.s32 $0x10, s17  }
0x155: {  	[hbm4b:s10+s3] =	stream.linear.scatter [tilespmem:s19], [sflag:$0x6], $0x80, $0x38;
	[tilespmem:$0x17400] =	vst v63  }
0x156: {  	s18 =	sadd.s32 $0x10920, s16;
	s19 =	sadd.s32 $0x20, s17  }
0x157: {  	[hbm4b:s19+s3] =	stream.linear.scatter [tilespmem:s18], [sflag:$0x6], $0x80, $0x38;
	[tilespmem:$0x17400] =	vst v63  }
0x158: {  	s18 =	sadd.s32 $0x109B0, s16;
	s19 =	sadd.s32 $0x30, s17  }
0x159: {  	[hbm4b:s19+s3] =	stream.linear.scatter [tilespmem:s18], [sflag:$0x6], $0x80, $0x38;
	[tilespmem:$0x17400] =	vst v63  }
0x15a: {  	s18 =	sadd.s32 $0x10A40, s16;
	s19 =	sadd.s32 $0x40, s17  }
0x15b: {  	[hbm4b:s19+s3] =	stream.linear.scatter [tilespmem:s18], [sflag:$0x6], $0x80, $0x38;
	[tilespmem:$0x17400] =	vst v63  }
0x15c: {  	s18 =	sadd.s32 $0x10AD0, s16;
	s19 =	sadd.s32 $0x50, s17  }
0x15d: {  	[hbm4b:s19+s3] =	stream.linear.scatter [tilespmem:s18], [sflag:$0x6], $0x80, $0x38;
	[tilespmem:$0x17400] =	vst v63  }
0x15e: {  	s18 =	sadd.s32 $0x10B60, s16;
	s19 =	sadd.s32 $0x60, s17  }
0x15f: {  	[hbm4b:s19+s3] =	stream.linear.scatter [tilespmem:s18], [sflag:$0x6], $0x80, $0x38;
	[tilespmem:$0x17400] =	vst v63  }
0x160: {  	s18 =	sadd.s32 $0x10BF0, s16  }
0x161: {  	s19 =	sadd.s32 $0x70, s17;
	s16 =	simm.s32 $0x0;
	s17 =	simm.s32 $0x1  }
0x162: {  	v33 =	vmov s16;
	v34 =	vmov s17;
	s16 =	simm.s32 $0x4;
	s17 =	simm.s32 $0x7  }
0x163: {  	[hbm4b:s19+s3] =	stream.linear.scatter [tilespmem:s18], [sflag:$0x6], $0x80, $0x38;
	v33 =	vshrl.u32 v33, $0x3;
	[tilespmem:$0x17400] =	vst v63  }
0x164: {  	s18 =	simm.s32 $0x2;
	s19 =	simm.s32 $0x3;
	v37 =	vmov s16;
	v38 =	vmov s17;
	v34 =	vshrl.u32 v34, $0x3;
	_ =	swait.ge [sflag:s24], $0x2000  }
0x165: {  	s10 =	simm.s32 @!p0 $0x7;
	v35 =	vmov s18;
	v36 =	vmov s19;
	v33 =	vshll.u32 v33, v1;
	[sflag:s24] =	ssyncset.done $0x0  }
0x166: {  	s18 =	simm.s32 $0x5;
	s19 =	simm.s32 $0x6;
	v38 =	vshrl.u32 v38, $0x3;
	v37 =	vshrl.u32 v37, $0x3;
	v34 =	vshll.u32 v34, v1;
	[sflag:s24] =	ssyncadd.s32 $0xFFFFE000  }
0x167: {  	v39 =	vmov s18;
	v40 =	vmov s19;
	v38 =	vshll.u32 v38, v1;
	_ =	swait.ge @!p0 [sflag:s10], $0x2000  }
0x168: {  	v35 =	vshrl.u32 v35, $0x3;
	v36 =	vshrl.u32 v36, $0x3;
	v38 =	vbroadcast v38, $0x0;
	[sflag:s10] =	ssyncset.done @!p0 $0x0  }
0x169: {  	s16 =	simm.s32 $0xA5F0;
	v33 =	vbroadcast v33, $0x0;
	v45 =	vbroadcast v34, $0x0;
	v54 =	vshll.u32 v37, v1;
	[sflag:s10] =	ssyncadd.s32 @!p0 $0xFFFFE000  }
0x16a: {  	v52 =	vshll.u32 v35, v1;
	v53 =	vshll.u32 v36, v1;
	v42 =	vadd.s32 v29, v38;
	v41 =	vld [tilespmem:s16+$0xFFFFFFD0]  }
0x16b: {  	v34 =	vbroadcast v54, $0x0;
	v44 =	vadd.s32 v0, v33;
	v52 =	vbroadcast v52, $0x0;
	v43 =	vld [tilespmem:s16+$0xFFFFFE10]  }
0x16c: {  	v55 =	vshrl.u32 v39, $0x3;
	v47 =	vadd.s32 v5, v45;
	v35 =	vbroadcast v53, $0x0;
	v46 =	vld [tilespmem:s16+$0xFFFFFE50]  }
0x16d: {  	v40 =	vshrl.u32 v40, $0x3;
	v36 =	vshll.u32 v55, v1;
	v49 =	vadd.s32 v9, v52;
	v48 =	vld [tilespmem:s16+$0xFFFFFE90]  }
0x16e: {  	v56 =	vshll.u32 v40, v1;
	v37 =	vbroadcast v36, $0x0;
	v50 =	vadd.s32 v13, v35;
	v39 =	vld [tilespmem:s16+$0xFFFFFED0]  }
0x16f: {  	v53 =	vadd.s32 v17, v34;
	v36 =	vbroadcast v56, $0x0;
	v51 =	vld [tilespmem:s16+$0xFFFFFF10];
	[tilespmem:v42+s25+$0x0] =	vst.idx.msk $0xffff, v41  }
0x170: {  	v59 =	vld [tilespmem:s16+$0xFFFFFF50];
	v60 =	vadd.s32 v21, v37;
	[tilespmem:v44+s25+$0x0] =	vst.idx.msk $0xffff, v43  }
0x171: {  	v61 =	vld [tilespmem:s16+$0xFFFFFF90];
	v62 =	vadd.s32 v25, v36;
	[tilespmem:v47+s25+$0x0] =	vst.idx.msk $0xffff, v46  }
0x172: {  	v58 =	vadd.s32 v30, v38;
	[tilespmem:v49+s25+$0x0] =	vst.idx.msk $0xffff, v48;
	v57 =	vld [tilespmem:s16+$0xFFFFFFE0]  }
0x173: {  	v63 =	vadd.s32 v6, v45;
	[tilespmem:v50+s25+$0x0] =	vst.idx.msk $0xffff, v39;
	v47 =	vld [tilespmem:s16+$0xFFFFFE60]  }
0x174: {  	v55 =	vadd.s32 v10, v52;
	[tilespmem:v53+s25+$0x0] =	vst.idx.msk $0xffff, v51;
	v54 =	vld [tilespmem:s16+$0xFFFFFEA0]  }
0x175: {  	v56 =	vadd.s32 v14, v35;
	[tilespmem:v60+s25+$0x0] =	vst.idx.msk $0xffff, v59;
	v50 =	vld [tilespmem:s16+$0xFFFFFEE0]  }
0x176: {  	[tilespmem:v62+s25+$0x0] =	vst.idx.msk $0xffff, v61;
	v46 =	vadd.s32 v22, v37;
	v44 =	vld [tilespmem:s16+$0xFFFFFF60]  }
0x177: {  	v59 =	vadd.s32 v18, v34;
	[tilespmem:v58+s25+$0x0] =	vst.idx.msk $0xffff, v57;
	v58 =	vld [tilespmem:s16+$0xFFFFFF20]  }
0x178: {  	v57 =	vadd.s32 v31, v38;
	[tilespmem:v63+s25+$0x0] =	vst.idx.msk $0xffff, v47;
	v40 =	vld [tilespmem:s16+$0xFFFFFFF0]  }
0x179: {  	v62 =	vadd.s32 v2, v33;
	v61 =	vld [tilespmem:s16+$0xFFFFFE20];
	[tilespmem:v55+s25+$0x0] =	vst.idx.msk $0xffff, v54  }
0x17a: {  	v60 =	vadd.s32 v26, v36;
	v63 =	vld [tilespmem:s16+$0xFFFFFFA0];
	[tilespmem:v56+s25+$0x0] =	vst.idx.msk $0xffff, v50  }
0x17b: {  	v51 =	vadd.s32 v7, v45;
	[tilespmem:v46+s25+$0x0] =	vst.idx.msk $0xffff, v44;
	v50 =	vld [tilespmem:s16+$0xFFFFFE70]  }
0x17c: {  	v56 =	vadd.s32 v11, v52;
	v55 =	vld [tilespmem:s16+$0xFFFFFEB0];
	[tilespmem:v59+s25+$0x0] =	vst.idx.msk $0xffff, v58  }
0x17d: {  	v58 =	vadd.s32 v15, v35;
	[tilespmem:v57+s25+$0x0] =	vst.idx.msk $0xffff, v40;
	v57 =	vld [tilespmem:s16+$0xFFFFFEF0]  }
0x17e: {  	v38 =	vadd.s32 v32, v38;
	[tilespmem:v62+s25+$0x0] =	vst.idx.msk $0xffff, v61;
	v54 =	vld [tilespmem:s16+$0x0]  }
0x17f: {  	s17 =	simm.s32 $0x9;
	[tilespmem:v60+s25+$0x0] =	vst.idx.msk $0xffff, v63;
	v60 =	vadd.s32 v19, v34;
	v59 =	vld [tilespmem:s16+$0xFFFFFF30]  }
0x180: {  	s19 =	simm.s32 $0xB;
	v41 =	vadd.s32 v23, v37;
	v53 =	vmov s17;
	[tilespmem:v51+s25+$0x0] =	vst.idx.msk $0xffff, v50;
	v40 =	vld [tilespmem:s16+$0xFFFFFF70]  }
0x181: {  	s10 =	simm.s32 $0x8;
	v43 =	vadd.s32 v27, v36;
	s17 =	simm.s32 $0xC;
	v48 =	vadd.s32 v3, v33;
	v44 =	vmov s19;
	v42 =	vld [tilespmem:s16+$0xFFFFFFB0];
	[tilespmem:v56+s25+$0x0] =	vst.idx.msk $0xffff, v55  }
0x182: {  	s18 =	simm.s32 $0xA;
	v47 =	vmov s17;
	v52 =	vadd.s32 v12, v52;
	v46 =	vld [tilespmem:s16+$0xFFFFFE30];
	v63 =	vmov s10;
	[tilespmem:v58+s25+$0x0] =	vst.idx.msk $0xffff, v57  }
0x183: {  	s19 =	simm.s32 $0xE;
	v39 =	vshrl.u32 v63, $0x3;
	v51 =	vadd.s32 v8, v45;
	v49 =	vld [tilespmem:s16+$0xFFFFFE80];
	[tilespmem:v38+s25+$0x0] =	vst.idx.msk $0xffff, v54;
	v54 =	vmov s18;
	s18 =	simm.s32 $0xD  }
0x184: {  	s17 =	simm.s32 $0x10;
	v45 =	vshll.u32 v39, v1;
	v39 =	vmov s19;
	v50 =	vld [tilespmem:s16+$0xFFFFFEC0];
	[tilespmem:v60+s25+$0x0] =	vst.idx.msk $0xffff, v59;
	v38 =	vmov s18;
	s18 =	simm.s32 $0xF  }
.LBB2_11:
0x185: {  	p2 =	slt.u32 s17, $0x78;
	v53 =	vshrl.u32 v53, $0x3;
	v55 =	vmov s18;
	v56 =	vld [tilespmem:s16+$0xFFFFFF00];
	v35 =	vadd.s32 v16, v35;
	[tilespmem:v41+s25+$0x0] =	vst.idx.msk $0xffff, v40  }
0x186: {  	v40 =	vshrl.u32 v54, $0x3;
	v34 =	vadd.s32 v20, v34;
	v41 =	vshrl.u32 v55, $0x3;
	v54 =	vld [tilespmem:s16+$0xFFFFFF40];
	[tilespmem:v43+s25+$0x0] =	vst.idx.msk $0xffff, v42  }
0x187: {  	v37 =	vadd.s32 v24, v37;
	v42 =	vshrl.u32 v44, $0x3;
	v41 =	vshll.u32 v41, v1;
	[tilespmem:v48+s25+$0x0] =	vst.idx.msk $0xffff, v46;
	v43 =	vld [tilespmem:s16+$0xFFFFFF80]  }
0x188: {  	v36 =	vadd.s32 v28, v36;
	v44 =	vshrl.u32 v47, $0x3;
	v41 =	vbroadcast v41, $0x0;
	[tilespmem:v51+s25+$0x0] =	vst.idx.msk $0xffff, v49;
	v46 =	vld [tilespmem:s16+$0xFFFFFFC0]  }
0x189: {  	v47 =	vshll.u32 v53, v1;
	v49 =	vadd.s32 v4, v33;
	v33 =	vbroadcast v45, $0x0;
	v48 =	vld [tilespmem:s16+$0xFFFFFE40];
	[tilespmem:v52+s25+$0x0] =	vst.idx.msk $0xffff, v50;
	s16 =	sadd.s32 $0x200, s16  }
0x18a: {  	v40 =	vshll.u32 v40, v1;
	v45 =	vbroadcast v47, $0x0;
	v47 =	vld [tilespmem:s16+$0xFFFFFFD0];
	v50 =	vadd.s32 v29, v41;
	[tilespmem:v35+s25+$0x0] =	vst.idx.msk $0xffff, v56  }
0x18b: {  	v55 =	vbroadcast v40, $0x0;
	v52 =	vadd.s32 v0, v33;
	v35 =	vshll.u32 v42, v1;
	v51 =	vld [tilespmem:s16+$0xFFFFFE10];
	[tilespmem:v34+s25+$0x0] =	vst.idx.msk $0xffff, v54  }
0x18c: {  	v42 =	vadd.s32 v5, v45;
	v35 =	vbroadcast v35, $0x0;
	v34 =	vshll.u32 v44, v1;
	v40 =	vld [tilespmem:s16+$0xFFFFFE50];
	[tilespmem:v37+s25+$0x0] =	vst.idx.msk $0xffff, v43  }
0x18d: {  	v44 =	vadd.s32 v9, v55;
	v34 =	vbroadcast v34, $0x0;
	v37 =	vshrl.u32 v38, $0x3;
	v43 =	vld [tilespmem:s16+$0xFFFFFE90];
	[tilespmem:v36+s25+$0x0] =	vst.idx.msk $0xffff, v46  }
0x18e: {  	v39 =	vshrl.u32 v39, $0x3;
	v46 =	vadd.s32 v13, v35;
	v36 =	vshll.u32 v37, v1;
	v38 =	vld [tilespmem:s16+$0xFFFFFED0];
	[tilespmem:v49+s25+$0x0] =	vst.idx.msk $0xffff, v48  }
0x18f: {  	v49 =	vadd.s32 v17, v34;
	v37 =	vbroadcast v36, $0x0;
	v36 =	vshll.u32 v39, v1;
	v48 =	vld [tilespmem:s16+$0xFFFFFF10];
	[tilespmem:v50+s25+$0x0] =	vst.idx.msk $0xffff, v47  }
0x190: {  	v36 =	vbroadcast v36, $0x0;
	v47 =	vadd.s32 v30, v41;
	[tilespmem:v52+s25+$0x0] =	vst.idx.msk $0xffff, v51;
	v39 =	vld [tilespmem:s16+$0xFFFFFFE0]  }
0x191: {  	[tilespmem:v42+s25+$0x0] =	vst.idx.msk $0xffff, v40;
	v40 =	vld [tilespmem:s16+$0xFFFFFF50];
	v42 =	vadd.s32 v21, v37  }
0x192: {  	[tilespmem:v44+s25+$0x0] =	vst.idx.msk $0xffff, v43;
	v43 =	vld [tilespmem:s16+$0xFFFFFF90];
	v44 =	vadd.s32 v25, v36  }
0x193: {  	v51 =	vadd.s32 v6, v45;
	v50 =	vld [tilespmem:s16+$0xFFFFFE60];
	[tilespmem:v46+s25+$0x0] =	vst.idx.msk $0xffff, v38  }
0x194: {  	v46 =	vadd.s32 v10, v55;
	v38 =	vld [tilespmem:s16+$0xFFFFFEA0];
	[tilespmem:v49+s25+$0x0] =	vst.idx.msk $0xffff, v48  }
0x195: {  	v49 =	vadd.s32 v14, v35;
	v48 =	vld [tilespmem:s16+$0xFFFFFEE0];
	[tilespmem:v47+s25+$0x0] =	vst.idx.msk $0xffff, v39  }
0x196: {  	[tilespmem:v42+s25+$0x0] =	vst.idx.msk $0xffff, v40;
	v39 =	vld [tilespmem:s16+$0xFFFFFFF0];
	v40 =	vadd.s32 v31, v41  }
0x197: {  	v47 =	vadd.s32 v18, v34;
	v42 =	vld [tilespmem:s16+$0xFFFFFF20];
	[tilespmem:v44+s25+$0x0] =	vst.idx.msk $0xffff, v43  }
0x198: {  	v44 =	vadd.s32 v22, v37;
	[tilespmem:v51+s25+$0x0] =	vst.idx.msk $0xffff, v50;
	v43 =	vld [tilespmem:s16+$0xFFFFFF60]  }
0x199: {  	[tilespmem:v46+s25+$0x0] =	vst.idx.msk $0xffff, v38;
	v38 =	vld [tilespmem:s16+$0xFFFFFFA0];
	v46 =	vadd.s32 v26, v36  }
0x19a: {  	v51 =	vadd.s32 v2, v33;
	v50 =	vld [tilespmem:s16+$0xFFFFFE20];
	[tilespmem:v49+s25+$0x0] =	vst.idx.msk $0xffff, v48  }
0x19b: {  	v49 =	vadd.s32 v7, v45;
	v48 =	vld [tilespmem:s16+$0xFFFFFE70];
	[tilespmem:v40+s25+$0x0] =	vst.idx.msk $0xffff, v39  }
0x19c: {  	[tilespmem:v47+s25+$0x0] =	vst.idx.msk $0xffff, v42;
	v39 =	vld [tilespmem:s16+$0x0];
	v47 =	vadd.s32 v32, v41  }
0x19d: {  	v56 =	vadd.s32 v11, v55;
	v52 =	vld [tilespmem:s16+$0xFFFFFEB0];
	[tilespmem:v44+s25+$0x0] =	vst.idx.msk $0xffff, v43  }
0x19e: {  	v58 =	vadd.s32 v15, v35;
	v57 =	vld [tilespmem:s16+$0xFFFFFEF0];
	[tilespmem:v46+s25+$0x0] =	vst.idx.msk $0xffff, v38  }
0x19f: {  	v60 =	vadd.s32 v19, v34;
	[tilespmem:v51+s25+$0x0] =	vst.idx.msk $0xffff, v50;
	v59 =	vld [tilespmem:s16+$0xFFFFFF30]  }
.Ltmp4:
0x1a0: {  	s5 =	sadd.s32 $0x1, s17;
	v41 =	vadd.s32 v23, v37;
	v38 =	vmov s17;
	[tilespmem:v49+s25+$0x0] =	vst.idx.msk $0xffff, v48;
	v40 =	vld [tilespmem:s16+$0xFFFFFF70];
	(pc) =	sbr.rel @p2 .LBB2_11-.Ltmp4, $4  }
0x1a1: {  	s10 =	sadd.s32 $0x3, s17;
	v53 =	vmov s5;
	s5 =	sadd.s32 $0x2, s17;
	v43 =	vadd.s32 v27, v36;
	v50 =	vshrl.u32 v38, $0x3;
	v42 =	vld [tilespmem:s16+$0xFFFFFFB0];
	[tilespmem:v47+s25+$0x0] =	vst.idx.msk $0xffff, v39  }
0x1a2: {  	v54 =	vmov s5;
	s5 =	sadd.s32 $0x4, s17;
	v44 =	vmov s10;
	s10 =	sadd.s32 $0x5, s17;
	v48 =	vadd.s32 v3, v33;
	v46 =	vld [tilespmem:s16+$0xFFFFFE30];
	[tilespmem:v56+s25+$0x0] =	vst.idx.msk $0xffff, v52  }
0x1a3: {  	v38 =	vmov s10;
	v51 =	vadd.s32 v8, v45;
	v47 =	vmov s5;
	s5 =	sadd.s32 $0x6, s17;
	v49 =	vld [tilespmem:s16+$0xFFFFFE80];
	[tilespmem:v58+s25+$0x0] =	vst.idx.msk $0xffff, v57  }
0x1a4: {  	s18 =	sadd.s32 $0x7, s17;
	v45 =	vshll.u32 v50, v1;
	s17 =	sadd.s32 $0x8, s17;
	v39 =	vmov s5;
	v52 =	vadd.s32 v12, v55;
	v50 =	vld [tilespmem:s16+$0xFFFFFEC0];
	[tilespmem:v60+s25+$0x0] =	vst.idx.msk $0xffff, v59  }
0x1a5: {  	_ =	sdelay $0x2  }
0x1a6: {  	v53 =	vshrl.u32 v53, $0x3  }
0x1a7: {  	v55 =	vmov s18;
	v56 =	vld [tilespmem:s16+$0xFFFFFF00];
	v35 =	vadd.s32 v16, v35;
	[tilespmem:v41+s25+$0x0] =	vst.idx.msk $0xffff, v40;
	v57 =	vshrl.u32 v54, $0x3  }
0x1a8: {  	v59 =	vld [tilespmem:s16+$0xFFFFFF40];
	v34 =	vadd.s32 v20, v34;
	v60 =	vshrl.u32 v44, $0x3;
	v58 =	vshrl.u32 v55, $0x3;
	[tilespmem:v43+s25+$0x0] =	vst.idx.msk $0xffff, v42  }
0x1a9: {  	v37 =	vadd.s32 v24, v37;
	v62 =	vshrl.u32 v47, $0x3;
	v61 =	vld [tilespmem:s16+$0xFFFFFF80];
	v41 =	vshll.u32 v58, v1;
	[tilespmem:v48+s25+$0x0] =	vst.idx.msk $0xffff, v46  }
0x1aa: {  	v36 =	vadd.s32 v28, v36;
	v45 =	vbroadcast v45, $0x0;
	v63 =	vld [tilespmem:s16+$0xFFFFFFC0];
	v41 =	vbroadcast v41, $0x0;
	[tilespmem:v51+s25+$0x0] =	vst.idx.msk $0xffff, v49  }
0x1ab: {  	v33 =	vadd.s32 v4, v33;
	s18 =	sadd.s32 $0x200, s16;
	v38 =	vshrl.u32 v38, $0x3;
	v55 =	vshll.u32 v53, v1;
	v48 =	vld [tilespmem:s16+$0xFFFFFE40];
	[tilespmem:v52+s25+$0x0] =	vst.idx.msk $0xffff, v50  }
0x1ac: {  	v40 =	vshll.u32 v57, v1;
	v47 =	vbroadcast v55, $0x0;
	v49 =	vld [tilespmem:s18+$0xFFFFFFD0];
	v50 =	vadd.s32 v29, v41;
	[tilespmem:v35+s25+$0x0] =	vst.idx.msk $0xffff, v56  }
0x1ad: {  	v42 =	vshll.u32 v60, v1;
	v40 =	vbroadcast v40, $0x0;
	v35 =	vld [tilespmem:s18+$0xFFFFFE10];
	v56 =	vadd.s32 v0, v45;
	[tilespmem:v34+s25+$0x0] =	vst.idx.msk $0xffff, v59  }
0x1ae: {  	v57 =	vld [tilespmem:s18+$0xFFFFFE50];
	v44 =	vshll.u32 v62, v1;
	v42 =	vbroadcast v42, $0x0;
	v58 =	vadd.s32 v5, v47;
	[tilespmem:v37+s25+$0x0] =	vst.idx.msk $0xffff, v61  }
0x1af: {  	v38 =	vshll.u32 v38, v1;
	v44 =	vbroadcast v44, $0x0;
	v60 =	vadd.s32 v9, v40;
	v59 =	vld [tilespmem:s18+$0xFFFFFE90];
	[tilespmem:v36+s25+$0x0] =	vst.idx.msk $0xffff, v63  }
0x1b0: {  	v38 =	vbroadcast v38, $0x0;
	v62 =	vadd.s32 v13, v42;
	v61 =	vld [tilespmem:s18+$0xFFFFFED0];
	[tilespmem:v33+s25+$0x0] =	vst.idx.msk $0xffff, v48  }
0x1b1: {  	v39 =	vshrl.u32 v39, $0x3;
	v63 =	vadd.s32 v17, v44;
	v33 =	vld [tilespmem:s18+$0xFFFFFF10];
	[tilespmem:v50+s25+$0x0] =	vst.idx.msk $0xffff, v49  }
0x1b2: {  	v39 =	vshll.u32 v39, v1;
	v34 =	vld [tilespmem:s18+$0xFFFFFF50];
	[tilespmem:v56+s25+$0x0] =	vst.idx.msk $0xffff, v35;
	v56 =	vadd.s32 v21, v38  }
0x1b3: {  	[tilespmem:v58+s25+$0x0] =	vst.idx.msk $0xffff, v57;
	v35 =	vbroadcast v39, $0x0;
	v49 =	vadd.s32 v30, v41;
	v39 =	vld [tilespmem:s18+$0xFFFFFFE0]  }
0x1b4: {  	[tilespmem:v60+s25+$0x0] =	vst.idx.msk $0xffff, v59;
	v59 =	vld [tilespmem:s18+$0xFFFFFE60];
	v60 =	vadd.s32 v6, v47  }
0x1b5: {  	v57 =	vld [tilespmem:s18+$0xFFFFFF90];
	[tilespmem:v62+s25+$0x0] =	vst.idx.msk $0xffff, v61;
	v58 =	vadd.s32 v25, v35  }
0x1b6: {  	v61 =	vld [tilespmem:s18+$0xFFFFFEA0];
	v62 =	vadd.s32 v10, v40;
	[tilespmem:v63+s25+$0x0] =	vst.idx.msk $0xffff, v33  }
0x1b7: {  	v33 =	vld [tilespmem:s18+$0xFFFFFEE0];
	v63 =	vadd.s32 v14, v42;
	[tilespmem:v56+s25+$0x0] =	vst.idx.msk $0xffff, v34  }
0x1b8: {  	v56 =	vadd.s32 v18, v44;
	[tilespmem:v49+s25+$0x0] =	vst.idx.msk $0xffff, v39;
	v49 =	vld [tilespmem:s18+$0xFFFFFF20]  }
0x1b9: {  	[tilespmem:v60+s25+$0x0] =	vst.idx.msk $0xffff, v59;
	v39 =	vadd.s32 v31, v41;
	v34 =	vld [tilespmem:s18+$0xFFFFFFF0]  }
0x1ba: {  	[tilespmem:v58+s25+$0x0] =	vst.idx.msk $0xffff, v57;
	v57 =	vld [tilespmem:s18+$0xFFFFFF60];
	v58 =	vadd.s32 v22, v38  }
0x1bb: {  	[tilespmem:v62+s25+$0x0] =	vst.idx.msk $0xffff, v61;
	v61 =	vld [tilespmem:s18+$0xFFFFFE20];
	v62 =	vadd.s32 v2, v45  }
0x1bc: {  	v60 =	vadd.s32 v26, v35;
	v59 =	vld [tilespmem:s18+$0xFFFFFFA0];
	[tilespmem:v63+s25+$0x0] =	vst.idx.msk $0xffff, v33  }
0x1bd: {  	v55 =	vadd.s32 v11, v40;
	v54 =	vadd.s32 v32, v41;
	v41 =	vld [tilespmem:s18+$0xFFFFFEB0];
	[tilespmem:v56+s25+$0x0] =	vst.idx.msk $0xffff, v49  }
0x1be: {  	v53 =	vadd.s32 v7, v47;
	v63 =	vld [tilespmem:s18+$0xFFFFFE70];
	[tilespmem:v39+s25+$0x0] =	vst.idx.msk $0xffff, v34  }
0x1bf: {  	v56 =	vld [tilespmem:s18+$0xFFFFFEF0];
	[tilespmem:v58+s25+$0x0] =	vst.idx.msk $0xffff, v57;
	v57 =	vadd.s32 v15, v42  }
0x1c0: {  	[tilespmem:v62+s25+$0x0] =	vst.idx.msk $0xffff, v61;
	v34 =	vld [tilespmem:s18+$0x0]  }
0x1c1: {  	v58 =	vld [tilespmem:s18+$0xFFFFFF30];
	[tilespmem:v60+s25+$0x0] =	vst.idx.msk $0xffff, v59;
	v59 =	vadd.s32 v19, v44  }
0x1c2: {  	v61 =	vadd.s32 v23, v38;
	[tilespmem:v55+s25+$0x0] =	vst.idx.msk $0xffff, v41;
	v60 =	vld [tilespmem:s18+$0xFFFFFF70]  }
0x1c3: {  	[tilespmem:v53+s25+$0x0] =	vst.idx.msk $0xffff, v63;
	v63 =	vadd.s32 v27, v35;
	v62 =	vld [tilespmem:s18+$0xFFFFFFB0]  }
0x1c4: {  	v47 =	vadd.s32 v8, v47;
	v55 =	vld [tilespmem:s18+$0xFFFFFE80];
	[tilespmem:v57+s25+$0x0] =	vst.idx.msk $0xffff, v56  }
0x1c5: {  	v53 =	vld [tilespmem:s18+$0xFFFFFE30];
	[tilespmem:v54+s25+$0x0] =	vst.idx.msk $0xffff, v34;
	v54 =	vadd.s32 v3, v45  }
0x1c6: {  	v40 =	vadd.s32 v12, v40;
	v56 =	vld [tilespmem:s18+$0xFFFFFEC0];
	[tilespmem:v59+s25+$0x0] =	vst.idx.msk $0xffff, v58  }
0x1c7: {  	v42 =	vadd.s32 v16, v42;
	v57 =	vld [tilespmem:s18+$0xFFFFFF00];
	[tilespmem:v61+s25+$0x0] =	vst.idx.msk $0xffff, v60  }
0x1c8: {  	v59 =	vadd.s32 v20, v44;
	v58 =	vld [tilespmem:s18+$0xFFFFFF40];
	[tilespmem:v63+s25+$0x0] =	vst.idx.msk $0xffff, v62  }
0x1c9: {  	v38 =	vadd.s32 v24, v38;
	v60 =	vld [tilespmem:s18+$0xFFFFFF80];
	[tilespmem:v47+s25+$0x0] =	vst.idx.msk $0xffff, v55  }
0x1ca: {  	v35 =	vadd.s32 v28, v35;
	v61 =	vld [tilespmem:s18+$0xFFFFFFC0];
	[tilespmem:v54+s25+$0x0] =	vst.idx.msk $0xffff, v53  }
0x1cb: {  	v63 =	vadd.s32 v4, v45;
	[tilespmem:v40+s25+$0x0] =	vst.idx.msk $0xffff, v56;
	v62 =	vld [tilespmem:s18+$0xFFFFFE40]  }
0x1cc: {  	[tilespmem:v42+s25+$0x0] =	vst.idx.msk $0xffff, v57  }
0x1cd: {  	[tilespmem:v59+s25+$0x0] =	vst.idx.msk $0xffff, v58  }
0x1ce: {  	[tilespmem:v38+s25+$0x0] =	vst.idx.msk $0xffff, v60  }
0x1cf: {  	[tilespmem:v35+s25+$0x0] =	vst.idx.msk $0xffff, v61  }
0x1d0: {  	s5 =	sadd.s32 @!p1 $0x300, s14;
	s10 =	simm.s32 @!p1 $0x80;
	s16 =	simm.s32 @!p1 $0xA400;
	[tilespmem:v63+s25+$0x0] =	vst.idx.msk $0xffff, v62  }
0x1d1: {  	[tilespmem:s16], [sflag:$0x3] =	stream.indirect.gather @!p1 [hbm4b:s4+s10], $0x40, s5, s10, $0xb8;
	[tilespmem:$0x17400] =	vst v63  }
0x1d2: {  	s19 =	simm.s32 $0x12C00;
	s10 =	sadd.s32 s15, s8  }
0x1d3: {  	[hbm4b:s10+s3] =	stream.linear.scatter [tilespmem:s19], [sflag:$0x7], $0x80, $0x38;
	[tilespmem:$0x17400] =	vst v63  }
0x1d4: {  	s16 =	simm.s32 $0x12C90;
	s17 =	sadd.s32 $0x10, s10  }
0x1d5: {  	[hbm4b:s17+s3] =	stream.linear.scatter [tilespmem:s16], [sflag:$0x7], $0x80, $0x38;
	[tilespmem:$0x17400] =	vst v63  }
0x1d6: {  	s18 =	simm.s32 $0x12D20;
	s19 =	sadd.s32 $0x20, s10  }
0x1d7: {  	[hbm4b:s19+s3] =	stream.linear.scatter [tilespmem:s18], [sflag:$0x7], $0x80, $0x38;
	[tilespmem:$0x17400] =	vst v63  }
0x1d8: {  	s16 =	simm.s32 $0x12DB0;
	s17 =	sadd.s32 $0x30, s10  }
0x1d9: {  	[hbm4b:s17+s3] =	stream.linear.scatter [tilespmem:s16], [sflag:$0x7], $0x80, $0x38;
	[tilespmem:$0x17400] =	vst v63  }
0x1da: {  	s18 =	simm.s32 $0x12E40;
	s19 =	sadd.s32 $0x40, s10  }
0x1db: {  	[hbm4b:s19+s3] =	stream.linear.scatter [tilespmem:s18], [sflag:$0x7], $0x80, $0x38;
	[tilespmem:$0x17400] =	vst v63  }
0x1dc: {  	s5 =	sadd.s32 $0x70, s10;
	s16 =	simm.s32 $0x12ED0;
	s17 =	sadd.s32 $0x50, s10  }
0x1dd: {  	[hbm4b:s17+s3] =	stream.linear.scatter [tilespmem:s16], [sflag:$0x7], $0x80, $0x38;
	[tilespmem:$0x17400] =	vst v63  }
0x1de: {  	s18 =	simm.s32 $0x12F60;
	s19 =	sadd.s32 $0x60, s10;
	s16 =	simm.s32 $0x480  }
0x1df: {  	[hbm4b:s19+s3] =	stream.linear.scatter [tilespmem:s18], [sflag:$0x7], $0x80, $0x38;
	[tilespmem:$0x17400] =	vst v63  }
0x1e0: {  	s17 =	sadd.s32 $0x1000, s10;
	s18 =	simm.s32 $0x2400;
	s19 =	simm.s32 $0x12FF0  }
.LBB2_13:
0x1e1: {  	[hbm4b:s5+s3] =	stream.linear.scatter [tilespmem:s19], [sflag:$0x7], $0x80, $0x38;
	[tilespmem:$0x17400] =	vst v63  }
0x1e2: {  	s5 =	smov.u32 s16;
	s10 =	smov.u32 s18  }
0x1e3: {  	s16 =	sshra.s32 s10, $0x2;
	s10 =	sadd.s32 $0x1200, s18;
	s19 =	sadd.s32 $0x12C00, s5  }
0x1e4: {  	[hbm4b:s17+s3] =	stream.linear.scatter [tilespmem:s19], [sflag:$0x7], $0x80, $0x38;
	[tilespmem:$0x17400] =	vst v63  }
0x1e5: {  	p2 =	sne.s32 s18, $0x7E00;
	s18 =	sadd.s32 $0x12C90, s5;
	s19 =	sadd.s32 $0x10, s17  }
0x1e6: {  	[hbm4b:s19+s3] =	stream.linear.scatter [tilespmem:s18], [sflag:$0x7], $0x80, $0x38;
	[tilespmem:$0x17400] =	vst v63  }
0x1e7: {  	s18 =	sadd.s32 $0x12D20, s5;
	s19 =	sadd.s32 $0x20, s17  }
0x1e8: {  	[hbm4b:s19+s3] =	stream.linear.scatter [tilespmem:s18], [sflag:$0x7], $0x80, $0x38;
	[tilespmem:$0x17400] =	vst v63  }
0x1e9: {  	s18 =	sadd.s32 $0x12DB0, s5;
	s19 =	sadd.s32 $0x30, s17  }
0x1ea: {  	[hbm4b:s19+s3] =	stream.linear.scatter [tilespmem:s18], [sflag:$0x7], $0x80, $0x38;
	[tilespmem:$0x17400] =	vst v63  }
0x1eb: {  	s18 =	sadd.s32 $0x12E40, s5;
	s19 =	sadd.s32 $0x40, s17  }
0x1ec: {  	[hbm4b:s19+s3] =	stream.linear.scatter [tilespmem:s18], [sflag:$0x7], $0x80, $0x38;
	[tilespmem:$0x17400] =	vst v63  }
0x1ed: {  	s18 =	sadd.s32 $0x12ED0, s5;
	s19 =	sadd.s32 $0x50, s17  }
0x1ee: {  	[hbm4b:s19+s3] =	stream.linear.scatter [tilespmem:s18], [sflag:$0x7], $0x80, $0x38;
	[tilespmem:$0x17400] =	vst v63  }
.Ltmp5:
0x1ef: {  	_ = 	snop;
	(pc) =	sbr.rel @p2 .LBB2_13-.Ltmp5, $4  }
0x1f0: {  	s18 =	sadd.s32 $0x12F60, s5;
	s19 =	sadd.s32 $0x60, s17  }
0x1f1: {  	[hbm4b:s19+s3] =	stream.linear.scatter [tilespmem:s18], [sflag:$0x7], $0x80, $0x38;
	[tilespmem:$0x17400] =	vst v63  }
0x1f2: {  	s19 =	sadd.s32 $0x12FF0, s5  }
0x1f3: {  	s5 =	sadd.s32 $0x70, s17;
	s17 =	sadd.s32 $0x1000, s17;
	s18 =	smov.u32 s10  }
0x1f4: {  	[hbm4b:s5+s3] =	stream.linear.scatter [tilespmem:s19], [sflag:$0x7], $0x80, $0x38;
	[tilespmem:$0x17400] =	vst v63  }
0x1f5: {  	s18 =	sadd.s32 $0x12C00, s16  }
0x1f6: {  	[hbm4b:s17+s3] =	stream.linear.scatter [tilespmem:s18], [sflag:$0x7], $0x80, $0x38;
	[tilespmem:$0x17400] =	vst v63  }
0x1f7: {  	s19 =	sadd.s32 $0x12C90, s16;
	s10 =	sadd.s32 $0x10, s17  }
0x1f8: {  	[hbm4b:s10+s3] =	stream.linear.scatter [tilespmem:s19], [sflag:$0x7], $0x80, $0x38;
	[tilespmem:$0x17400] =	vst v63  }
0x1f9: {  	s18 =	sadd.s32 $0x12D20, s16;
	s19 =	sadd.s32 $0x20, s17  }
0x1fa: {  	[hbm4b:s19+s3] =	stream.linear.scatter [tilespmem:s18], [sflag:$0x7], $0x80, $0x38;
	[tilespmem:$0x17400] =	vst v63  }
0x1fb: {  	s18 =	sadd.s32 $0x12DB0, s16;
	s19 =	sadd.s32 $0x30, s17  }
0x1fc: {  	[hbm4b:s19+s3] =	stream.linear.scatter [tilespmem:s18], [sflag:$0x7], $0x80, $0x38;
	[tilespmem:$0x17400] =	vst v63  }
0x1fd: {  	s18 =	sadd.s32 $0x12E40, s16;
	s19 =	sadd.s32 $0x40, s17  }
0x1fe: {  	[hbm4b:s19+s3] =	stream.linear.scatter [tilespmem:s18], [sflag:$0x7], $0x80, $0x38;
	[tilespmem:$0x17400] =	vst v63  }
0x1ff: {  	s18 =	sadd.s32 $0x12ED0, s16;
	s19 =	sadd.s32 $0x50, s17  }
0x200: {  	[hbm4b:s19+s3] =	stream.linear.scatter [tilespmem:s18], [sflag:$0x7], $0x80, $0x38;
	[tilespmem:$0x17400] =	vst v63  }
0x201: {  	s18 =	sadd.s32 $0x12F60, s16;
	s19 =	sadd.s32 $0x60, s17  }
0x202: {  	[hbm4b:s19+s3] =	stream.linear.scatter [tilespmem:s18], [sflag:$0x7], $0x80, $0x38;
	[tilespmem:$0x17400] =	vst v63  }
0x203: {  	s18 =	sadd.s32 $0x12FF0, s16  }
0x204: {  	s19 =	sadd.s32 $0x70, s17;
	s16 =	simm.s32 $0x0;
	s17 =	simm.s32 $0x1  }
0x205: {  	v33 =	vmov s16;
	v34 =	vmov s17;
	s16 =	simm.s32 $0x4;
	s17 =	simm.s32 $0x7  }
0x206: {  	[hbm4b:s19+s3] =	stream.linear.scatter [tilespmem:s18], [sflag:$0x7], $0x80, $0x38;
	v33 =	vshrl.u32 v33, $0x3;
	[tilespmem:$0x17400] =	vst v63  }
0x207: {  	s18 =	simm.s32 $0x2;
	s19 =	simm.s32 $0x3;
	v37 =	vmov s16;
	v38 =	vmov s17;
	v34 =	vshrl.u32 v34, $0x3;
	_ =	swait.ge [sflag:s26], $0x2000  }
0x208: {  	s10 =	simm.s32 @!p0 $0x8;
	v35 =	vmov s18;
	v36 =	vmov s19;
	v33 =	vshll.u32 v33, v1;
	[sflag:s26] =	ssyncset.done $0x0  }
0x209: {  	s18 =	simm.s32 $0x5;
	s19 =	simm.s32 $0x6;
	v38 =	vshrl.u32 v38, $0x3;
	v37 =	vshrl.u32 v37, $0x3;
	v34 =	vshll.u32 v34, v1;
	[sflag:s26] =	ssyncadd.s32 $0xFFFFE000  }
0x20a: {  	v39 =	vmov s18;
	v40 =	vmov s19;
	v38 =	vshll.u32 v38, v1;
	_ =	swait.ge @!p0 [sflag:s10], $0x2000  }
0x20b: {  	v35 =	vshrl.u32 v35, $0x3;
	v36 =	vshrl.u32 v36, $0x3;
	v38 =	vbroadcast v38, $0x0;
	[sflag:s10] =	ssyncset.done @!p0 $0x0  }
0x20c: {  	s16 =	simm.s32 $0xC5F0;
	v33 =	vbroadcast v33, $0x0;
	v45 =	vbroadcast v34, $0x0;
	v54 =	vshll.u32 v37, v1;
	[sflag:s10] =	ssyncadd.s32 @!p0 $0xFFFFE000  }
0x20d: {  	v52 =	vshll.u32 v35, v1;
	v53 =	vshll.u32 v36, v1;
	v42 =	vadd.s32 v29, v38;
	v41 =	vld [tilespmem:s16+$0xFFFFFFD0]  }
0x20e: {  	v34 =	vbroadcast v54, $0x0;
	v44 =	vadd.s32 v0, v33;
	v52 =	vbroadcast v52, $0x0;
	v43 =	vld [tilespmem:s16+$0xFFFFFE10]  }
0x20f: {  	v55 =	vshrl.u32 v39, $0x3;
	v47 =	vadd.s32 v5, v45;
	v35 =	vbroadcast v53, $0x0;
	v46 =	vld [tilespmem:s16+$0xFFFFFE50]  }
0x210: {  	v40 =	vshrl.u32 v40, $0x3;
	v36 =	vshll.u32 v55, v1;
	v49 =	vadd.s32 v9, v52;
	v48 =	vld [tilespmem:s16+$0xFFFFFE90]  }
0x211: {  	v56 =	vshll.u32 v40, v1;
	v37 =	vbroadcast v36, $0x0;
	v50 =	vadd.s32 v13, v35;
	v39 =	vld [tilespmem:s16+$0xFFFFFED0]  }
0x212: {  	v53 =	vadd.s32 v17, v34;
	v36 =	vbroadcast v56, $0x0;
	v51 =	vld [tilespmem:s16+$0xFFFFFF10];
	[tilespmem:v42+s28+$0x0] =	vst.idx.msk $0xffff, v41  }
0x213: {  	v59 =	vld [tilespmem:s16+$0xFFFFFF50];
	v60 =	vadd.s32 v21, v37;
	[tilespmem:v44+s28+$0x0] =	vst.idx.msk $0xffff, v43  }
0x214: {  	v61 =	vld [tilespmem:s16+$0xFFFFFF90];
	v62 =	vadd.s32 v25, v36;
	[tilespmem:v47+s28+$0x0] =	vst.idx.msk $0xffff, v46  }
0x215: {  	v58 =	vadd.s32 v30, v38;
	[tilespmem:v49+s28+$0x0] =	vst.idx.msk $0xffff, v48;
	v57 =	vld [tilespmem:s16+$0xFFFFFFE0]  }
0x216: {  	v63 =	vadd.s32 v6, v45;
	[tilespmem:v50+s28+$0x0] =	vst.idx.msk $0xffff, v39;
	v47 =	vld [tilespmem:s16+$0xFFFFFE60]  }
0x217: {  	v55 =	vadd.s32 v10, v52;
	[tilespmem:v53+s28+$0x0] =	vst.idx.msk $0xffff, v51;
	v54 =	vld [tilespmem:s16+$0xFFFFFEA0]  }
0x218: {  	v56 =	vadd.s32 v14, v35;
	[tilespmem:v60+s28+$0x0] =	vst.idx.msk $0xffff, v59;
	v50 =	vld [tilespmem:s16+$0xFFFFFEE0]  }
0x219: {  	[tilespmem:v62+s28+$0x0] =	vst.idx.msk $0xffff, v61;
	v46 =	vadd.s32 v22, v37;
	v44 =	vld [tilespmem:s16+$0xFFFFFF60]  }
0x21a: {  	v59 =	vadd.s32 v18, v34;
	[tilespmem:v58+s28+$0x0] =	vst.idx.msk $0xffff, v57;
	v58 =	vld [tilespmem:s16+$0xFFFFFF20]  }
0x21b: {  	v57 =	vadd.s32 v31, v38;
	[tilespmem:v63+s28+$0x0] =	vst.idx.msk $0xffff, v47;
	v40 =	vld [tilespmem:s16+$0xFFFFFFF0]  }
0x21c: {  	v62 =	vadd.s32 v2, v33;
	v61 =	vld [tilespmem:s16+$0xFFFFFE20];
	[tilespmem:v55+s28+$0x0] =	vst.idx.msk $0xffff, v54  }
0x21d: {  	v60 =	vadd.s32 v26, v36;
	v63 =	vld [tilespmem:s16+$0xFFFFFFA0];
	[tilespmem:v56+s28+$0x0] =	vst.idx.msk $0xffff, v50  }
0x21e: {  	v51 =	vadd.s32 v7, v45;
	[tilespmem:v46+s28+$0x0] =	vst.idx.msk $0xffff, v44;
	v50 =	vld [tilespmem:s16+$0xFFFFFE70]  }
0x21f: {  	v56 =	vadd.s32 v11, v52;
	v55 =	vld [tilespmem:s16+$0xFFFFFEB0];
	[tilespmem:v59+s28+$0x0] =	vst.idx.msk $0xffff, v58  }
0x220: {  	v58 =	vadd.s32 v15, v35;
	[tilespmem:v57+s28+$0x0] =	vst.idx.msk $0xffff, v40;
	v57 =	vld [tilespmem:s16+$0xFFFFFEF0]  }
0x221: {  	v38 =	vadd.s32 v32, v38;
	[tilespmem:v62+s28+$0x0] =	vst.idx.msk $0xffff, v61;
	v54 =	vld [tilespmem:s16+$0x0]  }
0x222: {  	s17 =	simm.s32 $0x9;
	[tilespmem:v60+s28+$0x0] =	vst.idx.msk $0xffff, v63;
	v60 =	vadd.s32 v19, v34;
	v59 =	vld [tilespmem:s16+$0xFFFFFF30]  }
0x223: {  	s19 =	simm.s32 $0xB;
	v41 =	vadd.s32 v23, v37;
	v53 =	vmov s17;
	[tilespmem:v51+s28+$0x0] =	vst.idx.msk $0xffff, v50;
	v40 =	vld [tilespmem:s16+$0xFFFFFF70]  }
0x224: {  	s10 =	simm.s32 $0x8;
	v43 =	vadd.s32 v27, v36;
	s17 =	simm.s32 $0xC;
	v48 =	vadd.s32 v3, v33;
	v44 =	vmov s19;
	v42 =	vld [tilespmem:s16+$0xFFFFFFB0];
	[tilespmem:v56+s28+$0x0] =	vst.idx.msk $0xffff, v55  }
0x225: {  	s18 =	simm.s32 $0xA;
	v47 =	vmov s17;
	v52 =	vadd.s32 v12, v52;
	v46 =	vld [tilespmem:s16+$0xFFFFFE30];
	v63 =	vmov s10;
	[tilespmem:v58+s28+$0x0] =	vst.idx.msk $0xffff, v57  }
0x226: {  	s19 =	simm.s32 $0xE;
	v39 =	vshrl.u32 v63, $0x3;
	v51 =	vadd.s32 v8, v45;
	v49 =	vld [tilespmem:s16+$0xFFFFFE80];
	[tilespmem:v38+s28+$0x0] =	vst.idx.msk $0xffff, v54;
	v54 =	vmov s18;
	s18 =	simm.s32 $0xD  }
0x227: {  	s17 =	simm.s32 $0x10;
	v45 =	vshll.u32 v39, v1;
	v39 =	vmov s19;
	v50 =	vld [tilespmem:s16+$0xFFFFFEC0];
	[tilespmem:v60+s28+$0x0] =	vst.idx.msk $0xffff, v59;
	v38 =	vmov s18;
	s18 =	simm.s32 $0xF  }
.LBB2_15:
0x228: {  	p0 =	slt.u32 s17, $0x78;
	v53 =	vshrl.u32 v53, $0x3;
	v55 =	vmov s18;
	v56 =	vld [tilespmem:s16+$0xFFFFFF00];
	v35 =	vadd.s32 v16, v35;
	[tilespmem:v41+s28+$0x0] =	vst.idx.msk $0xffff, v40  }
0x229: {  	v40 =	vshrl.u32 v54, $0x3;
	v34 =	vadd.s32 v20, v34;
	v41 =	vshrl.u32 v55, $0x3;
	v54 =	vld [tilespmem:s16+$0xFFFFFF40];
	[tilespmem:v43+s28+$0x0] =	vst.idx.msk $0xffff, v42  }
0x22a: {  	v37 =	vadd.s32 v24, v37;
	v42 =	vshrl.u32 v44, $0x3;
	v41 =	vshll.u32 v41, v1;
	[tilespmem:v48+s28+$0x0] =	vst.idx.msk $0xffff, v46;
	v43 =	vld [tilespmem:s16+$0xFFFFFF80]  }
0x22b: {  	v36 =	vadd.s32 v28, v36;
	v44 =	vshrl.u32 v47, $0x3;
	v41 =	vbroadcast v41, $0x0;
	[tilespmem:v51+s28+$0x0] =	vst.idx.msk $0xffff, v49;
	v46 =	vld [tilespmem:s16+$0xFFFFFFC0]  }
0x22c: {  	v47 =	vshll.u32 v53, v1;
	v49 =	vadd.s32 v4, v33;
	v33 =	vbroadcast v45, $0x0;
	v48 =	vld [tilespmem:s16+$0xFFFFFE40];
	[tilespmem:v52+s28+$0x0] =	vst.idx.msk $0xffff, v50;
	s16 =	sadd.s32 $0x200, s16  }
0x22d: {  	v40 =	vshll.u32 v40, v1;
	v45 =	vbroadcast v47, $0x0;
	v47 =	vld [tilespmem:s16+$0xFFFFFFD0];
	v50 =	vadd.s32 v29, v41;
	[tilespmem:v35+s28+$0x0] =	vst.idx.msk $0xffff, v56  }
0x22e: {  	v55 =	vbroadcast v40, $0x0;
	v52 =	vadd.s32 v0, v33;
	v35 =	vshll.u32 v42, v1;
	v51 =	vld [tilespmem:s16+$0xFFFFFE10];
	[tilespmem:v34+s28+$0x0] =	vst.idx.msk $0xffff, v54  }
0x22f: {  	v42 =	vadd.s32 v5, v45;
	v35 =	vbroadcast v35, $0x0;
	v34 =	vshll.u32 v44, v1;
	v40 =	vld [tilespmem:s16+$0xFFFFFE50];
	[tilespmem:v37+s28+$0x0] =	vst.idx.msk $0xffff, v43  }
0x230: {  	v44 =	vadd.s32 v9, v55;
	v34 =	vbroadcast v34, $0x0;
	v37 =	vshrl.u32 v38, $0x3;
	v43 =	vld [tilespmem:s16+$0xFFFFFE90];
	[tilespmem:v36+s28+$0x0] =	vst.idx.msk $0xffff, v46  }
0x231: {  	v39 =	vshrl.u32 v39, $0x3;
	v46 =	vadd.s32 v13, v35;
	v36 =	vshll.u32 v37, v1;
	v38 =	vld [tilespmem:s16+$0xFFFFFED0];
	[tilespmem:v49+s28+$0x0] =	vst.idx.msk $0xffff, v48  }
0x232: {  	v49 =	vadd.s32 v17, v34;
	v37 =	vbroadcast v36, $0x0;
	v36 =	vshll.u32 v39, v1;
	v48 =	vld [tilespmem:s16+$0xFFFFFF10];
	[tilespmem:v50+s28+$0x0] =	vst.idx.msk $0xffff, v47  }
0x233: {  	v36 =	vbroadcast v36, $0x0;
	v47 =	vadd.s32 v30, v41;
	[tilespmem:v52+s28+$0x0] =	vst.idx.msk $0xffff, v51;
	v39 =	vld [tilespmem:s16+$0xFFFFFFE0]  }
0x234: {  	[tilespmem:v42+s28+$0x0] =	vst.idx.msk $0xffff, v40;
	v40 =	vld [tilespmem:s16+$0xFFFFFF50];
	v42 =	vadd.s32 v21, v37  }
0x235: {  	[tilespmem:v44+s28+$0x0] =	vst.idx.msk $0xffff, v43;
	v43 =	vld [tilespmem:s16+$0xFFFFFF90];
	v44 =	vadd.s32 v25, v36  }
0x236: {  	v51 =	vadd.s32 v6, v45;
	v50 =	vld [tilespmem:s16+$0xFFFFFE60];
	[tilespmem:v46+s28+$0x0] =	vst.idx.msk $0xffff, v38  }
0x237: {  	v46 =	vadd.s32 v10, v55;
	v38 =	vld [tilespmem:s16+$0xFFFFFEA0];
	[tilespmem:v49+s28+$0x0] =	vst.idx.msk $0xffff, v48  }
0x238: {  	v49 =	vadd.s32 v14, v35;
	v48 =	vld [tilespmem:s16+$0xFFFFFEE0];
	[tilespmem:v47+s28+$0x0] =	vst.idx.msk $0xffff, v39  }
0x239: {  	[tilespmem:v42+s28+$0x0] =	vst.idx.msk $0xffff, v40;
	v39 =	vld [tilespmem:s16+$0xFFFFFFF0];
	v40 =	vadd.s32 v31, v41  }
0x23a: {  	v47 =	vadd.s32 v18, v34;
	v42 =	vld [tilespmem:s16+$0xFFFFFF20];
	[tilespmem:v44+s28+$0x0] =	vst.idx.msk $0xffff, v43  }
0x23b: {  	v44 =	vadd.s32 v22, v37;
	[tilespmem:v51+s28+$0x0] =	vst.idx.msk $0xffff, v50;
	v43 =	vld [tilespmem:s16+$0xFFFFFF60]  }
0x23c: {  	[tilespmem:v46+s28+$0x0] =	vst.idx.msk $0xffff, v38;
	v38 =	vld [tilespmem:s16+$0xFFFFFFA0];
	v46 =	vadd.s32 v26, v36  }
0x23d: {  	v51 =	vadd.s32 v2, v33;
	v50 =	vld [tilespmem:s16+$0xFFFFFE20];
	[tilespmem:v49+s28+$0x0] =	vst.idx.msk $0xffff, v48  }
0x23e: {  	v49 =	vadd.s32 v7, v45;
	v48 =	vld [tilespmem:s16+$0xFFFFFE70];
	[tilespmem:v40+s28+$0x0] =	vst.idx.msk $0xffff, v39  }
0x23f: {  	[tilespmem:v47+s28+$0x0] =	vst.idx.msk $0xffff, v42;
	v39 =	vld [tilespmem:s16+$0x0];
	v47 =	vadd.s32 v32, v41  }
0x240: {  	v56 =	vadd.s32 v11, v55;
	v52 =	vld [tilespmem:s16+$0xFFFFFEB0];
	[tilespmem:v44+s28+$0x0] =	vst.idx.msk $0xffff, v43  }
0x241: {  	v58 =	vadd.s32 v15, v35;
	v57 =	vld [tilespmem:s16+$0xFFFFFEF0];
	[tilespmem:v46+s28+$0x0] =	vst.idx.msk $0xffff, v38  }
0x242: {  	v60 =	vadd.s32 v19, v34;
	[tilespmem:v51+s28+$0x0] =	vst.idx.msk $0xffff, v50;
	v59 =	vld [tilespmem:s16+$0xFFFFFF30]  }
.Ltmp6:
0x243: {  	s5 =	sadd.s32 $0x1, s17;
	v41 =	vadd.s32 v23, v37;
	v38 =	vmov s17;
	[tilespmem:v49+s28+$0x0] =	vst.idx.msk $0xffff, v48;
	v40 =	vld [tilespmem:s16+$0xFFFFFF70];
	(pc) =	sbr.rel @p0 .LBB2_15-.Ltmp6, $4  }
0x244: {  	s10 =	sadd.s32 $0x3, s17;
	v53 =	vmov s5;
	s5 =	sadd.s32 $0x2, s17;
	v43 =	vadd.s32 v27, v36;
	v50 =	vshrl.u32 v38, $0x3;
	v42 =	vld [tilespmem:s16+$0xFFFFFFB0];
	[tilespmem:v47+s28+$0x0] =	vst.idx.msk $0xffff, v39  }
0x245: {  	v54 =	vmov s5;
	s5 =	sadd.s32 $0x4, s17;
	v44 =	vmov s10;
	s10 =	sadd.s32 $0x5, s17;
	v48 =	vadd.s32 v3, v33;
	v46 =	vld [tilespmem:s16+$0xFFFFFE30];
	[tilespmem:v56+s28+$0x0] =	vst.idx.msk $0xffff, v52  }
0x246: {  	v38 =	vmov s10;
	v51 =	vadd.s32 v8, v45;
	v47 =	vmov s5;
	s5 =	sadd.s32 $0x6, s17;
	v49 =	vld [tilespmem:s16+$0xFFFFFE80];
	[tilespmem:v58+s28+$0x0] =	vst.idx.msk $0xffff, v57  }
0x247: {  	s18 =	sadd.s32 $0x7, s17;
	v45 =	vshll.u32 v50, v1;
	s17 =	sadd.s32 $0x8, s17;
	v39 =	vmov s5;
	v52 =	vadd.s32 v12, v55;
	v50 =	vld [tilespmem:s16+$0xFFFFFEC0];
	[tilespmem:v60+s28+$0x0] =	vst.idx.msk $0xffff, v59  }
0x248: {  	_ =	sdelay $0x2  }
0x249: {  	v53 =	vshrl.u32 v53, $0x3  }
0x24a: {  	v55 =	vmov s18;
	v56 =	vld [tilespmem:s16+$0xFFFFFF00];
	v35 =	vadd.s32 v16, v35;
	[tilespmem:v41+s28+$0x0] =	vst.idx.msk $0xffff, v40;
	v57 =	vshrl.u32 v54, $0x3  }
0x24b: {  	v59 =	vld [tilespmem:s16+$0xFFFFFF40];
	v34 =	vadd.s32 v20, v34;
	v60 =	vshrl.u32 v44, $0x3;
	v58 =	vshrl.u32 v55, $0x3;
	[tilespmem:v43+s28+$0x0] =	vst.idx.msk $0xffff, v42  }
0x24c: {  	v37 =	vadd.s32 v24, v37;
	v62 =	vshrl.u32 v47, $0x3;
	v61 =	vld [tilespmem:s16+$0xFFFFFF80];
	v41 =	vshll.u32 v58, v1;
	[tilespmem:v48+s28+$0x0] =	vst.idx.msk $0xffff, v46  }
0x24d: {  	v36 =	vadd.s32 v28, v36;
	v45 =	vbroadcast v45, $0x0;
	v63 =	vld [tilespmem:s16+$0xFFFFFFC0];
	v41 =	vbroadcast v41, $0x0;
	[tilespmem:v51+s28+$0x0] =	vst.idx.msk $0xffff, v49  }
0x24e: {  	v33 =	vadd.s32 v4, v33;
	s18 =	sadd.s32 $0x200, s16;
	v38 =	vshrl.u32 v38, $0x3;
	v55 =	vshll.u32 v53, v1;
	v48 =	vld [tilespmem:s16+$0xFFFFFE40];
	[tilespmem:v52+s28+$0x0] =	vst.idx.msk $0xffff, v50  }
0x24f: {  	v40 =	vshll.u32 v57, v1;
	v47 =	vbroadcast v55, $0x0;
	v49 =	vld [tilespmem:s18+$0xFFFFFFD0];
	v50 =	vadd.s32 v29, v41;
	[tilespmem:v35+s28+$0x0] =	vst.idx.msk $0xffff, v56  }
0x250: {  	v42 =	vshll.u32 v60, v1;
	v40 =	vbroadcast v40, $0x0;
	v35 =	vld [tilespmem:s18+$0xFFFFFE10];
	v56 =	vadd.s32 v0, v45;
	[tilespmem:v34+s28+$0x0] =	vst.idx.msk $0xffff, v59  }
0x251: {  	v57 =	vld [tilespmem:s18+$0xFFFFFE50];
	v44 =	vshll.u32 v62, v1;
	v42 =	vbroadcast v42, $0x0;
	v58 =	vadd.s32 v5, v47;
	[tilespmem:v37+s28+$0x0] =	vst.idx.msk $0xffff, v61  }
0x252: {  	v38 =	vshll.u32 v38, v1;
	v44 =	vbroadcast v44, $0x0;
	v60 =	vadd.s32 v9, v40;
	v59 =	vld [tilespmem:s18+$0xFFFFFE90];
	[tilespmem:v36+s28+$0x0] =	vst.idx.msk $0xffff, v63  }
0x253: {  	v38 =	vbroadcast v38, $0x0;
	v62 =	vadd.s32 v13, v42;
	v61 =	vld [tilespmem:s18+$0xFFFFFED0];
	[tilespmem:v33+s28+$0x0] =	vst.idx.msk $0xffff, v48  }
0x254: {  	v39 =	vshrl.u32 v39, $0x3;
	v63 =	vadd.s32 v17, v44;
	v33 =	vld [tilespmem:s18+$0xFFFFFF10];
	[tilespmem:v50+s28+$0x0] =	vst.idx.msk $0xffff, v49  }
0x255: {  	v39 =	vshll.u32 v39, v1;
	v34 =	vld [tilespmem:s18+$0xFFFFFF50];
	[tilespmem:v56+s28+$0x0] =	vst.idx.msk $0xffff, v35;
	v56 =	vadd.s32 v21, v38  }
0x256: {  	[tilespmem:v58+s28+$0x0] =	vst.idx.msk $0xffff, v57;
	v35 =	vbroadcast v39, $0x0;
	v49 =	vadd.s32 v30, v41;
	v39 =	vld [tilespmem:s18+$0xFFFFFFE0]  }
0x257: {  	[tilespmem:v60+s28+$0x0] =	vst.idx.msk $0xffff, v59;
	v59 =	vld [tilespmem:s18+$0xFFFFFE60];
	v60 =	vadd.s32 v6, v47  }
0x258: {  	v57 =	vld [tilespmem:s18+$0xFFFFFF90];
	[tilespmem:v62+s28+$0x0] =	vst.idx.msk $0xffff, v61;
	v58 =	vadd.s32 v25, v35  }
0x259: {  	v61 =	vld [tilespmem:s18+$0xFFFFFEA0];
	v62 =	vadd.s32 v10, v40;
	[tilespmem:v63+s28+$0x0] =	vst.idx.msk $0xffff, v33  }
0x25a: {  	v33 =	vld [tilespmem:s18+$0xFFFFFEE0];
	v63 =	vadd.s32 v14, v42;
	[tilespmem:v56+s28+$0x0] =	vst.idx.msk $0xffff, v34  }
0x25b: {  	v56 =	vadd.s32 v18, v44;
	[tilespmem:v49+s28+$0x0] =	vst.idx.msk $0xffff, v39;
	v49 =	vld [tilespmem:s18+$0xFFFFFF20]  }
0x25c: {  	[tilespmem:v60+s28+$0x0] =	vst.idx.msk $0xffff, v59;
	v39 =	vadd.s32 v31, v41;
	v34 =	vld [tilespmem:s18+$0xFFFFFFF0]  }
0x25d: {  	[tilespmem:v58+s28+$0x0] =	vst.idx.msk $0xffff, v57;
	v57 =	vld [tilespmem:s18+$0xFFFFFF60];
	v58 =	vadd.s32 v22, v38  }
0x25e: {  	[tilespmem:v62+s28+$0x0] =	vst.idx.msk $0xffff, v61;
	v61 =	vld [tilespmem:s18+$0xFFFFFE20];
	v62 =	vadd.s32 v2, v45  }
0x25f: {  	v60 =	vadd.s32 v26, v35;
	v59 =	vld [tilespmem:s18+$0xFFFFFFA0];
	[tilespmem:v63+s28+$0x0] =	vst.idx.msk $0xffff, v33  }
0x260: {  	v55 =	vadd.s32 v11, v40;
	v54 =	vadd.s32 v32, v41;
	v41 =	vld [tilespmem:s18+$0xFFFFFEB0];
	[tilespmem:v56+s28+$0x0] =	vst.idx.msk $0xffff, v49  }
0x261: {  	v53 =	vadd.s32 v7, v47;
	v63 =	vld [tilespmem:s18+$0xFFFFFE70];
	[tilespmem:v39+s28+$0x0] =	vst.idx.msk $0xffff, v34  }
0x262: {  	v56 =	vld [tilespmem:s18+$0xFFFFFEF0];
	[tilespmem:v58+s28+$0x0] =	vst.idx.msk $0xffff, v57;
	v57 =	vadd.s32 v15, v42  }
0x263: {  	[tilespmem:v62+s28+$0x0] =	vst.idx.msk $0xffff, v61;
	v34 =	vld [tilespmem:s18+$0x0]  }
0x264: {  	v58 =	vld [tilespmem:s18+$0xFFFFFF30];
	[tilespmem:v60+s28+$0x0] =	vst.idx.msk $0xffff, v59;
	v59 =	vadd.s32 v19, v44  }
0x265: {  	v61 =	vadd.s32 v23, v38;
	[tilespmem:v55+s28+$0x0] =	vst.idx.msk $0xffff, v41;
	v60 =	vld [tilespmem:s18+$0xFFFFFF70]  }
0x266: {  	[tilespmem:v53+s28+$0x0] =	vst.idx.msk $0xffff, v63;
	v63 =	vadd.s32 v27, v35;
	v62 =	vld [tilespmem:s18+$0xFFFFFFB0]  }
0x267: {  	v47 =	vadd.s32 v8, v47;
	v55 =	vld [tilespmem:s18+$0xFFFFFE80];
	[tilespmem:v57+s28+$0x0] =	vst.idx.msk $0xffff, v56  }
0x268: {  	v53 =	vld [tilespmem:s18+$0xFFFFFE30];
	[tilespmem:v54+s28+$0x0] =	vst.idx.msk $0xffff, v34;
	v54 =	vadd.s32 v3, v45  }
0x269: {  	v40 =	vadd.s32 v12, v40;
	v56 =	vld [tilespmem:s18+$0xFFFFFEC0];
	[tilespmem:v59+s28+$0x0] =	vst.idx.msk $0xffff, v58  }
0x26a: {  	v42 =	vadd.s32 v16, v42;
	v57 =	vld [tilespmem:s18+$0xFFFFFF00];
	[tilespmem:v61+s28+$0x0] =	vst.idx.msk $0xffff, v60  }
0x26b: {  	v59 =	vadd.s32 v20, v44;
	v58 =	vld [tilespmem:s18+$0xFFFFFF40];
	[tilespmem:v63+s28+$0x0] =	vst.idx.msk $0xffff, v62  }
0x26c: {  	v38 =	vadd.s32 v24, v38;
	v60 =	vld [tilespmem:s18+$0xFFFFFF80];
	[tilespmem:v47+s28+$0x0] =	vst.idx.msk $0xffff, v55  }
0x26d: {  	v35 =	vadd.s32 v28, v35;
	v61 =	vld [tilespmem:s18+$0xFFFFFFC0];
	[tilespmem:v54+s28+$0x0] =	vst.idx.msk $0xffff, v53  }
0x26e: {  	v63 =	vadd.s32 v4, v45;
	[tilespmem:v40+s28+$0x0] =	vst.idx.msk $0xffff, v56;
	v62 =	vld [tilespmem:s18+$0xFFFFFE40]  }
0x26f: {  	[tilespmem:v42+s28+$0x0] =	vst.idx.msk $0xffff, v57  }
0x270: {  	[tilespmem:v59+s28+$0x0] =	vst.idx.msk $0xffff, v58  }
0x271: {  	[tilespmem:v38+s28+$0x0] =	vst.idx.msk $0xffff, v60  }
0x272: {  	[tilespmem:v35+s28+$0x0] =	vst.idx.msk $0xffff, v61  }
0x273: {  	s5 =	sadd.s32 @!p1 $0x380, s14;
	s10 =	simm.s32 @!p1 $0x80;
	s14 =	simm.s32 @!p1 $0xC400;
	[tilespmem:v63+s28+$0x0] =	vst.idx.msk $0xffff, v62  }
0x274: {  	[tilespmem:s14], [sflag:$0x4] =	stream.indirect.gather @!p1 [hbm4b:s4+s10], $0x40, s5, s10, $0xb8;
	[tilespmem:$0x17400] =	vst v63  }
0x275: {  	s19 =	simm.s32 $0x15000;
	s10 =	sadd.s32 s15, s9  }
0x276: {  	[hbm4b:s10+s3] =	stream.linear.scatter [tilespmem:s19], [sflag:$0x8], $0x80, $0x38;
	[tilespmem:$0x17400] =	vst v63  }
0x277: {  	s14 =	simm.s32 $0x15090;
	s15 =	sadd.s32 $0x10, s10  }
0x278: {  	[hbm4b:s15+s3] =	stream.linear.scatter [tilespmem:s14], [sflag:$0x8], $0x80, $0x38;
	[tilespmem:$0x17400] =	vst v63  }
0x279: {  	s16 =	simm.s32 $0x15120;
	s18 =	simm.s32 $0x151B0;
	s17 =	sadd.s32 $0x20, s10  }
0x27a: {  	[hbm4b:s17+s3] =	stream.linear.scatter [tilespmem:s16], [sflag:$0x8], $0x80, $0x38;
	[tilespmem:$0x17400] =	vst v63  }
0x27b: {  	s5 =	sadd.s32 $0x70, s10;
	s19 =	sadd.s32 $0x30, s10;
	s14 =	simm.s32 $0x15240  }
0x27c: {  	[hbm4b:s19+s3] =	stream.linear.scatter [tilespmem:s18], [sflag:$0x8], $0x80, $0x38;
	[tilespmem:$0x17400] =	vst v63  }
0x27d: {  	s15 =	sadd.s32 $0x40, s10;
	s16 =	simm.s32 $0x152D0;
	s17 =	sadd.s32 $0x50, s10  }
0x27e: {  	[hbm4b:s15+s3] =	stream.linear.scatter [tilespmem:s14], [sflag:$0x8], $0x80, $0x38;
	[tilespmem:$0x17400] =	vst v63  }
0x27f: {  	s18 =	simm.s32 $0x15360;
	s19 =	sadd.s32 $0x60, s10;
	s14 =	simm.s32 $0x480  }
0x280: {  	[hbm4b:s17+s3] =	stream.linear.scatter [tilespmem:s16], [sflag:$0x8], $0x80, $0x38;
	[tilespmem:$0x17400] =	vst v63  }
0x281: {  	s15 =	sadd.s32 $0x1000, s10;
	s16 =	simm.s32 $0x2400;
	s17 =	simm.s32 $0x153F0  }
0x282: {  	[hbm4b:s19+s3] =	stream.linear.scatter [tilespmem:s18], [sflag:$0x8], $0x80, $0x38;
	[tilespmem:$0x17400] =	vst v63  }
.LBB2_17:
0x283: {  	[hbm4b:s5+s3] =	stream.linear.scatter [tilespmem:s17], [sflag:$0x8], $0x80, $0x38;
	[tilespmem:$0x17400] =	vst v63  }
0x284: {  	s5 =	smov.u32 s14;
	s10 =	smov.u32 s16  }
0x285: {  	s14 =	sshra.s32 s10, $0x2;
	s10 =	sadd.s32 $0x1200, s16;
	s17 =	sadd.s32 $0x15000, s5  }
0x286: {  	[hbm4b:s15+s3] =	stream.linear.scatter [tilespmem:s17], [sflag:$0x8], $0x80, $0x38;
	[tilespmem:$0x17400] =	vst v63  }
0x287: {  	p0 =	sne.s32 s16, $0x7E00;
	s16 =	sadd.s32 $0x15090, s5;
	s17 =	sadd.s32 $0x10, s15  }
0x288: {  	[hbm4b:s17+s3] =	stream.linear.scatter [tilespmem:s16], [sflag:$0x8], $0x80, $0x38;
	[tilespmem:$0x17400] =	vst v63  }
0x289: {  	s16 =	sadd.s32 $0x15120, s5;
	s17 =	sadd.s32 $0x20, s15  }
0x28a: {  	[hbm4b:s17+s3] =	stream.linear.scatter [tilespmem:s16], [sflag:$0x8], $0x80, $0x38;
	[tilespmem:$0x17400] =	vst v63  }
0x28b: {  	s16 =	sadd.s32 $0x151B0, s5;
	s17 =	sadd.s32 $0x30, s15  }
0x28c: {  	[hbm4b:s17+s3] =	stream.linear.scatter [tilespmem:s16], [sflag:$0x8], $0x80, $0x38;
	[tilespmem:$0x17400] =	vst v63  }
0x28d: {  	s16 =	sadd.s32 $0x15240, s5;
	s17 =	sadd.s32 $0x40, s15  }
0x28e: {  	[hbm4b:s17+s3] =	stream.linear.scatter [tilespmem:s16], [sflag:$0x8], $0x80, $0x38;
	[tilespmem:$0x17400] =	vst v63  }
0x28f: {  	s16 =	sadd.s32 $0x152D0, s5;
	s17 =	sadd.s32 $0x50, s15  }
0x290: {  	[hbm4b:s17+s3] =	stream.linear.scatter [tilespmem:s16], [sflag:$0x8], $0x80, $0x38;
	[tilespmem:$0x17400] =	vst v63  }
.Ltmp7:
0x291: {  	_ = 	snop;
	(pc) =	sbr.rel @p0 .LBB2_17-.Ltmp7, $4  }
0x292: {  	s16 =	sadd.s32 $0x15360, s5;
	s17 =	sadd.s32 $0x60, s15  }
0x293: {  	[hbm4b:s17+s3] =	stream.linear.scatter [tilespmem:s16], [sflag:$0x8], $0x80, $0x38;
	[tilespmem:$0x17400] =	vst v63  }
0x294: {  	s17 =	sadd.s32 $0x153F0, s5  }
0x295: {  	s5 =	sadd.s32 $0x70, s15;
	s15 =	sadd.s32 $0x1000, s15;
	s16 =	smov.u32 s10  }
0x296: {  	[hbm4b:s5+s3] =	stream.linear.scatter [tilespmem:s17], [sflag:$0x8], $0x80, $0x38;
	[tilespmem:$0x17400] =	vst v63  }
0x297: {  	s18 =	sadd.s32 $0x15000, s14  }
0x298: {  	[hbm4b:s15+s3] =	stream.linear.scatter [tilespmem:s18], [sflag:$0x8], $0x80, $0x38;
	[tilespmem:$0x17400] =	vst v63  }
0x299: {  	s19 =	sadd.s32 $0x15090, s14;
	s10 =	sadd.s32 $0x10, s15  }
0x29a: {  	[hbm4b:s10+s3] =	stream.linear.scatter [tilespmem:s19], [sflag:$0x8], $0x80, $0x38;
	[tilespmem:$0x17400] =	vst v63  }
0x29b: {  	s16 =	sadd.s32 $0x15120, s14;
	s17 =	sadd.s32 $0x20, s15  }
0x29c: {  	[hbm4b:s17+s3] =	stream.linear.scatter [tilespmem:s16], [sflag:$0x8], $0x80, $0x38;
	[tilespmem:$0x17400] =	vst v63  }
0x29d: {  	s18 =	sadd.s32 $0x151B0, s14;
	s19 =	sadd.s32 $0x30, s15  }
0x29e: {  	[hbm4b:s19+s3] =	stream.linear.scatter [tilespmem:s18], [sflag:$0x8], $0x80, $0x38;
	[tilespmem:$0x17400] =	vst v63  }
0x29f: {  	s12 =	sadd.s32 $0x1, s12;
	s16 =	sadd.s32 $0x15240, s14;
	s17 =	sadd.s32 $0x40, s15  }
0x2a0: {  	[hbm4b:s17+s3] =	stream.linear.scatter [tilespmem:s16], [sflag:$0x8], $0x80, $0x38;
	[tilespmem:$0x17400] =	vst v63  }
0x2a1: {  	p0 =	sne.s32 s12, $0x32;
	s18 =	sadd.s32 $0x152D0, s14;
	s19 =	sadd.s32 $0x50, s15  }
0x2a2: {  	[hbm4b:s19+s3] =	stream.linear.scatter [tilespmem:s18], [sflag:$0x8], $0x80, $0x38;
	[tilespmem:$0x17400] =	vst v63  }
.Ltmp8:
0x2a3: {  	_ = 	snop;
	(pc) =	sbr.rel @p0 .LBB2_2-.Ltmp8, $4  }
0x2a4: {  	s16 =	sadd.s32 $0x15360, s14;
	s17 =	sadd.s32 $0x60, s15  }
0x2a5: {  	[hbm4b:s17+s3] =	stream.linear.scatter [tilespmem:s16], [sflag:$0x8], $0x80, $0x38;
	[tilespmem:$0x17400] =	vst v63  }
0x2a6: {  	s18 =	sadd.s32 $0x153F0, s14;
	s19 =	sadd.s32 $0x70, s15  }
0x2a7: {  	[hbm4b:s19+s3] =	stream.linear.scatter [tilespmem:s18], [sflag:$0x8], $0x80, $0x38;
	[tilespmem:$0x17400] =	vst v63  }
0x2a8: {  	_ =	swait.ge [sflag:s29], $0x2000  }
0x2a9: {  	[sflag:s29] =	ssyncset.done $0x0  }
0x2aa: {  	[sflag:s29] =	ssyncadd.s32 $0xFFFFE000  }
0x2ab: {  	_ =	swait.ge [sflag:s30], $0x2000  }
0x2ac: {  	[sflag:s30] =	ssyncset.done $0x0  }
0x2ad: {  	[sflag:s30] =	ssyncadd.s32 $0xFFFFE000  }
0x2ae: {  	_ =	swait.ge [sflag:s31], $0x2000  }
0x2af: {  	[sflag:s31] =	ssyncset.done $0x0  }
0x2b0: {  	[sflag:s31] =	ssyncadd.s32 $0xFFFFE000  }
0x2b1: {  	_ =	swait.ge [sflag:s1], $0x2000  }
0x2b2: {  	s0 =	sadd.s32 $0x1, s0;
	s5 =	rddreg [dreg:$0x4]  }
0x2b3: {  	p0 =	sne.s32 s0, s5  }
.Ltmp9:
0x2b4: {  	_ = 	snop;
	(pc) =	sbr.rel @p0 .LBB2_1-.Ltmp9, $3  }
0x2b5: {  	_ =	sdelay $0x1  }
0x2b6: {  	[sflag:s1] =	ssyncset.done $0x0  }
0x2b7: {  	[sflag:s1] =	ssyncadd.s32 $0xFFFFE000  }
0x2b8: {  	_ =	sfence.sel $0x180000  }
0x2b9: {  	[bflag:$0x0] =	sbarrier.arrive $0xFFFF  }
0x2ba: {  	_ =	strace $0x90000047  }
0x2bb: {  	s0 =	stileid.u32;
	[bflag:$0x2] =	sbarrier.arrive $0xFFFF  }
0x2bc: {  	p0 =	sne.s32 s0, $0x0;
	s0 =	rddreg [dreg:$0x2]  }
0x2bd: {  	s0 =	sadd.s32 @!p0 $0x100000, s0  }
0x2be: {  	[sflag:s0] =	ssyncadd.tile.s32 @!p0 $0x1;
	_ =	shalt  }
.Lfunc_end2:
_tile_overlayer_lowered:
.L_overlay_start_2:
0x2bf: {  	(tag) =	ssettag $0x2  }
0x2c0: {  	s0 =	rddreg [dreg:$0x0];
	s2 =	stileid.u32  }
0x2c1: {  	s1 =	rddreg [dreg:$0x1];
	p0 =	sne.s32 s2, $0x0  }
0x2c2: {  	s3 =	rddreg [dreg:$0x2];
	[bflag:$0x3] =	sbarrier.arrive $0xFFFF;
	s2 =	simm.s32 @!p0 $0x1C09  }
0x2c3: {  	[timem:s3], [sflag:s2] =	dma.local @!p0 [hbm:s0], s1  }
0x2c4: {  	s0 =	simm.s32 @!p0 $0x9  }
0x2c5: {  	_ =	swait.ge @!p0 [sflag:s0], s1  }
0x2c6: {  	s1 =	ssub.s32 @!p0 $0x0, s1;
	[sflag:s0] =	ssyncset.done @!p0 $0x0  }
0x2c7: {  	[sflag:s0] =	ssyncadd.s32 @!p0 s1  }
0x2c8: {  	[bflag:$0x3] =	sbarrier.arrive $0xFFFF  }
0x2c9: {  	_ =	shalt  }

</sc_bundles>
